<compile_context>
chip_gen: v7x
topology: tpu7x:2x2x1
jax: 0.10.2.dev20260603
libtpu: 0.0.44.dev20260713+nightly
codegen_flags: <defaults>
</compile_context>

<pallas_src>
import functools

import jax
import jax.numpy as jnp
from jax import lax
from jax.experimental import pallas as pl
from jax.experimental.pallas import tpu as pltpu
from jax.experimental.pallas import tpu_sc as plsc

_D = 128
_CHUNK = 128
_NW = 32
_NB = 6


def _gather_body(nchunks, tail, x_hbm, idx_hbm, out_hbm, *refs):
  ibuf = refs[0]
  rows = refs[1:1 + _NB]
  gsem = refs[1 + _NB:1 + 2 * _NB]
  hsem = refs[1 + 2 * _NB:1 + 3 * _NB]
  ssem = refs[1 + 3 * _NB:1 + 4 * _NB]

  big = (nchunks + _NW - 1) // _NW
  cut = nchunks - (big - 1) * _NW

  w = lax.axis_index("s") * 2 + lax.axis_index("c")
  nj = jnp.where(w < cut, big, big - 1)
  base_chunk = jnp.where(w < cut, w * big, cut * big + (w - cut) * (big - 1))

  last_nj = big if (_NW - 1) < cut else big - 1
  if tail == _CHUNK:
    @pl.when(w < cut)
    def _sa():
      pltpu.sync_copy(idx_hbm.at[pl.ds(base_chunk * _CHUNK, big * _CHUNK)],
                      ibuf)
    if cut < _NW:
      @pl.when(w >= cut)
      def _sb():
        pltpu.sync_copy(
            idx_hbm.at[pl.ds(base_chunk * _CHUNK, (big - 1) * _CHUNK)],
            ibuf.at[pl.ds(0, (big - 1) * _CHUNK)])
  else:
    main = (last_nj - 1) * _CHUNK

    @pl.when(jnp.logical_and(w < cut, w != _NW - 1))
    def _sa():
      pltpu.sync_copy(idx_hbm.at[pl.ds(base_chunk * _CHUNK, big * _CHUNK)],
                      ibuf)
    if cut < _NW - 1:
      @pl.when(jnp.logical_and(w >= cut, w != _NW - 1))
      def _sb():
        pltpu.sync_copy(
            idx_hbm.at[pl.ds(base_chunk * _CHUNK, (big - 1) * _CHUNK)],
            ibuf.at[pl.ds(0, (big - 1) * _CHUNK)])

    @pl.when(w == _NW - 1)
    def _sc():
      pltpu.sync_copy(idx_hbm.at[pl.ds(base_chunk * _CHUNK, main)],
                      ibuf.at[pl.ds(0, main)])
      pltpu.sync_copy(idx_hbm.at[pl.ds(base_chunk * _CHUNK + main, tail)],
                      ibuf.at[pl.ds(main, tail)])
      z = jnp.zeros((16,), jnp.int32)
      for g in range((_CHUNK - tail) // 16):
        ibuf[pl.ds(main + tail + g * 16, 16)] = z

  _H = _CHUNK // 2

  def start_gather(j, p):
    pltpu.async_copy(
        x_hbm.at[ibuf.at[pl.ds(j * _CHUNK, _H)]],
        rows[p].at[pl.ds(0, _H)], gsem[p])
    pltpu.async_copy(
        x_hbm.at[ibuf.at[pl.ds(j * _CHUNK + _H, _H)]],
        rows[p].at[pl.ds(_H, _H)], hsem[p])

  def wait_gather(p):
    pltpu.make_async_copy(
        x_hbm.at[ibuf.at[pl.ds(0, _H)]],
        rows[p].at[pl.ds(0, _H)], gsem[p]).wait()
    pltpu.make_async_copy(
        x_hbm.at[ibuf.at[pl.ds(0, _H)]],
        rows[p].at[pl.ds(_H, _H)], hsem[p]).wait()

  def start_store(j, p):
    gc = base_chunk + j
    if tail == _CHUNK:
      pltpu.async_copy(rows[p], out_hbm.at[pl.ds(gc * _CHUNK, _CHUNK)], ssem[p])
    else:
      @pl.when(gc == nchunks - 1)
      def _t():
        pltpu.async_copy(rows[p].at[pl.ds(0, tail)],
                         out_hbm.at[pl.ds(gc * _CHUNK, tail)], ssem[p])

      @pl.when(gc != nchunks - 1)
      def _f():
        pltpu.async_copy(rows[p], out_hbm.at[pl.ds(gc * _CHUNK, _CHUNK)],
                         ssem[p])

  def wait_store(p, is_tail):
    n = tail if is_tail else _CHUNK
    pltpu.make_async_copy(rows[p].at[pl.ds(0, n)],
                          out_hbm.at[pl.ds(0, n)], ssem[p]).wait()

  for p in range(_NB - 1):
    @pl.when(p < nj)
    def _prime(p=p):
      start_gather(p, p)

  nrounds = (nj + _NB - 1) // _NB

  @pl.loop(0, nrounds)
  def _round(r):
    for p in range(_NB):
      j = r * _NB + p

      @pl.when(j < nj)
      def _body(j=j, p=p):
        pm1 = (p - 1) % _NB

        @pl.when(j >= 1)
        def _drain_prev():
          wait_store(pm1, False)

        @pl.when(j + _NB - 1 < nj)
        def _prefetch():
          start_gather(j + _NB - 1, pm1)

        wait_gather(p)
        start_store(j, p)

  last_p = lax.rem(nj - 1, _NB)
  last_is_tail = (base_chunk + nj - 1) == (nchunks - 1)
  for p in range(_NB):
    @pl.when(last_p == p)
    def _drain_last(p=p):
      if tail == _CHUNK:
        wait_store(p, False)
      else:
        @pl.when(last_is_tail)
        def _t():
          wait_store(p, True)

        @pl.when(jnp.logical_not(last_is_tail))
        def _f():
          wait_store(p, False)


@functools.partial(jax.jit, static_argnums=(2, 3, 4))
def _gather(x, idx_pad, n_out, nchunks, tail):
  big = (nchunks + _NW - 1) // _NW
  mesh = plsc.VectorSubcoreMesh(core_axis_name="c", subcore_axis_name="s")
  run = pl.kernel(
      functools.partial(_gather_body, nchunks, tail),
      out_type=jax.ShapeDtypeStruct((n_out, _D), jnp.float32),
      mesh=mesh,
      scratch_types=[pltpu.VMEM((big * _CHUNK,), jnp.int32)]
      + [pltpu.VMEM((_CHUNK, _D), jnp.float32) for _ in range(_NB)]
      + [pltpu.SemaphoreType.DMA for _ in range(3 * _NB)],
  )
  return run(x, idx_pad)


def kernel(x, upsample_inds):
  n_out = upsample_inds.shape[0]
  idx = upsample_inds[:, 0].astype(jnp.int32)
  nchunks = (n_out + _CHUNK - 1) // _CHUNK
  tail = n_out - (nchunks - 1) * _CHUNK
  return _gather(x, idx, n_out, nchunks, tail)

# --- scband reference (transcript-rebuilt; emitter-appended) ---
"""Pipeline reference for scband-nearest-upsample-block-3444563772234 (READ-ONLY COPY).

The authoritative reference and input builder live on the scoring server;
editing this copy changes nothing except your own understanding.
"""

import jax, jax.numpy as jnp
import numpy as np


def setup_inputs(seed: int = 0) -> dict:
    key = jax.random.key(seed)
    k1, k2 = jax.random.split(key)
    x = jax.random.normal(k1, (100000, 128), dtype=jnp.float32)
    upsample_inds = jax.random.randint(k2, (200000, 16), 0, 100000, dtype=jnp.int64 if jax.config.jax_enable_x64 else jnp.int32)
    return {"x": x, "upsample_inds": upsample_inds}


def reference(x, upsample_inds):
    # local_nearest_pool: append a zero "shadow" row, then gather nearest neighbor (column 0)
    x_pad = jnp.concatenate([x, jnp.zeros_like(x[:1, :])], axis=0)
    inds0 = upsample_inds[:, 0]
    # index_select along dim 0 with 1-D indices -> plain gather
    out = jnp.take(x_pad, inds0, axis=0)
    return out

if __name__ == "__main__":
    import jax
    _d = setup_inputs()
    print(jax.jit(kernel)(*tuple(_d.values())))

</pallas_src>

<mosaic_0001>
#map = affine_map<(d0, d1) -> (0, 0)>
#map1 = affine_map<(d0, d1) -> (0)>
module attributes {stable_mosaic.version = 14 : i64} {
  func.func @_gather_body(%arg0: i32, %arg1: i32, %arg2: memref<100000x128xf32, #tpu.memory_space<hbm>>, %arg3: memref<200000xi32, #tpu.memory_space<hbm>>, %arg4: memref<200000x128xf32, #tpu.memory_space<hbm>>, %arg5: memref<6272xi32, #tpu.memory_space<vmem>>, %arg6: memref<128x128xf32, #tpu.memory_space<vmem>>, %arg7: memref<128x128xf32, #tpu.memory_space<vmem>>, %arg8: memref<128x128xf32, #tpu.memory_space<vmem>>, %arg9: memref<128x128xf32, #tpu.memory_space<vmem>>, %arg10: memref<128x128xf32, #tpu.memory_space<vmem>>, %arg11: memref<128x128xf32, #tpu.memory_space<vmem>>, %arg12: memref<!tpu.dma_semaphore, #tpu.memory_space<semaphore_mem>>, %arg13: memref<!tpu.dma_semaphore, #tpu.memory_space<semaphore_mem>>, %arg14: memref<!tpu.dma_semaphore, #tpu.memory_space<semaphore_mem>>, %arg15: memref<!tpu.dma_semaphore, #tpu.memory_space<semaphore_mem>>, %arg16: memref<!tpu.dma_semaphore, #tpu.memory_space<semaphore_mem>>, %arg17: memref<!tpu.dma_semaphore, #tpu.memory_space<semaphore_mem>>, %arg18: memref<!tpu.dma_semaphore, #tpu.memory_space<semaphore_mem>>, %arg19: memref<!tpu.dma_semaphore, #tpu.memory_space<semaphore_mem>>, %arg20: memref<!tpu.dma_semaphore, #tpu.memory_space<semaphore_mem>>, %arg21: memref<!tpu.dma_semaphore, #tpu.memory_space<semaphore_mem>>, %arg22: memref<!tpu.dma_semaphore, #tpu.memory_space<semaphore_mem>>, %arg23: memref<!tpu.dma_semaphore, #tpu.memory_space<semaphore_mem>>, %arg24: memref<!tpu.dma_semaphore, #tpu.memory_space<semaphore_mem>>, %arg25: memref<!tpu.dma_semaphore, #tpu.memory_space<semaphore_mem>>, %arg26: memref<!tpu.dma_semaphore, #tpu.memory_space<semaphore_mem>>, %arg27: memref<!tpu.dma_semaphore, #tpu.memory_space<semaphore_mem>>, %arg28: memref<!tpu.dma_semaphore, #tpu.memory_space<semaphore_mem>>, %arg29: memref<!tpu.dma_semaphore, #tpu.memory_space<semaphore_mem>>) attributes {dimension_semantics = [#tpu.dimension_semantics<core_parallel>, #tpu.dimension_semantics<subcore_parallel>], iteration_bounds = array<i64: 2, 16>, scalar_prefetch = 0 : i64, scratch_operands = 25 : i64, tpu.core_type = #tpu.core_type<sc_vector_subcore>, window_params = [{transform_indices = #map}, {transform_indices = #map1}, {transform_indices = #map}]} {
    %mul3A = arith.constant 2 : i32
    %mul3A_0 = arith.muli %arg1, %mul3A : i32
    %add3A = arith.addi %mul3A_0, %arg0 : i32
    %lt3A = arith.constant 27 : i32
    %lt3A_1 = arith.cmpi slt, %add3A, %lt3A : i32
    %jit3A = arith.constant 49 : i32
    %jit3A_2 = arith.constant 48 : i32
    %select_n3A = arith.select %lt3A_1, %jit3A, %jit3A_2 : i32
    %lt3A_3 = arith.constant 27 : i32
    %lt3A_4 = arith.cmpi slt, %add3A, %lt3A_3 : i32
    %mul3A_5 = arith.constant 49 : i32
    %mul3A_6 = arith.muli %add3A, %mul3A_5 : i32
    %sub3A = arith.constant 27 : i32
    %sub3A_7 = arith.subi %add3A, %sub3A : i32
    %mul3A_8 = arith.constant 48 : i32
    %mul3A_9 = arith.muli %sub3A_7, %mul3A_8 : i32
    %add3A_10 = arith.constant 1323 : i32
    %add3A_11 = arith.addi %add3A_10, %mul3A_9 : i32
    %select_n3A_12 = arith.select %lt3A_4, %mul3A_6, %add3A_11 : i32
    %lt3A_13 = arith.constant 27 : i32
    %lt3A_14 = arith.cmpi slt, %add3A, %lt3A_13 : i32
    %ne3A = arith.constant 31 : i32
    %ne3A_15 = arith.cmpi ne, %add3A, %ne3A : i32
    %and3A = arith.andi %lt3A_14, %ne3A_15 : i1
    %convert_element_type3A = arith.extui %and3A : i1 to i32
    %cond3A = arith.constant 0 : i32
    %cond3A_16 = arith.cmpi ne, %convert_element_type3A, %cond3A : i32
    scf.if %cond3A_16 {
      %mul3A_134 = arith.constant 128 : i32
      %mul3A_135 = arith.muli %select_n3A_12, %mul3A_134 : i32
      "tpu.region"() ({
        %run_scoped3A = tpu.sem_alloc : memref<!tpu.dma_semaphore, #tpu.memory_space<semaphore_mem>>
        %dma_start3A = tpu.memref_slice %arg3[%mul3A_135] : memref<200000xi32, #tpu.memory_space<hbm>> -> memref<6272xi32, #tpu.memory_space<hbm>>
        %dma_start3A_136 = tpu.memref_slice %arg3[%mul3A_135] : memref<200000xi32, #tpu.memory_space<hbm>> -> memref<6272xi32, #tpu.memory_space<hbm>>
        tpu.enqueue_dma source(%dma_start3A_136 : memref<6272xi32, #tpu.memory_space<hbm>>) target(%arg5 : memref<6272xi32, #tpu.memory_space<vmem>>) target_semaphore(%run_scoped3A : memref<!tpu.dma_semaphore, #tpu.memory_space<semaphore_mem>>)
        %dma_wait3A = tpu.memref_slice %arg3[%mul3A_135] : memref<200000xi32, #tpu.memory_space<hbm>> -> memref<6272xi32, #tpu.memory_space<hbm>>
        %dma_wait3A_137 = tpu.memref_slice %arg3[%mul3A_135] : memref<200000xi32, #tpu.memory_space<hbm>> -> memref<6272xi32, #tpu.memory_space<hbm>>
        tpu.wait_dma2 semaphore(%run_scoped3A : memref<!tpu.dma_semaphore, #tpu.memory_space<semaphore_mem>>) src(%dma_wait3A_137 : memref<6272xi32, #tpu.memory_space<hbm>>) dst(%arg5 : memref<6272xi32, #tpu.memory_space<vmem>>)
        tpu.yield
      }) : () -> ()
    } else {
    }
    %ge3A = arith.constant 27 : i32
    %ge3A_17 = arith.cmpi sge, %add3A, %ge3A : i32
    %ne3A_18 = arith.constant 31 : i32
    %ne3A_19 = arith.cmpi ne, %add3A, %ne3A_18 : i32
    %and3A_20 = arith.andi %ge3A_17, %ne3A_19 : i1
    %convert_element_type3A_21 = arith.extui %and3A_20 : i1 to i32
    %cond3A_22 = arith.constant 0 : i32
    %cond3A_23 = arith.cmpi ne, %convert_element_type3A_21, %cond3A_22 : i32
    scf.if %cond3A_23 {
      %mul3A_134 = arith.constant 128 : i32
      %mul3A_135 = arith.muli %select_n3A_12, %mul3A_134 : i32
      "tpu.region"() ({
        %run_scoped3A = tpu.sem_alloc : memref<!tpu.dma_semaphore, #tpu.memory_space<semaphore_mem>>
        %dma_start3A = arith.constant 0 : i32
        %dma_start3A_136 = tpu.memref_slice %arg5[%dma_start3A] : memref<6272xi32, #tpu.memory_space<vmem>> -> memref<6144xi32, #tpu.memory_space<vmem>>
        %dma_start3A_137 = tpu.memref_slice %arg3[%mul3A_135] : memref<200000xi32, #tpu.memory_space<hbm>> -> memref<6144xi32, #tpu.memory_space<hbm>>
        %dma_start3A_138 = arith.constant 0 : i32
        %dma_start3A_139 = tpu.memref_slice %arg5[%dma_start3A_138] : memref<6272xi32, #tpu.memory_space<vmem>> -> memref<6144xi32, #tpu.memory_space<vmem>>
        %dma_start3A_140 = tpu.memref_slice %arg3[%mul3A_135] : memref<200000xi32, #tpu.memory_space<hbm>> -> memref<6144xi32, #tpu.memory_space<hbm>>
        tpu.enqueue_dma source(%dma_start3A_140 : memref<6144xi32, #tpu.memory_space<hbm>>) target(%dma_start3A_139 : memref<6144xi32, #tpu.memory_space<vmem>>) target_semaphore(%run_scoped3A : memref<!tpu.dma_semaphore, #tpu.memory_space<semaphore_mem>>)
        %dma_wait3A = arith.constant 0 : i32
        %dma_wait3A_141 = tpu.memref_slice %arg5[%dma_wait3A] : memref<6272xi32, #tpu.memory_space<vmem>> -> memref<6144xi32, #tpu.memory_space<vmem>>
        %dma_wait3A_142 = tpu.memref_slice %arg3[%mul3A_135] : memref<200000xi32, #tpu.memory_space<hbm>> -> memref<6144xi32, #tpu.memory_space<hbm>>
        %dma_wait3A_143 = arith.constant 0 : i32
        %dma_wait3A_144 = tpu.memref_slice %arg5[%dma_wait3A_143] : memref<6272xi32, #tpu.memory_space<vmem>> -> memref<6144xi32, #tpu.memory_space<vmem>>
        %dma_wait3A_145 = tpu.memref_slice %arg3[%mul3A_135] : memref<200000xi32, #tpu.memory_space<hbm>> -> memref<6144xi32, #tpu.memory_space<hbm>>
        tpu.wait_dma2 semaphore(%run_scoped3A : memref<!tpu.dma_semaphore, #tpu.memory_space<semaphore_mem>>) src(%dma_wait3A_145 : memref<6144xi32, #tpu.memory_space<hbm>>) dst(%dma_wait3A_144 : memref<6144xi32, #tpu.memory_space<vmem>>)
        tpu.yield
      }) : () -> ()
    } else {
    }
    %eq3A = arith.constant 31 : i32
    %eq3A_24 = arith.cmpi eq, %add3A, %eq3A : i32
    %convert_element_type3A_25 = arith.extui %eq3A_24 : i1 to i32
    %cond3A_26 = arith.constant 0 : i32
    %cond3A_27 = arith.cmpi ne, %convert_element_type3A_25, %cond3A_26 : i32
    scf.if %cond3A_27 {
      %mul3A_134 = arith.constant 128 : i32
      %mul3A_135 = arith.muli %select_n3A_12, %mul3A_134 : i32
      "tpu.region"() ({
        %run_scoped3A = tpu.sem_alloc : memref<!tpu.dma_semaphore, #tpu.memory_space<semaphore_mem>>
        %dma_start3A = arith.constant 0 : i32
        %dma_start3A_156 = tpu.memref_slice %arg5[%dma_start3A] : memref<6272xi32, #tpu.memory_space<vmem>> -> memref<6016xi32, #tpu.memory_space<vmem>>
        %dma_start3A_157 = tpu.memref_slice %arg3[%mul3A_135] : memref<200000xi32, #tpu.memory_space<hbm>> -> memref<6016xi32, #tpu.memory_space<hbm>>
        %dma_start3A_158 = arith.constant 0 : i32
        %dma_start3A_159 = tpu.memref_slice %arg5[%dma_start3A_158] : memref<6272xi32, #tpu.memory_space<vmem>> -> memref<6016xi32, #tpu.memory_space<vmem>>
        %dma_start3A_160 = tpu.memref_slice %arg3[%mul3A_135] : memref<200000xi32, #tpu.memory_space<hbm>> -> memref<6016xi32, #tpu.memory_space<hbm>>
        tpu.enqueue_dma source(%dma_start3A_160 : memref<6016xi32, #tpu.memory_space<hbm>>) target(%dma_start3A_159 : memref<6016xi32, #tpu.memory_space<vmem>>) target_semaphore(%run_scoped3A : memref<!tpu.dma_semaphore, #tpu.memory_space<semaphore_mem>>)
        %dma_wait3A = arith.constant 0 : i32
        %dma_wait3A_161 = tpu.memref_slice %arg5[%dma_wait3A] : memref<6272xi32, #tpu.memory_space<vmem>> -> memref<6016xi32, #tpu.memory_space<vmem>>
        %dma_wait3A_162 = tpu.memref_slice %arg3[%mul3A_135] : memref<200000xi32, #tpu.memory_space<hbm>> -> memref<6016xi32, #tpu.memory_space<hbm>>
        %dma_wait3A_163 = arith.constant 0 : i32
        %dma_wait3A_164 = tpu.memref_slice %arg5[%dma_wait3A_163] : memref<6272xi32, #tpu.memory_space<vmem>> -> memref<6016xi32, #tpu.memory_space<vmem>>
        %dma_wait3A_165 = tpu.memref_slice %arg3[%mul3A_135] : memref<200000xi32, #tpu.memory_space<hbm>> -> memref<6016xi32, #tpu.memory_space<hbm>>
        tpu.wait_dma2 semaphore(%run_scoped3A : memref<!tpu.dma_semaphore, #tpu.memory_space<semaphore_mem>>) src(%dma_wait3A_165 : memref<6016xi32, #tpu.memory_space<hbm>>) dst(%dma_wait3A_164 : memref<6016xi32, #tpu.memory_space<vmem>>)
        tpu.yield
      }) : () -> ()
      %mul3A_136 = arith.constant 128 : i32
      %mul3A_137 = arith.muli %select_n3A_12, %mul3A_136 : i32
      %add3A_138 = arith.constant 6016 : i32
      %add3A_139 = arith.addi %mul3A_137, %add3A_138 : i32
      "tpu.region"() ({
        %run_scoped3A = tpu.sem_alloc : memref<!tpu.dma_semaphore, #tpu.memory_space<semaphore_mem>>
        %dma_start3A = arith.constant 6016 : i32
        %dma_start3A_156 = tpu.memref_slice %arg5[%dma_start3A] : memref<6272xi32, #tpu.memory_space<vmem>> -> memref<64xi32, #tpu.memory_space<vmem>>
        %dma_start3A_157 = tpu.memref_slice %arg3[%add3A_139] : memref<200000xi32, #tpu.memory_space<hbm>> -> memref<64xi32, #tpu.memory_space<hbm>>
        %dma_start3A_158 = arith.constant 6016 : i32
        %dma_start3A_159 = tpu.memref_slice %arg5[%dma_start3A_158] : memref<6272xi32, #tpu.memory_space<vmem>> -> memref<64xi32, #tpu.memory_space<vmem>>
        %dma_start3A_160 = tpu.memref_slice %arg3[%add3A_139] : memref<200000xi32, #tpu.memory_space<hbm>> -> memref<64xi32, #tpu.memory_space<hbm>>
        tpu.enqueue_dma source(%dma_start3A_160 : memref<64xi32, #tpu.memory_space<hbm>>) target(%dma_start3A_159 : memref<64xi32, #tpu.memory_space<vmem>>) target_semaphore(%run_scoped3A : memref<!tpu.dma_semaphore, #tpu.memory_space<semaphore_mem>>)
        %dma_wait3A = arith.constant 6016 : i32
        %dma_wait3A_161 = tpu.memref_slice %arg5[%dma_wait3A] : memref<6272xi32, #tpu.memory_space<vmem>> -> memref<64xi32, #tpu.memory_space<vmem>>
        %dma_wait3A_162 = tpu.memref_slice %arg3[%add3A_139] : memref<200000xi32, #tpu.memory_space<hbm>> -> memref<64xi32, #tpu.memory_space<hbm>>
        %dma_wait3A_163 = arith.constant 6016 : i32
        %dma_wait3A_164 = tpu.memref_slice %arg5[%dma_wait3A_163] : memref<6272xi32, #tpu.memory_space<vmem>> -> memref<64xi32, #tpu.memory_space<vmem>>
        %dma_wait3A_165 = tpu.memref_slice %arg3[%add3A_139] : memref<200000xi32, #tpu.memory_space<hbm>> -> memref<64xi32, #tpu.memory_space<hbm>>
        tpu.wait_dma2 semaphore(%run_scoped3A : memref<!tpu.dma_semaphore, #tpu.memory_space<semaphore_mem>>) src(%dma_wait3A_165 : memref<64xi32, #tpu.memory_space<hbm>>) dst(%dma_wait3A_164 : memref<64xi32, #tpu.memory_space<vmem>>)
        tpu.yield
      }) : () -> ()
      %broadcast_in_dim3A = arith.constant 0 : i32
      %broadcast_in_dim3A_140 = vector.broadcast %broadcast_in_dim3A : i32 to vector<16xi32>
      %swap3A = arith.constant 6080 : index
      %swap3A_141 = tpu.vector_load %arg5[%swap3A] {strides = array<i32>} : memref<6272xi32, #tpu.memory_space<vmem>>, vector<16xi32>,
      %swap3A_142 = vector.shape_cast %swap3A_141 : vector<16xi32> to vector<16xi32>
      %swap3A_143 = vector.shape_cast %broadcast_in_dim3A_140 : vector<16xi32> to vector<16xi32>
      tpu.vector_store %arg5[%swap3A], %swap3A_143 {strides = array<i32>} : memref<6272xi32, #tpu.memory_space<vmem>>, vector<16xi32>,
      %swap3A_144 = arith.constant 6096 : index
      %swap3A_145 = tpu.vector_load %arg5[%swap3A_144] {strides = array<i32>} : memref<6272xi32, #tpu.memory_space<vmem>>, vector<16xi32>,
      %swap3A_146 = vector.shape_cast %swap3A_145 : vector<16xi32> to vector<16xi32>
      %swap3A_147 = vector.shape_cast %broadcast_in_dim3A_140 : vector<16xi32> to vector<16xi32>
      tpu.vector_store %arg5[%swap3A_144], %swap3A_147 {strides = array<i32>} : memref<6272xi32, #tpu.memory_space<vmem>>, vector<16xi32>,
      %swap3A_148 = arith.constant 6112 : index
      %swap3A_149 = tpu.vector_load %arg5[%swap3A_148] {strides = array<i32>} : memref<6272xi32, #tpu.memory_space<vmem>>, vector<16xi32>,
      %swap3A_150 = vector.shape_cast %swap3A_149 : vector<16xi32> to vector<16xi32>
      %swap3A_151 = vector.shape_cast %broadcast_in_dim3A_140 : vector<16xi32> to vector<16xi32>
      tpu.vector_store %arg5[%swap3A_148], %swap3A_151 {strides = array<i32>} : memref<6272xi32, #tpu.memory_space<vmem>>, vector<16xi32>,
      %swap3A_152 = arith.constant 6128 : index
      %swap3A_153 = tpu.vector_load %arg5[%swap3A_152] {strides = array<i32>} : memref<6272xi32, #tpu.memory_space<vmem>>, vector<16xi32>,
      %swap3A_154 = vector.shape_cast %swap3A_153 : vector<16xi32> to vector<16xi32>
      %swap3A_155 = vector.shape_cast %broadcast_in_dim3A_140 : vector<16xi32> to vector<16xi32>
      tpu.vector_store %arg5[%swap3A_152], %swap3A_155 {strides = array<i32>} : memref<6272xi32, #tpu.memory_space<vmem>>, vector<16xi32>,
    } else {
    }
    %gt3A = arith.constant 0 : i32
    %gt3A_28 = arith.cmpi sgt, %select_n3A, %gt3A : i32
    %convert_element_type3A_29 = arith.extui %gt3A_28 : i1 to i32
    %cond3A_30 = arith.constant 0 : i32
    %cond3A_31 = arith.cmpi ne, %convert_element_type3A_29, %cond3A_30 : i32
    scf.if %cond3A_31 {
      %dma_start3A = arith.constant 0 : i32
      %dma_start3A_134 = arith.constant 0 : i32
      %dma_start3A_135 = tpu.memref_slice %arg6[%dma_start3A, %dma_start3A_134] : memref<128x128xf32, #tpu.memory_space<vmem>> -> memref<64x128xf32, #tpu.memory_space<vmem>>
      %dma_start3A_136 = arith.constant 0 : i32
      %dma_start3A_137 = tpu.memref_slice %arg5[%dma_start3A_136] : memref<6272xi32, #tpu.memory_space<vmem>> -> memref<64xi32, #tpu.memory_space<vmem>>
      %dma_start3A_138 = arith.constant 0 : i32
      %dma_start3A_139 = arith.constant 0 : i32
      %dma_start3A_140 = tpu.memref_slice %arg2[%dma_start3A_138, %dma_start3A_139] : memref<100000x128xf32, #tpu.memory_space<hbm>> -> memref<100000x128xf32, #tpu.memory_space<hbm>>
      tpu.enqueue_indirect_dma source(%dma_start3A_140 : memref<100000x128xf32, #tpu.memory_space<hbm>>) target(%dma_start3A_135 : memref<64x128xf32, #tpu.memory_space<vmem>>) offsets(%dma_start3A_137 : memref<64xi32, #tpu.memory_space<vmem>>) semaphore(%arg12 : memref<!tpu.dma_semaphore, #tpu.memory_space<semaphore_mem>>)
      %dma_start3A_141 = arith.constant 64 : i32
      %dma_start3A_142 = arith.constant 0 : i32
      %dma_start3A_143 = tpu.memref_slice %arg6[%dma_start3A_141, %dma_start3A_142] : memref<128x128xf32, #tpu.memory_space<vmem>> -> memref<64x128xf32, #tpu.memory_space<vmem>>
      %dma_start3A_144 = arith.constant 64 : i32
      %dma_start3A_145 = tpu.memref_slice %arg5[%dma_start3A_144] : memref<6272xi32, #tpu.memory_space<vmem>> -> memref<64xi32, #tpu.memory_space<vmem>>
      %dma_start3A_146 = arith.constant 0 : i32
      %dma_start3A_147 = arith.constant 0 : i32
      %dma_start3A_148 = tpu.memref_slice %arg2[%dma_start3A_146, %dma_start3A_147] : memref<100000x128xf32, #tpu.memory_space<hbm>> -> memref<100000x128xf32, #tpu.memory_space<hbm>>
      tpu.enqueue_indirect_dma source(%dma_start3A_148 : memref<100000x128xf32, #tpu.memory_space<hbm>>) target(%dma_start3A_143 : memref<64x128xf32, #tpu.memory_space<vmem>>) offsets(%dma_start3A_145 : memref<64xi32, #tpu.memory_space<vmem>>) semaphore(%arg18 : memref<!tpu.dma_semaphore, #tpu.memory_space<semaphore_mem>>)
    } else {
    }
    %gt3A_32 = arith.constant 1 : i32
    %gt3A_33 = arith.cmpi sgt, %select_n3A, %gt3A_32 : i32
    %convert_element_type3A_34 = arith.extui %gt3A_33 : i1 to i32
    %cond3A_35 = arith.constant 0 : i32
    %cond3A_36 = arith.cmpi ne, %convert_element_type3A_34, %cond3A_35 : i32
    scf.if %cond3A_36 {
      %dma_start3A = arith.constant 0 : i32
      %dma_start3A_134 = arith.constant 0 : i32
      %dma_start3A_135 = tpu.memref_slice %arg7[%dma_start3A, %dma_start3A_134] : memref<128x128xf32, #tpu.memory_space<vmem>> -> memref<64x128xf32, #tpu.memory_space<vmem>>
      %dma_start3A_136 = arith.constant 128 : i32
      %dma_start3A_137 = tpu.memref_slice %arg5[%dma_start3A_136] : memref<6272xi32, #tpu.memory_space<vmem>> -> memref<64xi32, #tpu.memory_space<vmem>>
      %dma_start3A_138 = arith.constant 0 : i32
      %dma_start3A_139 = arith.constant 0 : i32
      %dma_start3A_140 = tpu.memref_slice %arg2[%dma_start3A_138, %dma_start3A_139] : memref<100000x128xf32, #tpu.memory_space<hbm>> -> memref<100000x128xf32, #tpu.memory_space<hbm>>
      tpu.enqueue_indirect_dma source(%dma_start3A_140 : memref<100000x128xf32, #tpu.memory_space<hbm>>) target(%dma_start3A_135 : memref<64x128xf32, #tpu.memory_space<vmem>>) offsets(%dma_start3A_137 : memref<64xi32, #tpu.memory_space<vmem>>) semaphore(%arg13 : memref<!tpu.dma_semaphore, #tpu.memory_space<semaphore_mem>>)
      %dma_start3A_141 = arith.constant 64 : i32
      %dma_start3A_142 = arith.constant 0 : i32
      %dma_start3A_143 = tpu.memref_slice %arg7[%dma_start3A_141, %dma_start3A_142] : memref<128x128xf32, #tpu.memory_space<vmem>> -> memref<64x128xf32, #tpu.memory_space<vmem>>
      %dma_start3A_144 = arith.constant 192 : i32
      %dma_start3A_145 = tpu.memref_slice %arg5[%dma_start3A_144] : memref<6272xi32, #tpu.memory_space<vmem>> -> memref<64xi32, #tpu.memory_space<vmem>>
      %dma_start3A_146 = arith.constant 0 : i32
      %dma_start3A_147 = arith.constant 0 : i32
      %dma_start3A_148 = tpu.memref_slice %arg2[%dma_start3A_146, %dma_start3A_147] : memref<100000x128xf32, #tpu.memory_space<hbm>> -> memref<100000x128xf32, #tpu.memory_space<hbm>>
      tpu.enqueue_indirect_dma source(%dma_start3A_148 : memref<100000x128xf32, #tpu.memory_space<hbm>>) target(%dma_start3A_143 : memref<64x128xf32, #tpu.memory_space<vmem>>) offsets(%dma_start3A_145 : memref<64xi32, #tpu.memory_space<vmem>>) semaphore(%arg19 : memref<!tpu.dma_semaphore, #tpu.memory_space<semaphore_mem>>)
    } else {
    }
    %gt3A_37 = arith.constant 2 : i32
    %gt3A_38 = arith.cmpi sgt, %select_n3A, %gt3A_37 : i32
    %convert_element_type3A_39 = arith.extui %gt3A_38 : i1 to i32
    %cond3A_40 = arith.constant 0 : i32
    %cond3A_41 = arith.cmpi ne, %convert_element_type3A_39, %cond3A_40 : i32
    scf.if %cond3A_41 {
      %dma_start3A = arith.constant 0 : i32
      %dma_start3A_134 = arith.constant 0 : i32
      %dma_start3A_135 = tpu.memref_slice %arg8[%dma_start3A, %dma_start3A_134] : memref<128x128xf32, #tpu.memory_space<vmem>> -> memref<64x128xf32, #tpu.memory_space<vmem>>
      %dma_start3A_136 = arith.constant 256 : i32
      %dma_start3A_137 = tpu.memref_slice %arg5[%dma_start3A_136] : memref<6272xi32, #tpu.memory_space<vmem>> -> memref<64xi32, #tpu.memory_space<vmem>>
      %dma_start3A_138 = arith.constant 0 : i32
      %dma_start3A_139 = arith.constant 0 : i32
      %dma_start3A_140 = tpu.memref_slice %arg2[%dma_start3A_138, %dma_start3A_139] : memref<100000x128xf32, #tpu.memory_space<hbm>> -> memref<100000x128xf32, #tpu.memory_space<hbm>>
      tpu.enqueue_indirect_dma source(%dma_start3A_140 : memref<100000x128xf32, #tpu.memory_space<hbm>>) target(%dma_start3A_135 : memref<64x128xf32, #tpu.memory_space<vmem>>) offsets(%dma_start3A_137 : memref<64xi32, #tpu.memory_space<vmem>>) semaphore(%arg14 : memref<!tpu.dma_semaphore, #tpu.memory_space<semaphore_mem>>)
      %dma_start3A_141 = arith.constant 64 : i32
      %dma_start3A_142 = arith.constant 0 : i32
      %dma_start3A_143 = tpu.memref_slice %arg8[%dma_start3A_141, %dma_start3A_142] : memref<128x128xf32, #tpu.memory_space<vmem>> -> memref<64x128xf32, #tpu.memory_space<vmem>>
      %dma_start3A_144 = arith.constant 320 : i32
      %dma_start3A_145 = tpu.memref_slice %arg5[%dma_start3A_144] : memref<6272xi32, #tpu.memory_space<vmem>> -> memref<64xi32, #tpu.memory_space<vmem>>
      %dma_start3A_146 = arith.constant 0 : i32
      %dma_start3A_147 = arith.constant 0 : i32
      %dma_start3A_148 = tpu.memref_slice %arg2[%dma_start3A_146, %dma_start3A_147] : memref<100000x128xf32, #tpu.memory_space<hbm>> -> memref<100000x128xf32, #tpu.memory_space<hbm>>
      tpu.enqueue_indirect_dma source(%dma_start3A_148 : memref<100000x128xf32, #tpu.memory_space<hbm>>) target(%dma_start3A_143 : memref<64x128xf32, #tpu.memory_space<vmem>>) offsets(%dma_start3A_145 : memref<64xi32, #tpu.memory_space<vmem>>) semaphore(%arg20 : memref<!tpu.dma_semaphore, #tpu.memory_space<semaphore_mem>>)
    } else {
    }
    %gt3A_42 = arith.constant 3 : i32
    %gt3A_43 = arith.cmpi sgt, %select_n3A, %gt3A_42 : i32
    %convert_element_type3A_44 = arith.extui %gt3A_43 : i1 to i32
    %cond3A_45 = arith.constant 0 : i32
    %cond3A_46 = arith.cmpi ne, %convert_element_type3A_44, %cond3A_45 : i32
    scf.if %cond3A_46 {
      %dma_start3A = arith.constant 0 : i32
      %dma_start3A_134 = arith.constant 0 : i32
      %dma_start3A_135 = tpu.memref_slice %arg9[%dma_start3A, %dma_start3A_134] : memref<128x128xf32, #tpu.memory_space<vmem>> -> memref<64x128xf32, #tpu.memory_space<vmem>>
      %dma_start3A_136 = arith.constant 384 : i32
      %dma_start3A_137 = tpu.memref_slice %arg5[%dma_start3A_136] : memref<6272xi32, #tpu.memory_space<vmem>> -> memref<64xi32, #tpu.memory_space<vmem>>
      %dma_start3A_138 = arith.constant 0 : i32
      %dma_start3A_139 = arith.constant 0 : i32
      %dma_start3A_140 = tpu.memref_slice %arg2[%dma_start3A_138, %dma_start3A_139] : memref<100000x128xf32, #tpu.memory_space<hbm>> -> memref<100000x128xf32, #tpu.memory_space<hbm>>
      tpu.enqueue_indirect_dma source(%dma_start3A_140 : memref<100000x128xf32, #tpu.memory_space<hbm>>) target(%dma_start3A_135 : memref<64x128xf32, #tpu.memory_space<vmem>>) offsets(%dma_start3A_137 : memref<64xi32, #tpu.memory_space<vmem>>) semaphore(%arg15 : memref<!tpu.dma_semaphore, #tpu.memory_space<semaphore_mem>>)
      %dma_start3A_141 = arith.constant 64 : i32
      %dma_start3A_142 = arith.constant 0 : i32
      %dma_start3A_143 = tpu.memref_slice %arg9[%dma_start3A_141, %dma_start3A_142] : memref<128x128xf32, #tpu.memory_space<vmem>> -> memref<64x128xf32, #tpu.memory_space<vmem>>
      %dma_start3A_144 = arith.constant 448 : i32
      %dma_start3A_145 = tpu.memref_slice %arg5[%dma_start3A_144] : memref<6272xi32, #tpu.memory_space<vmem>> -> memref<64xi32, #tpu.memory_space<vmem>>
      %dma_start3A_146 = arith.constant 0 : i32
      %dma_start3A_147 = arith.constant 0 : i32
      %dma_start3A_148 = tpu.memref_slice %arg2[%dma_start3A_146, %dma_start3A_147] : memref<100000x128xf32, #tpu.memory_space<hbm>> -> memref<100000x128xf32, #tpu.memory_space<hbm>>
      tpu.enqueue_indirect_dma source(%dma_start3A_148 : memref<100000x128xf32, #tpu.memory_space<hbm>>) target(%dma_start3A_143 : memref<64x128xf32, #tpu.memory_space<vmem>>) offsets(%dma_start3A_145 : memref<64xi32, #tpu.memory_space<vmem>>) semaphore(%arg21 : memref<!tpu.dma_semaphore, #tpu.memory_space<semaphore_mem>>)
    } else {
    }
    %gt3A_47 = arith.constant 4 : i32
    %gt3A_48 = arith.cmpi sgt, %select_n3A, %gt3A_47 : i32
    %convert_element_type3A_49 = arith.extui %gt3A_48 : i1 to i32
    %cond3A_50 = arith.constant 0 : i32
    %cond3A_51 = arith.cmpi ne, %convert_element_type3A_49, %cond3A_50 : i32
    scf.if %cond3A_51 {
      %dma_start3A = arith.constant 0 : i32
      %dma_start3A_134 = arith.constant 0 : i32
      %dma_start3A_135 = tpu.memref_slice %arg10[%dma_start3A, %dma_start3A_134] : memref<128x128xf32, #tpu.memory_space<vmem>> -> memref<64x128xf32, #tpu.memory_space<vmem>>
      %dma_start3A_136 = arith.constant 512 : i32
      %dma_start3A_137 = tpu.memref_slice %arg5[%dma_start3A_136] : memref<6272xi32, #tpu.memory_space<vmem>> -> memref<64xi32, #tpu.memory_space<vmem>>
      %dma_start3A_138 = arith.constant 0 : i32
      %dma_start3A_139 = arith.constant 0 : i32
      %dma_start3A_140 = tpu.memref_slice %arg2[%dma_start3A_138, %dma_start3A_139] : memref<100000x128xf32, #tpu.memory_space<hbm>> -> memref<100000x128xf32, #tpu.memory_space<hbm>>
      tpu.enqueue_indirect_dma source(%dma_start3A_140 : memref<100000x128xf32, #tpu.memory_space<hbm>>) target(%dma_start3A_135 : memref<64x128xf32, #tpu.memory_space<vmem>>) offsets(%dma_start3A_137 : memref<64xi32, #tpu.memory_space<vmem>>) semaphore(%arg16 : memref<!tpu.dma_semaphore, #tpu.memory_space<semaphore_mem>>)
      %dma_start3A_141 = arith.constant 64 : i32
      %dma_start3A_142 = arith.constant 0 : i32
      %dma_start3A_143 = tpu.memref_slice %arg10[%dma_start3A_141, %dma_start3A_142] : memref<128x128xf32, #tpu.memory_space<vmem>> -> memref<64x128xf32, #tpu.memory_space<vmem>>
      %dma_start3A_144 = arith.constant 576 : i32
      %dma_start3A_145 = tpu.memref_slice %arg5[%dma_start3A_144] : memref<6272xi32, #tpu.memory_space<vmem>> -> memref<64xi32, #tpu.memory_space<vmem>>
      %dma_start3A_146 = arith.constant 0 : i32
      %dma_start3A_147 = arith.constant 0 : i32
      %dma_start3A_148 = tpu.memref_slice %arg2[%dma_start3A_146, %dma_start3A_147] : memref<100000x128xf32, #tpu.memory_space<hbm>> -> memref<100000x128xf32, #tpu.memory_space<hbm>>
      tpu.enqueue_indirect_dma source(%dma_start3A_148 : memref<100000x128xf32, #tpu.memory_space<hbm>>) target(%dma_start3A_143 : memref<64x128xf32, #tpu.memory_space<vmem>>) offsets(%dma_start3A_145 : memref<64xi32, #tpu.memory_space<vmem>>) semaphore(%arg22 : memref<!tpu.dma_semaphore, #tpu.memory_space<semaphore_mem>>)
    } else {
    }
    %add3A_52 = arith.constant 6 : i32
    %add3A_53 = arith.addi %select_n3A, %add3A_52 : i32
    %sub3A_54 = arith.constant 1 : i32
    %sub3A_55 = arith.subi %add3A_53, %sub3A_54 : i32
    %jit3A_56 = arith.constant 6 : i32
    %div3A = arith.divsi %sub3A_55, %jit3A_56 : i32
    %sign3A = arith.constant 0 : i32
    %sign3A_57 = arith.cmpi sgt, %sub3A_55, %sign3A : i32
    %sign3A_58 = arith.extui %sign3A_57 : i1 to i32
    %sign3A_59 = arith.constant 0 : i32
    %sign3A_60 = arith.cmpi slt, %sub3A_55, %sign3A_59 : i32
    %sign3A_61 = arith.extui %sign3A_60 : i1 to i32
    %sign3A_62 = arith.subi %sign3A_58, %sign3A_61 : i32
    %sign3A_63 = arith.constant 0 : i32
    %sign3A_64 = arith.cmpi sgt, %jit3A_56, %sign3A_63 : i32
    %sign3A_65 = arith.extui %sign3A_64 : i1 to i32
    %sign3A_66 = arith.constant 0 : i32
    %sign3A_67 = arith.cmpi slt, %jit3A_56, %sign3A_66 : i32
    %sign3A_68 = arith.extui %sign3A_67 : i1 to i32
    %sign3A_69 = arith.subi %sign3A_65, %sign3A_68 : i32
    %ne3A_70 = arith.cmpi ne, %sign3A_62, %sign3A_69 : i32
    %rem3A = arith.remsi %sub3A_55, %jit3A_56 : i32
    %ne3A_71 = arith.constant 0 : i32
    %ne3A_72 = arith.cmpi ne, %rem3A, %ne3A_71 : i32
    %and3A_73 = arith.andi %ne3A_70, %ne3A_72 : i1
    %sub3A_74 = arith.constant 1 : i32
    %sub3A_75 = arith.subi %div3A, %sub3A_74 : i32
    %select_n3A_76 = arith.select %and3A_73, %sub3A_75, %div3A : i32
    %sub3A_77 = arith.constant 0 : i32
    %sub3A_78 = arith.subi %select_n3A_76, %sub3A_77 : i32
    %sub3A_79 = arith.constant 1 : i32
    %sub3A_80 = arith.constant 1 : i32
    %sub3A_81 = arith.subi %sub3A_79, %sub3A_80 : i32
    %add3A_82 = arith.addi %sub3A_78, %sub3A_81 : i32
    %div3A_83 = arith.constant 1 : i32
    %div3A_84 = arith.divsi %add3A_82, %div3A_83 : i32
    %while3A = arith.constant 1 : i32
    %while3A_85 = arith.constant 0 : i32
    %while3A_86 = arith.constant 0 : i32
    %while3A_87 = arith.subi %div3A_84, %while3A_86 : i32
    %while3A_88 = arith.addi %while3A_86, %while3A_87 : i32
    %while3A_89 = arith.constant 1 : i32
    %while3A_90 = arith.divsi %while3A_87, %while3A_89 : i32
    %while3A_91 = arith.muli %while3A_90, %while3A_89 : i32
    %while3A_92 = arith.addi %while3A_86, %while3A_91 : i32
    %while3A_93 = arith.constant 1 : i32
    scf.for %while3A_134 = %while3A_86 to %while3A_92 step %while3A_93  : i32 {
      %mul3A_135 = arith.muli %while3A_134, %while3A : i32
      %add3A_136 = arith.addi %while3A_85, %mul3A_135 : i32
      %mul3A_137 = arith.constant 6 : i32
      %mul3A_138 = arith.muli %add3A_136, %mul3A_137 : i32
      %add3A_139 = arith.constant 0 : i32
      %add3A_140 = arith.addi %mul3A_138, %add3A_139 : i32
      %lt3A_141 = arith.cmpi slt, %add3A_140, %select_n3A : i32
      %convert_element_type3A_142 = arith.extui %lt3A_141 : i1 to i32
      %cond3A_143 = arith.constant 0 : i32
      %cond3A_144 = arith.cmpi ne, %convert_element_type3A_142, %cond3A_143 : i32
      scf.if %cond3A_144 {
        %ge3A_185 = arith.constant 1 : i32
        %ge3A_186 = arith.cmpi sge, %add3A_140, %ge3A_185 : i32
        %convert_element_type3A_187 = arith.extui %ge3A_186 : i1 to i32
        %cond3A_188 = arith.constant 0 : i32
        %cond3A_189 = arith.cmpi ne, %convert_element_type3A_187, %cond3A_188 : i32
        scf.if %cond3A_189 {
          %dma_wait3A_224 = arith.constant 0 : i32
          %dma_wait3A_225 = arith.constant 0 : i32
          %dma_wait3A_226 = tpu.memref_slice %arg11[%dma_wait3A_224, %dma_wait3A_225] : memref<128x128xf32, #tpu.memory_space<vmem>> -> memref<128x128xf32, #tpu.memory_space<vmem>>
          %dma_wait3A_227 = arith.constant 0 : i32
          %dma_wait3A_228 = arith.constant 0 : i32
          %dma_wait3A_229 = tpu.memref_slice %arg4[%dma_wait3A_227, %dma_wait3A_228] : memref<200000x128xf32, #tpu.memory_space<hbm>> -> memref<128x128xf32, #tpu.memory_space<hbm>>
          %dma_wait3A_230 = arith.constant 0 : i32
          %dma_wait3A_231 = arith.constant 0 : i32
          %dma_wait3A_232 = tpu.memref_slice %arg4[%dma_wait3A_230, %dma_wait3A_231] : memref<200000x128xf32, #tpu.memory_space<hbm>> -> memref<128x128xf32, #tpu.memory_space<hbm>>
          %dma_wait3A_233 = arith.constant 0 : i32
          %dma_wait3A_234 = arith.constant 0 : i32
          %dma_wait3A_235 = tpu.memref_slice %arg11[%dma_wait3A_233, %dma_wait3A_234] : memref<128x128xf32, #tpu.memory_space<vmem>> -> memref<128x128xf32, #tpu.memory_space<vmem>>
          tpu.wait_dma2 semaphore(%arg29 : memref<!tpu.dma_semaphore, #tpu.memory_space<semaphore_mem>>) src(%dma_wait3A_235 : memref<128x128xf32, #tpu.memory_space<vmem>>) dst(%dma_wait3A_232 : memref<128x128xf32, #tpu.memory_space<hbm>>)
        } else {
        }
        %add3A_190 = arith.constant 6 : i32
        %add3A_191 = arith.addi %add3A_140, %add3A_190 : i32
        %sub3A_192 = arith.constant 1 : i32
        %sub3A_193 = arith.subi %add3A_191, %sub3A_192 : i32
        %lt3A_194 = arith.cmpi slt, %sub3A_193, %select_n3A : i32
        %convert_element_type3A_195 = arith.extui %lt3A_194 : i1 to i32
        %cond3A_196 = arith.constant 0 : i32
        %cond3A_197 = arith.cmpi ne, %convert_element_type3A_195, %cond3A_196 : i32
        scf.if %cond3A_197 {
          %add3A_224 = arith.constant 6 : i32
          %add3A_225 = arith.addi %add3A_140, %add3A_224 : i32
          %sub3A_226 = arith.constant 1 : i32
          %sub3A_227 = arith.subi %add3A_225, %sub3A_226 : i32
          %mul3A_228 = arith.constant 128 : i32
          %mul3A_229 = arith.muli %sub3A_227, %mul3A_228 : i32
          %dma_start3A = arith.constant 0 : i32
          %dma_start3A_230 = arith.constant 0 : i32
          %dma_start3A_231 = tpu.memref_slice %arg11[%dma_start3A, %dma_start3A_230] : memref<128x128xf32, #tpu.memory_space<vmem>> -> memref<64x128xf32, #tpu.memory_space<vmem>>
          %dma_start3A_232 = tpu.memref_slice %arg5[%mul3A_229] : memref<6272xi32, #tpu.memory_space<vmem>> -> memref<64xi32, #tpu.memory_space<vmem>>
          %dma_start3A_233 = arith.constant 0 : i32
          %dma_start3A_234 = arith.constant 0 : i32
          %dma_start3A_235 = tpu.memref_slice %arg2[%dma_start3A_233, %dma_start3A_234] : memref<100000x128xf32, #tpu.memory_space<hbm>> -> memref<100000x128xf32, #tpu.memory_space<hbm>>
          tpu.enqueue_indirect_dma source(%dma_start3A_235 : memref<100000x128xf32, #tpu.memory_space<hbm>>) target(%dma_start3A_231 : memref<64x128xf32, #tpu.memory_space<vmem>>) offsets(%dma_start3A_232 : memref<64xi32, #tpu.memory_space<vmem>>) semaphore(%arg17 : memref<!tpu.dma_semaphore, #tpu.memory_space<semaphore_mem>>)
          %mul3A_236 = arith.constant 128 : i32
          %mul3A_237 = arith.muli %sub3A_227, %mul3A_236 : i32
          %add3A_238 = arith.constant 64 : i32
          %add3A_239 = arith.addi %mul3A_237, %add3A_238 : i32
          %dma_start3A_240 = arith.constant 64 : i32
          %dma_start3A_241 = arith.constant 0 : i32
          %dma_start3A_242 = tpu.memref_slice %arg11[%dma_start3A_240, %dma_start3A_241] : memref<128x128xf32, #tpu.memory_space<vmem>> -> memref<64x128xf32, #tpu.memory_space<vmem>>
          %dma_start3A_243 = tpu.memref_slice %arg5[%add3A_239] : memref<6272xi32, #tpu.memory_space<vmem>> -> memref<64xi32, #tpu.memory_space<vmem>>
          %dma_start3A_244 = arith.constant 0 : i32
          %dma_start3A_245 = arith.constant 0 : i32
          %dma_start3A_246 = tpu.memref_slice %arg2[%dma_start3A_244, %dma_start3A_245] : memref<100000x128xf32, #tpu.memory_space<hbm>> -> memref<100000x128xf32, #tpu.memory_space<hbm>>
          tpu.enqueue_indirect_dma source(%dma_start3A_246 : memref<100000x128xf32, #tpu.memory_space<hbm>>) target(%dma_start3A_242 : memref<64x128xf32, #tpu.memory_space<vmem>>) offsets(%dma_start3A_243 : memref<64xi32, #tpu.memory_space<vmem>>) semaphore(%arg23 : memref<!tpu.dma_semaphore, #tpu.memory_space<semaphore_mem>>)
        } else {
        }
        %dma_wait3A = arith.constant 0 : i32
        %dma_wait3A_198 = arith.constant 0 : i32
        %dma_wait3A_199 = tpu.memref_slice %arg6[%dma_wait3A, %dma_wait3A_198] : memref<128x128xf32, #tpu.memory_space<vmem>> -> memref<64x128xf32, #tpu.memory_space<vmem>>
        %dma_wait3A_200 = arith.constant 0 : i32
        %dma_wait3A_201 = tpu.memref_slice %arg5[%dma_wait3A_200] : memref<6272xi32, #tpu.memory_space<vmem>> -> memref<64xi32, #tpu.memory_space<vmem>>
        %dma_wait3A_202 = arith.constant 0 : i32
        %dma_wait3A_203 = arith.constant 0 : i32
        %dma_wait3A_204 = tpu.memref_slice %arg2[%dma_wait3A_202, %dma_wait3A_203] : memref<100000x128xf32, #tpu.memory_space<hbm>> -> memref<100000x128xf32, #tpu.memory_space<hbm>>
        tpu.wait_indirect_dma semaphore(%arg12 : memref<!tpu.dma_semaphore, #tpu.memory_space<semaphore_mem>>) src(%dma_wait3A_204 : memref<100000x128xf32, #tpu.memory_space<hbm>>) dst(%dma_wait3A_199 : memref<64x128xf32, #tpu.memory_space<vmem>>)
        %dma_wait3A_205 = arith.constant 64 : i32
        %dma_wait3A_206 = arith.constant 0 : i32
        %dma_wait3A_207 = tpu.memref_slice %arg6[%dma_wait3A_205, %dma_wait3A_206] : memref<128x128xf32, #tpu.memory_space<vmem>> -> memref<64x128xf32, #tpu.memory_space<vmem>>
        %dma_wait3A_208 = arith.constant 0 : i32
        %dma_wait3A_209 = tpu.memref_slice %arg5[%dma_wait3A_208] : memref<6272xi32, #tpu.memory_space<vmem>> -> memref<64xi32, #tpu.memory_space<vmem>>
        %dma_wait3A_210 = arith.constant 0 : i32
        %dma_wait3A_211 = arith.constant 0 : i32
        %dma_wait3A_212 = tpu.memref_slice %arg2[%dma_wait3A_210, %dma_wait3A_211] : memref<100000x128xf32, #tpu.memory_space<hbm>> -> memref<100000x128xf32, #tpu.memory_space<hbm>>
        tpu.wait_indirect_dma semaphore(%arg18 : memref<!tpu.dma_semaphore, #tpu.memory_space<semaphore_mem>>) src(%dma_wait3A_212 : memref<100000x128xf32, #tpu.memory_space<hbm>>) dst(%dma_wait3A_207 : memref<64x128xf32, #tpu.memory_space<vmem>>)
        %add3A_213 = arith.addi %select_n3A_12, %add3A_140 : i32
        %eq3A_214 = arith.constant 1562 : i32
        %eq3A_215 = arith.cmpi eq, %add3A_213, %eq3A_214 : i32
        %convert_element_type3A_216 = arith.extui %eq3A_215 : i1 to i32
        %cond3A_217 = arith.constant 0 : i32
        %cond3A_218 = arith.cmpi ne, %convert_element_type3A_216, %cond3A_217 : i32
        scf.if %cond3A_218 {
          %mul3A_224 = arith.constant 128 : i32
          %mul3A_225 = arith.muli %add3A_213, %mul3A_224 : i32
          %dma_start3A = arith.constant 0 : i32
          %dma_start3A_226 = arith.constant 0 : i32
          %dma_start3A_227 = tpu.memref_slice %arg6[%dma_start3A, %dma_start3A_226] : memref<128x128xf32, #tpu.memory_space<vmem>> -> memref<64x128xf32, #tpu.memory_space<vmem>>
          %dma_start3A_228 = arith.constant 0 : i32
          %dma_start3A_229 = tpu.memref_slice %arg4[%mul3A_225, %dma_start3A_228] : memref<200000x128xf32, #tpu.memory_space<hbm>> -> memref<64x128xf32, #tpu.memory_space<hbm>>
          %dma_start3A_230 = arith.constant 0 : i32
          %dma_start3A_231 = tpu.memref_slice %arg4[%mul3A_225, %dma_start3A_230] : memref<200000x128xf32, #tpu.memory_space<hbm>> -> memref<64x128xf32, #tpu.memory_space<hbm>>
          %dma_start3A_232 = arith.constant 0 : i32
          %dma_start3A_233 = arith.constant 0 : i32
          %dma_start3A_234 = tpu.memref_slice %arg6[%dma_start3A_232, %dma_start3A_233] : memref<128x128xf32, #tpu.memory_space<vmem>> -> memref<64x128xf32, #tpu.memory_space<vmem>>
          tpu.enqueue_dma source(%dma_start3A_234 : memref<64x128xf32, #tpu.memory_space<vmem>>) target(%dma_start3A_231 : memref<64x128xf32, #tpu.memory_space<hbm>>) target_semaphore(%arg24 : memref<!tpu.dma_semaphore, #tpu.memory_space<semaphore_mem>>)
        } else {
        }
        %ne3A_219 = arith.constant 1562 : i32
        %ne3A_220 = arith.cmpi ne, %add3A_213, %ne3A_219 : i32
        %convert_element_type3A_221 = arith.extui %ne3A_220 : i1 to i32
        %cond3A_222 = arith.constant 0 : i32
        %cond3A_223 = arith.cmpi ne, %convert_element_type3A_221, %cond3A_222 : i32
        scf.if %cond3A_223 {
          %mul3A_224 = arith.constant 128 : i32
          %mul3A_225 = arith.muli %add3A_213, %mul3A_224 : i32
          %dma_start3A = arith.constant 0 : i32
          %dma_start3A_226 = tpu.memref_slice %arg4[%mul3A_225, %dma_start3A] : memref<200000x128xf32, #tpu.memory_space<hbm>> -> memref<128x128xf32, #tpu.memory_space<hbm>>
          %dma_start3A_227 = arith.constant 0 : i32
          %dma_start3A_228 = tpu.memref_slice %arg4[%mul3A_225, %dma_start3A_227] : memref<200000x128xf32, #tpu.memory_space<hbm>> -> memref<128x128xf32, #tpu.memory_space<hbm>>
          tpu.enqueue_dma source(%arg6 : memref<128x128xf32, #tpu.memory_space<vmem>>) target(%dma_start3A_228 : memref<128x128xf32, #tpu.memory_space<hbm>>) target_semaphore(%arg24 : memref<!tpu.dma_semaphore, #tpu.memory_space<semaphore_mem>>)
        } else {
        }
      } else {
      }
      %mul3A_145 = arith.constant 6 : i32
      %mul3A_146 = arith.muli %add3A_136, %mul3A_145 : i32
      %add3A_147 = arith.constant 1 : i32
      %add3A_148 = arith.addi %mul3A_146, %add3A_147 : i32
      %lt3A_149 = arith.cmpi slt, %add3A_148, %select_n3A : i32
      %convert_element_type3A_150 = arith.extui %lt3A_149 : i1 to i32
      %cond3A_151 = arith.constant 0 : i32
      %cond3A_152 = arith.cmpi ne, %convert_element_type3A_150, %cond3A_151 : i32
      scf.if %cond3A_152 {
        %ge3A_185 = arith.constant 1 : i32
        %ge3A_186 = arith.cmpi sge, %add3A_148, %ge3A_185 : i32
        %convert_element_type3A_187 = arith.extui %ge3A_186 : i1 to i32
        %cond3A_188 = arith.constant 0 : i32
        %cond3A_189 = arith.cmpi ne, %convert_element_type3A_187, %cond3A_188 : i32
        scf.if %cond3A_189 {
          %dma_wait3A_224 = arith.constant 0 : i32
          %dma_wait3A_225 = arith.constant 0 : i32
          %dma_wait3A_226 = tpu.memref_slice %arg6[%dma_wait3A_224, %dma_wait3A_225] : memref<128x128xf32, #tpu.memory_space<vmem>> -> memref<128x128xf32, #tpu.memory_space<vmem>>
          %dma_wait3A_227 = arith.constant 0 : i32
          %dma_wait3A_228 = arith.constant 0 : i32
          %dma_wait3A_229 = tpu.memref_slice %arg4[%dma_wait3A_227, %dma_wait3A_228] : memref<200000x128xf32, #tpu.memory_space<hbm>> -> memref<128x128xf32, #tpu.memory_space<hbm>>
          %dma_wait3A_230 = arith.constant 0 : i32
          %dma_wait3A_231 = arith.constant 0 : i32
          %dma_wait3A_232 = tpu.memref_slice %arg4[%dma_wait3A_230, %dma_wait3A_231] : memref<200000x128xf32, #tpu.memory_space<hbm>> -> memref<128x128xf32, #tpu.memory_space<hbm>>
          %dma_wait3A_233 = arith.constant 0 : i32
          %dma_wait3A_234 = arith.constant 0 : i32
          %dma_wait3A_235 = tpu.memref_slice %arg6[%dma_wait3A_233, %dma_wait3A_234] : memref<128x128xf32, #tpu.memory_space<vmem>> -> memref<128x128xf32, #tpu.memory_space<vmem>>
          tpu.wait_dma2 semaphore(%arg24 : memref<!tpu.dma_semaphore, #tpu.memory_space<semaphore_mem>>) src(%dma_wait3A_235 : memref<128x128xf32, #tpu.memory_space<vmem>>) dst(%dma_wait3A_232 : memref<128x128xf32, #tpu.memory_space<hbm>>)
        } else {
        }
        %add3A_190 = arith.constant 6 : i32
        %add3A_191 = arith.addi %add3A_148, %add3A_190 : i32
        %sub3A_192 = arith.constant 1 : i32
        %sub3A_193 = arith.subi %add3A_191, %sub3A_192 : i32
        %lt3A_194 = arith.cmpi slt, %sub3A_193, %select_n3A : i32
        %convert_element_type3A_195 = arith.extui %lt3A_194 : i1 to i32
        %cond3A_196 = arith.constant 0 : i32
        %cond3A_197 = arith.cmpi ne, %convert_element_type3A_195, %cond3A_196 : i32
        scf.if %cond3A_197 {
          %add3A_224 = arith.constant 6 : i32
          %add3A_225 = arith.addi %add3A_148, %add3A_224 : i32
          %sub3A_226 = arith.constant 1 : i32
          %sub3A_227 = arith.subi %add3A_225, %sub3A_226 : i32
          %mul3A_228 = arith.constant 128 : i32
          %mul3A_229 = arith.muli %sub3A_227, %mul3A_228 : i32
          %dma_start3A = arith.constant 0 : i32
          %dma_start3A_230 = arith.constant 0 : i32
          %dma_start3A_231 = tpu.memref_slice %arg6[%dma_start3A, %dma_start3A_230] : memref<128x128xf32, #tpu.memory_space<vmem>> -> memref<64x128xf32, #tpu.memory_space<vmem>>
          %dma_start3A_232 = tpu.memref_slice %arg5[%mul3A_229] : memref<6272xi32, #tpu.memory_space<vmem>> -> memref<64xi32, #tpu.memory_space<vmem>>
          %dma_start3A_233 = arith.constant 0 : i32
          %dma_start3A_234 = arith.constant 0 : i32
          %dma_start3A_235 = tpu.memref_slice %arg2[%dma_start3A_233, %dma_start3A_234] : memref<100000x128xf32, #tpu.memory_space<hbm>> -> memref<100000x128xf32, #tpu.memory_space<hbm>>
          tpu.enqueue_indirect_dma source(%dma_start3A_235 : memref<100000x128xf32, #tpu.memory_space<hbm>>) target(%dma_start3A_231 : memref<64x128xf32, #tpu.memory_space<vmem>>) offsets(%dma_start3A_232 : memref<64xi32, #tpu.memory_space<vmem>>) semaphore(%arg12 : memref<!tpu.dma_semaphore, #tpu.memory_space<semaphore_mem>>)
          %mul3A_236 = arith.constant 128 : i32
          %mul3A_237 = arith.muli %sub3A_227, %mul3A_236 : i32
          %add3A_238 = arith.constant 64 : i32
          %add3A_239 = arith.addi %mul3A_237, %add3A_238 : i32
          %dma_start3A_240 = arith.constant 64 : i32
          %dma_start3A_241 = arith.constant 0 : i32
          %dma_start3A_242 = tpu.memref_slice %arg6[%dma_start3A_240, %dma_start3A_241] : memref<128x128xf32, #tpu.memory_space<vmem>> -> memref<64x128xf32, #tpu.memory_space<vmem>>
          %dma_start3A_243 = tpu.memref_slice %arg5[%add3A_239] : memref<6272xi32, #tpu.memory_space<vmem>> -> memref<64xi32, #tpu.memory_space<vmem>>
          %dma_start3A_244 = arith.constant 0 : i32
          %dma_start3A_245 = arith.constant 0 : i32
          %dma_start3A_246 = tpu.memref_slice %arg2[%dma_start3A_244, %dma_start3A_245] : memref<100000x128xf32, #tpu.memory_space<hbm>> -> memref<100000x128xf32, #tpu.memory_space<hbm>>
          tpu.enqueue_indirect_dma source(%dma_start3A_246 : memref<100000x128xf32, #tpu.memory_space<hbm>>) target(%dma_start3A_242 : memref<64x128xf32, #tpu.memory_space<vmem>>) offsets(%dma_start3A_243 : memref<64xi32, #tpu.memory_space<vmem>>) semaphore(%arg18 : memref<!tpu.dma_semaphore, #tpu.memory_space<semaphore_mem>>)
        } else {
        }
        %dma_wait3A = arith.constant 0 : i32
        %dma_wait3A_198 = arith.constant 0 : i32
        %dma_wait3A_199 = tpu.memref_slice %arg7[%dma_wait3A, %dma_wait3A_198] : memref<128x128xf32, #tpu.memory_space<vmem>> -> memref<64x128xf32, #tpu.memory_space<vmem>>
        %dma_wait3A_200 = arith.constant 0 : i32
        %dma_wait3A_201 = tpu.memref_slice %arg5[%dma_wait3A_200] : memref<6272xi32, #tpu.memory_space<vmem>> -> memref<64xi32, #tpu.memory_space<vmem>>
        %dma_wait3A_202 = arith.constant 0 : i32
        %dma_wait3A_203 = arith.constant 0 : i32
        %dma_wait3A_204 = tpu.memref_slice %arg2[%dma_wait3A_202, %dma_wait3A_203] : memref<100000x128xf32, #tpu.memory_space<hbm>> -> memref<100000x128xf32, #tpu.memory_space<hbm>>
        tpu.wait_indirect_dma semaphore(%arg13 : memref<!tpu.dma_semaphore, #tpu.memory_space<semaphore_mem>>) src(%dma_wait3A_204 : memref<100000x128xf32, #tpu.memory_space<hbm>>) dst(%dma_wait3A_199 : memref<64x128xf32, #tpu.memory_space<vmem>>)
        %dma_wait3A_205 = arith.constant 64 : i32
        %dma_wait3A_206 = arith.constant 0 : i32
        %dma_wait3A_207 = tpu.memref_slice %arg7[%dma_wait3A_205, %dma_wait3A_206] : memref<128x128xf32, #tpu.memory_space<vmem>> -> memref<64x128xf32, #tpu.memory_space<vmem>>
        %dma_wait3A_208 = arith.constant 0 : i32
        %dma_wait3A_209 = tpu.memref_slice %arg5[%dma_wait3A_208] : memref<6272xi32, #tpu.memory_space<vmem>> -> memref<64xi32, #tpu.memory_space<vmem>>
        %dma_wait3A_210 = arith.constant 0 : i32
        %dma_wait3A_211 = arith.constant 0 : i32
        %dma_wait3A_212 = tpu.memref_slice %arg2[%dma_wait3A_210, %dma_wait3A_211] : memref<100000x128xf32, #tpu.memory_space<hbm>> -> memref<100000x128xf32, #tpu.memory_space<hbm>>
        tpu.wait_indirect_dma semaphore(%arg19 : memref<!tpu.dma_semaphore, #tpu.memory_space<semaphore_mem>>) src(%dma_wait3A_212 : memref<100000x128xf32, #tpu.memory_space<hbm>>) dst(%dma_wait3A_207 : memref<64x128xf32, #tpu.memory_space<vmem>>)
        %add3A_213 = arith.addi %select_n3A_12, %add3A_148 : i32
        %eq3A_214 = arith.constant 1562 : i32
        %eq3A_215 = arith.cmpi eq, %add3A_213, %eq3A_214 : i32
        %convert_element_type3A_216 = arith.extui %eq3A_215 : i1 to i32
        %cond3A_217 = arith.constant 0 : i32
        %cond3A_218 = arith.cmpi ne, %convert_element_type3A_216, %cond3A_217 : i32
        scf.if %cond3A_218 {
          %mul3A_224 = arith.constant 128 : i32
          %mul3A_225 = arith.muli %add3A_213, %mul3A_224 : i32
          %dma_start3A = arith.constant 0 : i32
          %dma_start3A_226 = arith.constant 0 : i32
          %dma_start3A_227 = tpu.memref_slice %arg7[%dma_start3A, %dma_start3A_226] : memref<128x128xf32, #tpu.memory_space<vmem>> -> memref<64x128xf32, #tpu.memory_space<vmem>>
          %dma_start3A_228 = arith.constant 0 : i32
          %dma_start3A_229 = tpu.memref_slice %arg4[%mul3A_225, %dma_start3A_228] : memref<200000x128xf32, #tpu.memory_space<hbm>> -> memref<64x128xf32, #tpu.memory_space<hbm>>
          %dma_start3A_230 = arith.constant 0 : i32
          %dma_start3A_231 = tpu.memref_slice %arg4[%mul3A_225, %dma_start3A_230] : memref<200000x128xf32, #tpu.memory_space<hbm>> -> memref<64x128xf32, #tpu.memory_space<hbm>>
          %dma_start3A_232 = arith.constant 0 : i32
          %dma_start3A_233 = arith.constant 0 : i32
          %dma_start3A_234 = tpu.memref_slice %arg7[%dma_start3A_232, %dma_start3A_233] : memref<128x128xf32, #tpu.memory_space<vmem>> -> memref<64x128xf32, #tpu.memory_space<vmem>>
          tpu.enqueue_dma source(%dma_start3A_234 : memref<64x128xf32, #tpu.memory_space<vmem>>) target(%dma_start3A_231 : memref<64x128xf32, #tpu.memory_space<hbm>>) target_semaphore(%arg25 : memref<!tpu.dma_semaphore, #tpu.memory_space<semaphore_mem>>)
        } else {
        }
        %ne3A_219 = arith.constant 1562 : i32
        %ne3A_220 = arith.cmpi ne, %add3A_213, %ne3A_219 : i32
        %convert_element_type3A_221 = arith.extui %ne3A_220 : i1 to i32
        %cond3A_222 = arith.constant 0 : i32
        %cond3A_223 = arith.cmpi ne, %convert_element_type3A_221, %cond3A_222 : i32
        scf.if %cond3A_223 {
          %mul3A_224 = arith.constant 128 : i32
          %mul3A_225 = arith.muli %add3A_213, %mul3A_224 : i32
          %dma_start3A = arith.constant 0 : i32
          %dma_start3A_226 = tpu.memref_slice %arg4[%mul3A_225, %dma_start3A] : memref<200000x128xf32, #tpu.memory_space<hbm>> -> memref<128x128xf32, #tpu.memory_space<hbm>>
          %dma_start3A_227 = arith.constant 0 : i32
          %dma_start3A_228 = tpu.memref_slice %arg4[%mul3A_225, %dma_start3A_227] : memref<200000x128xf32, #tpu.memory_space<hbm>> -> memref<128x128xf32, #tpu.memory_space<hbm>>
          tpu.enqueue_dma source(%arg7 : memref<128x128xf32, #tpu.memory_space<vmem>>) target(%dma_start3A_228 : memref<128x128xf32, #tpu.memory_space<hbm>>) target_semaphore(%arg25 : memref<!tpu.dma_semaphore, #tpu.memory_space<semaphore_mem>>)
        } else {
        }
      } else {
      }
      %mul3A_153 = arith.constant 6 : i32
      %mul3A_154 = arith.muli %add3A_136, %mul3A_153 : i32
      %add3A_155 = arith.constant 2 : i32
      %add3A_156 = arith.addi %mul3A_154, %add3A_155 : i32
      %lt3A_157 = arith.cmpi slt, %add3A_156, %select_n3A : i32
      %convert_element_type3A_158 = arith.extui %lt3A_157 : i1 to i32
      %cond3A_159 = arith.constant 0 : i32
      %cond3A_160 = arith.cmpi ne, %convert_element_type3A_158, %cond3A_159 : i32
      scf.if %cond3A_160 {
        %ge3A_185 = arith.constant 1 : i32
        %ge3A_186 = arith.cmpi sge, %add3A_156, %ge3A_185 : i32
        %convert_element_type3A_187 = arith.extui %ge3A_186 : i1 to i32
        %cond3A_188 = arith.constant 0 : i32
        %cond3A_189 = arith.cmpi ne, %convert_element_type3A_187, %cond3A_188 : i32
        scf.if %cond3A_189 {
          %dma_wait3A_224 = arith.constant 0 : i32
          %dma_wait3A_225 = arith.constant 0 : i32
          %dma_wait3A_226 = tpu.memref_slice %arg7[%dma_wait3A_224, %dma_wait3A_225] : memref<128x128xf32, #tpu.memory_space<vmem>> -> memref<128x128xf32, #tpu.memory_space<vmem>>
          %dma_wait3A_227 = arith.constant 0 : i32
          %dma_wait3A_228 = arith.constant 0 : i32
          %dma_wait3A_229 = tpu.memref_slice %arg4[%dma_wait3A_227, %dma_wait3A_228] : memref<200000x128xf32, #tpu.memory_space<hbm>> -> memref<128x128xf32, #tpu.memory_space<hbm>>
          %dma_wait3A_230 = arith.constant 0 : i32
          %dma_wait3A_231 = arith.constant 0 : i32
          %dma_wait3A_232 = tpu.memref_slice %arg4[%dma_wait3A_230, %dma_wait3A_231] : memref<200000x128xf32, #tpu.memory_space<hbm>> -> memref<128x128xf32, #tpu.memory_space<hbm>>
          %dma_wait3A_233 = arith.constant 0 : i32
          %dma_wait3A_234 = arith.constant 0 : i32
          %dma_wait3A_235 = tpu.memref_slice %arg7[%dma_wait3A_233, %dma_wait3A_234] : memref<128x128xf32, #tpu.memory_space<vmem>> -> memref<128x128xf32, #tpu.memory_space<vmem>>
          tpu.wait_dma2 semaphore(%arg25 : memref<!tpu.dma_semaphore, #tpu.memory_space<semaphore_mem>>) src(%dma_wait3A_235 : memref<128x128xf32, #tpu.memory_space<vmem>>) dst(%dma_wait3A_232 : memref<128x128xf32, #tpu.memory_space<hbm>>)
        } else {
        }
        %add3A_190 = arith.constant 6 : i32
        %add3A_191 = arith.addi %add3A_156, %add3A_190 : i32
        %sub3A_192 = arith.constant 1 : i32
        %sub3A_193 = arith.subi %add3A_191, %sub3A_192 : i32
        %lt3A_194 = arith.cmpi slt, %sub3A_193, %select_n3A : i32
        %convert_element_type3A_195 = arith.extui %lt3A_194 : i1 to i32
        %cond3A_196 = arith.constant 0 : i32
        %cond3A_197 = arith.cmpi ne, %convert_element_type3A_195, %cond3A_196 : i32
        scf.if %cond3A_197 {
          %add3A_224 = arith.constant 6 : i32
          %add3A_225 = arith.addi %add3A_156, %add3A_224 : i32
          %sub3A_226 = arith.constant 1 : i32
          %sub3A_227 = arith.subi %add3A_225, %sub3A_226 : i32
          %mul3A_228 = arith.constant 128 : i32
          %mul3A_229 = arith.muli %sub3A_227, %mul3A_228 : i32
          %dma_start3A = arith.constant 0 : i32
          %dma_start3A_230 = arith.constant 0 : i32
          %dma_start3A_231 = tpu.memref_slice %arg7[%dma_start3A, %dma_start3A_230] : memref<128x128xf32, #tpu.memory_space<vmem>> -> memref<64x128xf32, #tpu.memory_space<vmem>>
          %dma_start3A_232 = tpu.memref_slice %arg5[%mul3A_229] : memref<6272xi32, #tpu.memory_space<vmem>> -> memref<64xi32, #tpu.memory_space<vmem>>
          %dma_start3A_233 = arith.constant 0 : i32
          %dma_start3A_234 = arith.constant 0 : i32
          %dma_start3A_235 = tpu.memref_slice %arg2[%dma_start3A_233, %dma_start3A_234] : memref<100000x128xf32, #tpu.memory_space<hbm>> -> memref<100000x128xf32, #tpu.memory_space<hbm>>
          tpu.enqueue_indirect_dma source(%dma_start3A_235 : memref<100000x128xf32, #tpu.memory_space<hbm>>) target(%dma_start3A_231 : memref<64x128xf32, #tpu.memory_space<vmem>>) offsets(%dma_start3A_232 : memref<64xi32, #tpu.memory_space<vmem>>) semaphore(%arg13 : memref<!tpu.dma_semaphore, #tpu.memory_space<semaphore_mem>>)
          %mul3A_236 = arith.constant 128 : i32
          %mul3A_237 = arith.muli %sub3A_227, %mul3A_236 : i32
          %add3A_238 = arith.constant 64 : i32
          %add3A_239 = arith.addi %mul3A_237, %add3A_238 : i32
          %dma_start3A_240 = arith.constant 64 : i32
          %dma_start3A_241 = arith.constant 0 : i32
          %dma_start3A_242 = tpu.memref_slice %arg7[%dma_start3A_240, %dma_start3A_241] : memref<128x128xf32, #tpu.memory_space<vmem>> -> memref<64x128xf32, #tpu.memory_space<vmem>>
          %dma_start3A_243 = tpu.memref_slice %arg5[%add3A_239] : memref<6272xi32, #tpu.memory_space<vmem>> -> memref<64xi32, #tpu.memory_space<vmem>>
          %dma_start3A_244 = arith.constant 0 : i32
          %dma_start3A_245 = arith.constant 0 : i32
          %dma_start3A_246 = tpu.memref_slice %arg2[%dma_start3A_244, %dma_start3A_245] : memref<100000x128xf32, #tpu.memory_space<hbm>> -> memref<100000x128xf32, #tpu.memory_space<hbm>>
          tpu.enqueue_indirect_dma source(%dma_start3A_246 : memref<100000x128xf32, #tpu.memory_space<hbm>>) target(%dma_start3A_242 : memref<64x128xf32, #tpu.memory_space<vmem>>) offsets(%dma_start3A_243 : memref<64xi32, #tpu.memory_space<vmem>>) semaphore(%arg19 : memref<!tpu.dma_semaphore, #tpu.memory_space<semaphore_mem>>)
        } else {
        }
        %dma_wait3A = arith.constant 0 : i32
        %dma_wait3A_198 = arith.constant 0 : i32
        %dma_wait3A_199 = tpu.memref_slice %arg8[%dma_wait3A, %dma_wait3A_198] : memref<128x128xf32, #tpu.memory_space<vmem>> -> memref<64x128xf32, #tpu.memory_space<vmem>>
        %dma_wait3A_200 = arith.constant 0 : i32
        %dma_wait3A_201 = tpu.memref_slice %arg5[%dma_wait3A_200] : memref<6272xi32, #tpu.memory_space<vmem>> -> memref<64xi32, #tpu.memory_space<vmem>>
        %dma_wait3A_202 = arith.constant 0 : i32
        %dma_wait3A_203 = arith.constant 0 : i32
        %dma_wait3A_204 = tpu.memref_slice %arg2[%dma_wait3A_202, %dma_wait3A_203] : memref<100000x128xf32, #tpu.memory_space<hbm>> -> memref<100000x128xf32, #tpu.memory_space<hbm>>
        tpu.wait_indirect_dma semaphore(%arg14 : memref<!tpu.dma_semaphore, #tpu.memory_space<semaphore_mem>>) src(%dma_wait3A_204 : memref<100000x128xf32, #tpu.memory_space<hbm>>) dst(%dma_wait3A_199 : memref<64x128xf32, #tpu.memory_space<vmem>>)
        %dma_wait3A_205 = arith.constant 64 : i32
        %dma_wait3A_206 = arith.constant 0 : i32
        %dma_wait3A_207 = tpu.memref_slice %arg8[%dma_wait3A_205, %dma_wait3A_206] : memref<128x128xf32, #tpu.memory_space<vmem>> -> memref<64x128xf32, #tpu.memory_space<vmem>>
        %dma_wait3A_208 = arith.constant 0 : i32
        %dma_wait3A_209 = tpu.memref_slice %arg5[%dma_wait3A_208] : memref<6272xi32, #tpu.memory_space<vmem>> -> memref<64xi32, #tpu.memory_space<vmem>>
        %dma_wait3A_210 = arith.constant 0 : i32
        %dma_wait3A_211 = arith.constant 0 : i32
        %dma_wait3A_212 = tpu.memref_slice %arg2[%dma_wait3A_210, %dma_wait3A_211] : memref<100000x128xf32, #tpu.memory_space<hbm>> -> memref<100000x128xf32, #tpu.memory_space<hbm>>
        tpu.wait_indirect_dma semaphore(%arg20 : memref<!tpu.dma_semaphore, #tpu.memory_space<semaphore_mem>>) src(%dma_wait3A_212 : memref<100000x128xf32, #tpu.memory_space<hbm>>) dst(%dma_wait3A_207 : memref<64x128xf32, #tpu.memory_space<vmem>>)
        %add3A_213 = arith.addi %select_n3A_12, %add3A_156 : i32
        %eq3A_214 = arith.constant 1562 : i32
        %eq3A_215 = arith.cmpi eq, %add3A_213, %eq3A_214 : i32
        %convert_element_type3A_216 = arith.extui %eq3A_215 : i1 to i32
        %cond3A_217 = arith.constant 0 : i32
        %cond3A_218 = arith.cmpi ne, %convert_element_type3A_216, %cond3A_217 : i32
        scf.if %cond3A_218 {
          %mul3A_224 = arith.constant 128 : i32
          %mul3A_225 = arith.muli %add3A_213, %mul3A_224 : i32
          %dma_start3A = arith.constant 0 : i32
          %dma_start3A_226 = arith.constant 0 : i32
          %dma_start3A_227 = tpu.memref_slice %arg8[%dma_start3A, %dma_start3A_226] : memref<128x128xf32, #tpu.memory_space<vmem>> -> memref<64x128xf32, #tpu.memory_space<vmem>>
          %dma_start3A_228 = arith.constant 0 : i32
          %dma_start3A_229 = tpu.memref_slice %arg4[%mul3A_225, %dma_start3A_228] : memref<200000x128xf32, #tpu.memory_space<hbm>> -> memref<64x128xf32, #tpu.memory_space<hbm>>
          %dma_start3A_230 = arith.constant 0 : i32
          %dma_start3A_231 = tpu.memref_slice %arg4[%mul3A_225, %dma_start3A_230] : memref<200000x128xf32, #tpu.memory_space<hbm>> -> memref<64x128xf32, #tpu.memory_space<hbm>>
          %dma_start3A_232 = arith.constant 0 : i32
          %dma_start3A_233 = arith.constant 0 : i32
          %dma_start3A_234 = tpu.memref_slice %arg8[%dma_start3A_232, %dma_start3A_233] : memref<128x128xf32, #tpu.memory_space<vmem>> -> memref<64x128xf32, #tpu.memory_space<vmem>>
          tpu.enqueue_dma source(%dma_start3A_234 : memref<64x128xf32, #tpu.memory_space<vmem>>) target(%dma_start3A_231 : memref<64x128xf32, #tpu.memory_space<hbm>>) target_semaphore(%arg26 : memref<!tpu.dma_semaphore, #tpu.memory_space<semaphore_mem>>)
        } else {
        }
        %ne3A_219 = arith.constant 1562 : i32
        %ne3A_220 = arith.cmpi ne, %add3A_213, %ne3A_219 : i32
        %convert_element_type3A_221 = arith.extui %ne3A_220 : i1 to i32
        %cond3A_222 = arith.constant 0 : i32
        %cond3A_223 = arith.cmpi ne, %convert_element_type3A_221, %cond3A_222 : i32
        scf.if %cond3A_223 {
          %mul3A_224 = arith.constant 128 : i32
          %mul3A_225 = arith.muli %add3A_213, %mul3A_224 : i32
          %dma_start3A = arith.constant 0 : i32
          %dma_start3A_226 = tpu.memref_slice %arg4[%mul3A_225, %dma_start3A] : memref<200000x128xf32, #tpu.memory_space<hbm>> -> memref<128x128xf32, #tpu.memory_space<hbm>>
          %dma_start3A_227 = arith.constant 0 : i32
          %dma_start3A_228 = tpu.memref_slice %arg4[%mul3A_225, %dma_start3A_227] : memref<200000x128xf32, #tpu.memory_space<hbm>> -> memref<128x128xf32, #tpu.memory_space<hbm>>
          tpu.enqueue_dma source(%arg8 : memref<128x128xf32, #tpu.memory_space<vmem>>) target(%dma_start3A_228 : memref<128x128xf32, #tpu.memory_space<hbm>>) target_semaphore(%arg26 : memref<!tpu.dma_semaphore, #tpu.memory_space<semaphore_mem>>)
        } else {
        }
      } else {
      }
      %mul3A_161 = arith.constant 6 : i32
      %mul3A_162 = arith.muli %add3A_136, %mul3A_161 : i32
      %add3A_163 = arith.constant 3 : i32
      %add3A_164 = arith.addi %mul3A_162, %add3A_163 : i32
      %lt3A_165 = arith.cmpi slt, %add3A_164, %select_n3A : i32
      %convert_element_type3A_166 = arith.extui %lt3A_165 : i1 to i32
      %cond3A_167 = arith.constant 0 : i32
      %cond3A_168 = arith.cmpi ne, %convert_element_type3A_166, %cond3A_167 : i32
      scf.if %cond3A_168 {
        %ge3A_185 = arith.constant 1 : i32
        %ge3A_186 = arith.cmpi sge, %add3A_164, %ge3A_185 : i32
        %convert_element_type3A_187 = arith.extui %ge3A_186 : i1 to i32
        %cond3A_188 = arith.constant 0 : i32
        %cond3A_189 = arith.cmpi ne, %convert_element_type3A_187, %cond3A_188 : i32
        scf.if %cond3A_189 {
          %dma_wait3A_224 = arith.constant 0 : i32
          %dma_wait3A_225 = arith.constant 0 : i32
          %dma_wait3A_226 = tpu.memref_slice %arg8[%dma_wait3A_224, %dma_wait3A_225] : memref<128x128xf32, #tpu.memory_space<vmem>> -> memref<128x128xf32, #tpu.memory_space<vmem>>
          %dma_wait3A_227 = arith.constant 0 : i32
          %dma_wait3A_228 = arith.constant 0 : i32
          %dma_wait3A_229 = tpu.memref_slice %arg4[%dma_wait3A_227, %dma_wait3A_228] : memref<200000x128xf32, #tpu.memory_space<hbm>> -> memref<128x128xf32, #tpu.memory_space<hbm>>
          %dma_wait3A_230 = arith.constant 0 : i32
          %dma_wait3A_231 = arith.constant 0 : i32
          %dma_wait3A_232 = tpu.memref_slice %arg4[%dma_wait3A_230, %dma_wait3A_231] : memref<200000x128xf32, #tpu.memory_space<hbm>> -> memref<128x128xf32, #tpu.memory_space<hbm>>
          %dma_wait3A_233 = arith.constant 0 : i32
          %dma_wait3A_234 = arith.constant 0 : i32
          %dma_wait3A_235 = tpu.memref_slice %arg8[%dma_wait3A_233, %dma_wait3A_234] : memref<128x128xf32, #tpu.memory_space<vmem>> -> memref<128x128xf32, #tpu.memory_space<vmem>>
          tpu.wait_dma2 semaphore(%arg26 : memref<!tpu.dma_semaphore, #tpu.memory_space<semaphore_mem>>) src(%dma_wait3A_235 : memref<128x128xf32, #tpu.memory_space<vmem>>) dst(%dma_wait3A_232 : memref<128x128xf32, #tpu.memory_space<hbm>>)
        } else {
        }
        %add3A_190 = arith.constant 6 : i32
        %add3A_191 = arith.addi %add3A_164, %add3A_190 : i32
        %sub3A_192 = arith.constant 1 : i32
        %sub3A_193 = arith.subi %add3A_191, %sub3A_192 : i32
        %lt3A_194 = arith.cmpi slt, %sub3A_193, %select_n3A : i32
        %convert_element_type3A_195 = arith.extui %lt3A_194 : i1 to i32
        %cond3A_196 = arith.constant 0 : i32
        %cond3A_197 = arith.cmpi ne, %convert_element_type3A_195, %cond3A_196 : i32
        scf.if %cond3A_197 {
          %add3A_224 = arith.constant 6 : i32
          %add3A_225 = arith.addi %add3A_164, %add3A_224 : i32
          %sub3A_226 = arith.constant 1 : i32
          %sub3A_227 = arith.subi %add3A_225, %sub3A_226 : i32
          %mul3A_228 = arith.constant 128 : i32
          %mul3A_229 = arith.muli %sub3A_227, %mul3A_228 : i32
          %dma_start3A = arith.constant 0 : i32
          %dma_start3A_230 = arith.constant 0 : i32
          %dma_start3A_231 = tpu.memref_slice %arg8[%dma_start3A, %dma_start3A_230] : memref<128x128xf32, #tpu.memory_space<vmem>> -> memref<64x128xf32, #tpu.memory_space<vmem>>
          %dma_start3A_232 = tpu.memref_slice %arg5[%mul3A_229] : memref<6272xi32, #tpu.memory_space<vmem>> -> memref<64xi32, #tpu.memory_space<vmem>>
          %dma_start3A_233 = arith.constant 0 : i32
          %dma_start3A_234 = arith.constant 0 : i32
          %dma_start3A_235 = tpu.memref_slice %arg2[%dma_start3A_233, %dma_start3A_234] : memref<100000x128xf32, #tpu.memory_space<hbm>> -> memref<100000x128xf32, #tpu.memory_space<hbm>>
          tpu.enqueue_indirect_dma source(%dma_start3A_235 : memref<100000x128xf32, #tpu.memory_space<hbm>>) target(%dma_start3A_231 : memref<64x128xf32, #tpu.memory_space<vmem>>) offsets(%dma_start3A_232 : memref<64xi32, #tpu.memory_space<vmem>>) semaphore(%arg14 : memref<!tpu.dma_semaphore, #tpu.memory_space<semaphore_mem>>)
          %mul3A_236 = arith.constant 128 : i32
          %mul3A_237 = arith.muli %sub3A_227, %mul3A_236 : i32
          %add3A_238 = arith.constant 64 : i32
          %add3A_239 = arith.addi %mul3A_237, %add3A_238 : i32
          %dma_start3A_240 = arith.constant 64 : i32
          %dma_start3A_241 = arith.constant 0 : i32
          %dma_start3A_242 = tpu.memref_slice %arg8[%dma_start3A_240, %dma_start3A_241] : memref<128x128xf32, #tpu.memory_space<vmem>> -> memref<64x128xf32, #tpu.memory_space<vmem>>
          %dma_start3A_243 = tpu.memref_slice %arg5[%add3A_239] : memref<6272xi32, #tpu.memory_space<vmem>> -> memref<64xi32, #tpu.memory_space<vmem>>
          %dma_start3A_244 = arith.constant 0 : i32
          %dma_start3A_245 = arith.constant 0 : i32
          %dma_start3A_246 = tpu.memref_slice %arg2[%dma_start3A_244, %dma_start3A_245] : memref<100000x128xf32, #tpu.memory_space<hbm>> -> memref<100000x128xf32, #tpu.memory_space<hbm>>
          tpu.enqueue_indirect_dma source(%dma_start3A_246 : memref<100000x128xf32, #tpu.memory_space<hbm>>) target(%dma_start3A_242 : memref<64x128xf32, #tpu.memory_space<vmem>>) offsets(%dma_start3A_243 : memref<64xi32, #tpu.memory_space<vmem>>) semaphore(%arg20 : memref<!tpu.dma_semaphore, #tpu.memory_space<semaphore_mem>>)
        } else {
        }
        %dma_wait3A = arith.constant 0 : i32
        %dma_wait3A_198 = arith.constant 0 : i32
        %dma_wait3A_199 = tpu.memref_slice %arg9[%dma_wait3A, %dma_wait3A_198] : memref<128x128xf32, #tpu.memory_space<vmem>> -> memref<64x128xf32, #tpu.memory_space<vmem>>
        %dma_wait3A_200 = arith.constant 0 : i32
        %dma_wait3A_201 = tpu.memref_slice %arg5[%dma_wait3A_200] : memref<6272xi32, #tpu.memory_space<vmem>> -> memref<64xi32, #tpu.memory_space<vmem>>
        %dma_wait3A_202 = arith.constant 0 : i32
        %dma_wait3A_203 = arith.constant 0 : i32
        %dma_wait3A_204 = tpu.memref_slice %arg2[%dma_wait3A_202, %dma_wait3A_203] : memref<100000x128xf32, #tpu.memory_space<hbm>> -> memref<100000x128xf32, #tpu.memory_space<hbm>>
        tpu.wait_indirect_dma semaphore(%arg15 : memref<!tpu.dma_semaphore, #tpu.memory_space<semaphore_mem>>) src(%dma_wait3A_204 : memref<100000x128xf32, #tpu.memory_space<hbm>>) dst(%dma_wait3A_199 : memref<64x128xf32, #tpu.memory_space<vmem>>)
        %dma_wait3A_205 = arith.constant 64 : i32
        %dma_wait3A_206 = arith.constant 0 : i32
        %dma_wait3A_207 = tpu.memref_slice %arg9[%dma_wait3A_205, %dma_wait3A_206] : memref<128x128xf32, #tpu.memory_space<vmem>> -> memref<64x128xf32, #tpu.memory_space<vmem>>
        %dma_wait3A_208 = arith.constant 0 : i32
        %dma_wait3A_209 = tpu.memref_slice %arg5[%dma_wait3A_208] : memref<6272xi32, #tpu.memory_space<vmem>> -> memref<64xi32, #tpu.memory_space<vmem>>
        %dma_wait3A_210 = arith.constant 0 : i32
        %dma_wait3A_211 = arith.constant 0 : i32
        %dma_wait3A_212 = tpu.memref_slice %arg2[%dma_wait3A_210, %dma_wait3A_211] : memref<100000x128xf32, #tpu.memory_space<hbm>> -> memref<100000x128xf32, #tpu.memory_space<hbm>>
        tpu.wait_indirect_dma semaphore(%arg21 : memref<!tpu.dma_semaphore, #tpu.memory_space<semaphore_mem>>) src(%dma_wait3A_212 : memref<100000x128xf32, #tpu.memory_space<hbm>>) dst(%dma_wait3A_207 : memref<64x128xf32, #tpu.memory_space<vmem>>)
        %add3A_213 = arith.addi %select_n3A_12, %add3A_164 : i32
        %eq3A_214 = arith.constant 1562 : i32
        %eq3A_215 = arith.cmpi eq, %add3A_213, %eq3A_214 : i32
        %convert_element_type3A_216 = arith.extui %eq3A_215 : i1 to i32
        %cond3A_217 = arith.constant 0 : i32
        %cond3A_218 = arith.cmpi ne, %convert_element_type3A_216, %cond3A_217 : i32
        scf.if %cond3A_218 {
          %mul3A_224 = arith.constant 128 : i32
          %mul3A_225 = arith.muli %add3A_213, %mul3A_224 : i32
          %dma_start3A = arith.constant 0 : i32
          %dma_start3A_226 = arith.constant 0 : i32
          %dma_start3A_227 = tpu.memref_slice %arg9[%dma_start3A, %dma_start3A_226] : memref<128x128xf32, #tpu.memory_space<vmem>> -> memref<64x128xf32, #tpu.memory_space<vmem>>
          %dma_start3A_228 = arith.constant 0 : i32
          %dma_start3A_229 = tpu.memref_slice %arg4[%mul3A_225, %dma_start3A_228] : memref<200000x128xf32, #tpu.memory_space<hbm>> -> memref<64x128xf32, #tpu.memory_space<hbm>>
          %dma_start3A_230 = arith.constant 0 : i32
          %dma_start3A_231 = tpu.memref_slice %arg4[%mul3A_225, %dma_start3A_230] : memref<200000x128xf32, #tpu.memory_space<hbm>> -> memref<64x128xf32, #tpu.memory_space<hbm>>
          %dma_start3A_232 = arith.constant 0 : i32
          %dma_start3A_233 = arith.constant 0 : i32
          %dma_start3A_234 = tpu.memref_slice %arg9[%dma_start3A_232, %dma_start3A_233] : memref<128x128xf32, #tpu.memory_space<vmem>> -> memref<64x128xf32, #tpu.memory_space<vmem>>
          tpu.enqueue_dma source(%dma_start3A_234 : memref<64x128xf32, #tpu.memory_space<vmem>>) target(%dma_start3A_231 : memref<64x128xf32, #tpu.memory_space<hbm>>) target_semaphore(%arg27 : memref<!tpu.dma_semaphore, #tpu.memory_space<semaphore_mem>>)
        } else {
        }
        %ne3A_219 = arith.constant 1562 : i32
        %ne3A_220 = arith.cmpi ne, %add3A_213, %ne3A_219 : i32
        %convert_element_type3A_221 = arith.extui %ne3A_220 : i1 to i32
        %cond3A_222 = arith.constant 0 : i32
        %cond3A_223 = arith.cmpi ne, %convert_element_type3A_221, %cond3A_222 : i32
        scf.if %cond3A_223 {
          %mul3A_224 = arith.constant 128 : i32
          %mul3A_225 = arith.muli %add3A_213, %mul3A_224 : i32
          %dma_start3A = arith.constant 0 : i32
          %dma_start3A_226 = tpu.memref_slice %arg4[%mul3A_225, %dma_start3A] : memref<200000x128xf32, #tpu.memory_space<hbm>> -> memref<128x128xf32, #tpu.memory_space<hbm>>
          %dma_start3A_227 = arith.constant 0 : i32
          %dma_start3A_228 = tpu.memref_slice %arg4[%mul3A_225, %dma_start3A_227] : memref<200000x128xf32, #tpu.memory_space<hbm>> -> memref<128x128xf32, #tpu.memory_space<hbm>>
          tpu.enqueue_dma source(%arg9 : memref<128x128xf32, #tpu.memory_space<vmem>>) target(%dma_start3A_228 : memref<128x128xf32, #tpu.memory_space<hbm>>) target_semaphore(%arg27 : memref<!tpu.dma_semaphore, #tpu.memory_space<semaphore_mem>>)
        } else {
        }
      } else {
      }
      %mul3A_169 = arith.constant 6 : i32
      %mul3A_170 = arith.muli %add3A_136, %mul3A_169 : i32
      %add3A_171 = arith.constant 4 : i32
      %add3A_172 = arith.addi %mul3A_170, %add3A_171 : i32
      %lt3A_173 = arith.cmpi slt, %add3A_172, %select_n3A : i32
      %convert_element_type3A_174 = arith.extui %lt3A_173 : i1 to i32
      %cond3A_175 = arith.constant 0 : i32
      %cond3A_176 = arith.cmpi ne, %convert_element_type3A_174, %cond3A_175 : i32
      scf.if %cond3A_176 {
        %ge3A_185 = arith.constant 1 : i32
        %ge3A_186 = arith.cmpi sge, %add3A_172, %ge3A_185 : i32
        %convert_element_type3A_187 = arith.extui %ge3A_186 : i1 to i32
        %cond3A_188 = arith.constant 0 : i32
        %cond3A_189 = arith.cmpi ne, %convert_element_type3A_187, %cond3A_188 : i32
        scf.if %cond3A_189 {
          %dma_wait3A_224 = arith.constant 0 : i32
          %dma_wait3A_225 = arith.constant 0 : i32
          %dma_wait3A_226 = tpu.memref_slice %arg9[%dma_wait3A_224, %dma_wait3A_225] : memref<128x128xf32, #tpu.memory_space<vmem>> -> memref<128x128xf32, #tpu.memory_space<vmem>>
          %dma_wait3A_227 = arith.constant 0 : i32
          %dma_wait3A_228 = arith.constant 0 : i32
          %dma_wait3A_229 = tpu.memref_slice %arg4[%dma_wait3A_227, %dma_wait3A_228] : memref<200000x128xf32, #tpu.memory_space<hbm>> -> memref<128x128xf32, #tpu.memory_space<hbm>>
          %dma_wait3A_230 = arith.constant 0 : i32
          %dma_wait3A_231 = arith.constant 0 : i32
          %dma_wait3A_232 = tpu.memref_slice %arg4[%dma_wait3A_230, %dma_wait3A_231] : memref<200000x128xf32, #tpu.memory_space<hbm>> -> memref<128x128xf32, #tpu.memory_space<hbm>>
          %dma_wait3A_233 = arith.constant 0 : i32
          %dma_wait3A_234 = arith.constant 0 : i32
          %dma_wait3A_235 = tpu.memref_slice %arg9[%dma_wait3A_233, %dma_wait3A_234] : memref<128x128xf32, #tpu.memory_space<vmem>> -> memref<128x128xf32, #tpu.memory_space<vmem>>
          tpu.wait_dma2 semaphore(%arg27 : memref<!tpu.dma_semaphore, #tpu.memory_space<semaphore_mem>>) src(%dma_wait3A_235 : memref<128x128xf32, #tpu.memory_space<vmem>>) dst(%dma_wait3A_232 : memref<128x128xf32, #tpu.memory_space<hbm>>)
        } else {
        }
        %add3A_190 = arith.constant 6 : i32
        %add3A_191 = arith.addi %add3A_172, %add3A_190 : i32
        %sub3A_192 = arith.constant 1 : i32
        %sub3A_193 = arith.subi %add3A_191, %sub3A_192 : i32
        %lt3A_194 = arith.cmpi slt, %sub3A_193, %select_n3A : i32
        %convert_element_type3A_195 = arith.extui %lt3A_194 : i1 to i32
        %cond3A_196 = arith.constant 0 : i32
        %cond3A_197 = arith.cmpi ne, %convert_element_type3A_195, %cond3A_196 : i32
        scf.if %cond3A_197 {
          %add3A_224 = arith.constant 6 : i32
          %add3A_225 = arith.addi %add3A_172, %add3A_224 : i32
          %sub3A_226 = arith.constant 1 : i32
          %sub3A_227 = arith.subi %add3A_225, %sub3A_226 : i32
          %mul3A_228 = arith.constant 128 : i32
          %mul3A_229 = arith.muli %sub3A_227, %mul3A_228 : i32
          %dma_start3A = arith.constant 0 : i32
          %dma_start3A_230 = arith.constant 0 : i32
          %dma_start3A_231 = tpu.memref_slice %arg9[%dma_start3A, %dma_start3A_230] : memref<128x128xf32, #tpu.memory_space<vmem>> -> memref<64x128xf32, #tpu.memory_space<vmem>>
          %dma_start3A_232 = tpu.memref_slice %arg5[%mul3A_229] : memref<6272xi32, #tpu.memory_space<vmem>> -> memref<64xi32, #tpu.memory_space<vmem>>
          %dma_start3A_233 = arith.constant 0 : i32
          %dma_start3A_234 = arith.constant 0 : i32
          %dma_start3A_235 = tpu.memref_slice %arg2[%dma_start3A_233, %dma_start3A_234] : memref<100000x128xf32, #tpu.memory_space<hbm>> -> memref<100000x128xf32, #tpu.memory_space<hbm>>
          tpu.enqueue_indirect_dma source(%dma_start3A_235 : memref<100000x128xf32, #tpu.memory_space<hbm>>) target(%dma_start3A_231 : memref<64x128xf32, #tpu.memory_space<vmem>>) offsets(%dma_start3A_232 : memref<64xi32, #tpu.memory_space<vmem>>) semaphore(%arg15 : memref<!tpu.dma_semaphore, #tpu.memory_space<semaphore_mem>>)
          %mul3A_236 = arith.constant 128 : i32
          %mul3A_237 = arith.muli %sub3A_227, %mul3A_236 : i32
          %add3A_238 = arith.constant 64 : i32
          %add3A_239 = arith.addi %mul3A_237, %add3A_238 : i32
          %dma_start3A_240 = arith.constant 64 : i32
          %dma_start3A_241 = arith.constant 0 : i32
          %dma_start3A_242 = tpu.memref_slice %arg9[%dma_start3A_240, %dma_start3A_241] : memref<128x128xf32, #tpu.memory_space<vmem>> -> memref<64x128xf32, #tpu.memory_space<vmem>>
          %dma_start3A_243 = tpu.memref_slice %arg5[%add3A_239] : memref<6272xi32, #tpu.memory_space<vmem>> -> memref<64xi32, #tpu.memory_space<vmem>>
          %dma_start3A_244 = arith.constant 0 : i32
          %dma_start3A_245 = arith.constant 0 : i32
          %dma_start3A_246 = tpu.memref_slice %arg2[%dma_start3A_244, %dma_start3A_245] : memref<100000x128xf32, #tpu.memory_space<hbm>> -> memref<100000x128xf32, #tpu.memory_space<hbm>>
          tpu.enqueue_indirect_dma source(%dma_start3A_246 : memref<100000x128xf32, #tpu.memory_space<hbm>>) target(%dma_start3A_242 : memref<64x128xf32, #tpu.memory_space<vmem>>) offsets(%dma_start3A_243 : memref<64xi32, #tpu.memory_space<vmem>>) semaphore(%arg21 : memref<!tpu.dma_semaphore, #tpu.memory_space<semaphore_mem>>)
        } else {
        }
        %dma_wait3A = arith.constant 0 : i32
        %dma_wait3A_198 = arith.constant 0 : i32
        %dma_wait3A_199 = tpu.memref_slice %arg10[%dma_wait3A, %dma_wait3A_198] : memref<128x128xf32, #tpu.memory_space<vmem>> -> memref<64x128xf32, #tpu.memory_space<vmem>>
        %dma_wait3A_200 = arith.constant 0 : i32
        %dma_wait3A_201 = tpu.memref_slice %arg5[%dma_wait3A_200] : memref<6272xi32, #tpu.memory_space<vmem>> -> memref<64xi32, #tpu.memory_space<vmem>>
        %dma_wait3A_202 = arith.constant 0 : i32
        %dma_wait3A_203 = arith.constant 0 : i32
        %dma_wait3A_204 = tpu.memref_slice %arg2[%dma_wait3A_202, %dma_wait3A_203] : memref<100000x128xf32, #tpu.memory_space<hbm>> -> memref<100000x128xf32, #tpu.memory_space<hbm>>
        tpu.wait_indirect_dma semaphore(%arg16 : memref<!tpu.dma_semaphore, #tpu.memory_space<semaphore_mem>>) src(%dma_wait3A_204 : memref<100000x128xf32, #tpu.memory_space<hbm>>) dst(%dma_wait3A_199 : memref<64x128xf32, #tpu.memory_space<vmem>>)
        %dma_wait3A_205 = arith.constant 64 : i32
        %dma_wait3A_206 = arith.constant 0 : i32
        %dma_wait3A_207 = tpu.memref_slice %arg10[%dma_wait3A_205, %dma_wait3A_206] : memref<128x128xf32, #tpu.memory_space<vmem>> -> memref<64x128xf32, #tpu.memory_space<vmem>>
        %dma_wait3A_208 = arith.constant 0 : i32
        %dma_wait3A_209 = tpu.memref_slice %arg5[%dma_wait3A_208] : memref<6272xi32, #tpu.memory_space<vmem>> -> memref<64xi32, #tpu.memory_space<vmem>>
        %dma_wait3A_210 = arith.constant 0 : i32
        %dma_wait3A_211 = arith.constant 0 : i32
        %dma_wait3A_212 = tpu.memref_slice %arg2[%dma_wait3A_210, %dma_wait3A_211] : memref<100000x128xf32, #tpu.memory_space<hbm>> -> memref<100000x128xf32, #tpu.memory_space<hbm>>
        tpu.wait_indirect_dma semaphore(%arg22 : memref<!tpu.dma_semaphore, #tpu.memory_space<semaphore_mem>>) src(%dma_wait3A_212 : memref<100000x128xf32, #tpu.memory_space<hbm>>) dst(%dma_wait3A_207 : memref<64x128xf32, #tpu.memory_space<vmem>>)
        %add3A_213 = arith.addi %select_n3A_12, %add3A_172 : i32
        %eq3A_214 = arith.constant 1562 : i32
        %eq3A_215 = arith.cmpi eq, %add3A_213, %eq3A_214 : i32
        %convert_element_type3A_216 = arith.extui %eq3A_215 : i1 to i32
        %cond3A_217 = arith.constant 0 : i32
        %cond3A_218 = arith.cmpi ne, %convert_element_type3A_216, %cond3A_217 : i32
        scf.if %cond3A_218 {
          %mul3A_224 = arith.constant 128 : i32
          %mul3A_225 = arith.muli %add3A_213, %mul3A_224 : i32
          %dma_start3A = arith.constant 0 : i32
          %dma_start3A_226 = arith.constant 0 : i32
          %dma_start3A_227 = tpu.memref_slice %arg10[%dma_start3A, %dma_start3A_226] : memref<128x128xf32, #tpu.memory_space<vmem>> -> memref<64x128xf32, #tpu.memory_space<vmem>>
          %dma_start3A_228 = arith.constant 0 : i32
          %dma_start3A_229 = tpu.memref_slice %arg4[%mul3A_225, %dma_start3A_228] : memref<200000x128xf32, #tpu.memory_space<hbm>> -> memref<64x128xf32, #tpu.memory_space<hbm>>
          %dma_start3A_230 = arith.constant 0 : i32
          %dma_start3A_231 = tpu.memref_slice %arg4[%mul3A_225, %dma_start3A_230] : memref<200000x128xf32, #tpu.memory_space<hbm>> -> memref<64x128xf32, #tpu.memory_space<hbm>>
          %dma_start3A_232 = arith.constant 0 : i32
          %dma_start3A_233 = arith.constant 0 : i32
          %dma_start3A_234 = tpu.memref_slice %arg10[%dma_start3A_232, %dma_start3A_233] : memref<128x128xf32, #tpu.memory_space<vmem>> -> memref<64x128xf32, #tpu.memory_space<vmem>>
          tpu.enqueue_dma source(%dma_start3A_234 : memref<64x128xf32, #tpu.memory_space<vmem>>) target(%dma_start3A_231 : memref<64x128xf32, #tpu.memory_space<hbm>>) target_semaphore(%arg28 : memref<!tpu.dma_semaphore, #tpu.memory_space<semaphore_mem>>)
        } else {
        }
        %ne3A_219 = arith.constant 1562 : i32
        %ne3A_220 = arith.cmpi ne, %add3A_213, %ne3A_219 : i32
        %convert_element_type3A_221 = arith.extui %ne3A_220 : i1 to i32
        %cond3A_222 = arith.constant 0 : i32
        %cond3A_223 = arith.cmpi ne, %convert_element_type3A_221, %cond3A_222 : i32
        scf.if %cond3A_223 {
          %mul3A_224 = arith.constant 128 : i32
          %mul3A_225 = arith.muli %add3A_213, %mul3A_224 : i32
          %dma_start3A = arith.constant 0 : i32
          %dma_start3A_226 = tpu.memref_slice %arg4[%mul3A_225, %dma_start3A] : memref<200000x128xf32, #tpu.memory_space<hbm>> -> memref<128x128xf32, #tpu.memory_space<hbm>>
          %dma_start3A_227 = arith.constant 0 : i32
          %dma_start3A_228 = tpu.memref_slice %arg4[%mul3A_225, %dma_start3A_227] : memref<200000x128xf32, #tpu.memory_space<hbm>> -> memref<128x128xf32, #tpu.memory_space<hbm>>
          tpu.enqueue_dma source(%arg10 : memref<128x128xf32, #tpu.memory_space<vmem>>) target(%dma_start3A_228 : memref<128x128xf32, #tpu.memory_space<hbm>>) target_semaphore(%arg28 : memref<!tpu.dma_semaphore, #tpu.memory_space<semaphore_mem>>)
        } else {
        }
      } else {
      }
      %mul3A_177 = arith.constant 6 : i32
      %mul3A_178 = arith.muli %add3A_136, %mul3A_177 : i32
      %add3A_179 = arith.constant 5 : i32
      %add3A_180 = arith.addi %mul3A_178, %add3A_179 : i32
      %lt3A_181 = arith.cmpi slt, %add3A_180, %select_n3A : i32
      %convert_element_type3A_182 = arith.extui %lt3A_181 : i1 to i32
      %cond3A_183 = arith.constant 0 : i32
      %cond3A_184 = arith.cmpi ne, %convert_element_type3A_182, %cond3A_183 : i32
      scf.if %cond3A_184 {
        %ge3A_185 = arith.constant 1 : i32
        %ge3A_186 = arith.cmpi sge, %add3A_180, %ge3A_185 : i32
        %convert_element_type3A_187 = arith.extui %ge3A_186 : i1 to i32
        %cond3A_188 = arith.constant 0 : i32
        %cond3A_189 = arith.cmpi ne, %convert_element_type3A_187, %cond3A_188 : i32
        scf.if %cond3A_189 {
          %dma_wait3A_224 = arith.constant 0 : i32
          %dma_wait3A_225 = arith.constant 0 : i32
          %dma_wait3A_226 = tpu.memref_slice %arg10[%dma_wait3A_224, %dma_wait3A_225] : memref<128x128xf32, #tpu.memory_space<vmem>> -> memref<128x128xf32, #tpu.memory_space<vmem>>
          %dma_wait3A_227 = arith.constant 0 : i32
          %dma_wait3A_228 = arith.constant 0 : i32
          %dma_wait3A_229 = tpu.memref_slice %arg4[%dma_wait3A_227, %dma_wait3A_228] : memref<200000x128xf32, #tpu.memory_space<hbm>> -> memref<128x128xf32, #tpu.memory_space<hbm>>
          %dma_wait3A_230 = arith.constant 0 : i32
          %dma_wait3A_231 = arith.constant 0 : i32
          %dma_wait3A_232 = tpu.memref_slice %arg4[%dma_wait3A_230, %dma_wait3A_231] : memref<200000x128xf32, #tpu.memory_space<hbm>> -> memref<128x128xf32, #tpu.memory_space<hbm>>
          %dma_wait3A_233 = arith.constant 0 : i32
          %dma_wait3A_234 = arith.constant 0 : i32
          %dma_wait3A_235 = tpu.memref_slice %arg10[%dma_wait3A_233, %dma_wait3A_234] : memref<128x128xf32, #tpu.memory_space<vmem>> -> memref<128x128xf32, #tpu.memory_space<vmem>>
          tpu.wait_dma2 semaphore(%arg28 : memref<!tpu.dma_semaphore, #tpu.memory_space<semaphore_mem>>) src(%dma_wait3A_235 : memref<128x128xf32, #tpu.memory_space<vmem>>) dst(%dma_wait3A_232 : memref<128x128xf32, #tpu.memory_space<hbm>>)
        } else {
        }
        %add3A_190 = arith.constant 6 : i32
        %add3A_191 = arith.addi %add3A_180, %add3A_190 : i32
        %sub3A_192 = arith.constant 1 : i32
        %sub3A_193 = arith.subi %add3A_191, %sub3A_192 : i32
        %lt3A_194 = arith.cmpi slt, %sub3A_193, %select_n3A : i32
        %convert_element_type3A_195 = arith.extui %lt3A_194 : i1 to i32
        %cond3A_196 = arith.constant 0 : i32
        %cond3A_197 = arith.cmpi ne, %convert_element_type3A_195, %cond3A_196 : i32
        scf.if %cond3A_197 {
          %add3A_224 = arith.constant 6 : i32
          %add3A_225 = arith.addi %add3A_180, %add3A_224 : i32
          %sub3A_226 = arith.constant 1 : i32
          %sub3A_227 = arith.subi %add3A_225, %sub3A_226 : i32
          %mul3A_228 = arith.constant 128 : i32
          %mul3A_229 = arith.muli %sub3A_227, %mul3A_228 : i32
          %dma_start3A = arith.constant 0 : i32
          %dma_start3A_230 = arith.constant 0 : i32
          %dma_start3A_231 = tpu.memref_slice %arg10[%dma_start3A, %dma_start3A_230] : memref<128x128xf32, #tpu.memory_space<vmem>> -> memref<64x128xf32, #tpu.memory_space<vmem>>
          %dma_start3A_232 = tpu.memref_slice %arg5[%mul3A_229] : memref<6272xi32, #tpu.memory_space<vmem>> -> memref<64xi32, #tpu.memory_space<vmem>>
          %dma_start3A_233 = arith.constant 0 : i32
          %dma_start3A_234 = arith.constant 0 : i32
          %dma_start3A_235 = tpu.memref_slice %arg2[%dma_start3A_233, %dma_start3A_234] : memref<100000x128xf32, #tpu.memory_space<hbm>> -> memref<100000x128xf32, #tpu.memory_space<hbm>>
          tpu.enqueue_indirect_dma source(%dma_start3A_235 : memref<100000x128xf32, #tpu.memory_space<hbm>>) target(%dma_start3A_231 : memref<64x128xf32, #tpu.memory_space<vmem>>) offsets(%dma_start3A_232 : memref<64xi32, #tpu.memory_space<vmem>>) semaphore(%arg16 : memref<!tpu.dma_semaphore, #tpu.memory_space<semaphore_mem>>)
          %mul3A_236 = arith.constant 128 : i32
          %mul3A_237 = arith.muli %sub3A_227, %mul3A_236 : i32
          %add3A_238 = arith.constant 64 : i32
          %add3A_239 = arith.addi %mul3A_237, %add3A_238 : i32
          %dma_start3A_240 = arith.constant 64 : i32
          %dma_start3A_241 = arith.constant 0 : i32
          %dma_start3A_242 = tpu.memref_slice %arg10[%dma_start3A_240, %dma_start3A_241] : memref<128x128xf32, #tpu.memory_space<vmem>> -> memref<64x128xf32, #tpu.memory_space<vmem>>
          %dma_start3A_243 = tpu.memref_slice %arg5[%add3A_239] : memref<6272xi32, #tpu.memory_space<vmem>> -> memref<64xi32, #tpu.memory_space<vmem>>
          %dma_start3A_244 = arith.constant 0 : i32
          %dma_start3A_245 = arith.constant 0 : i32
          %dma_start3A_246 = tpu.memref_slice %arg2[%dma_start3A_244, %dma_start3A_245] : memref<100000x128xf32, #tpu.memory_space<hbm>> -> memref<100000x128xf32, #tpu.memory_space<hbm>>
          tpu.enqueue_indirect_dma source(%dma_start3A_246 : memref<100000x128xf32, #tpu.memory_space<hbm>>) target(%dma_start3A_242 : memref<64x128xf32, #tpu.memory_space<vmem>>) offsets(%dma_start3A_243 : memref<64xi32, #tpu.memory_space<vmem>>) semaphore(%arg22 : memref<!tpu.dma_semaphore, #tpu.memory_space<semaphore_mem>>)
        } else {
        }
        %dma_wait3A = arith.constant 0 : i32
        %dma_wait3A_198 = arith.constant 0 : i32
        %dma_wait3A_199 = tpu.memref_slice %arg11[%dma_wait3A, %dma_wait3A_198] : memref<128x128xf32, #tpu.memory_space<vmem>> -> memref<64x128xf32, #tpu.memory_space<vmem>>
        %dma_wait3A_200 = arith.constant 0 : i32
        %dma_wait3A_201 = tpu.memref_slice %arg5[%dma_wait3A_200] : memref<6272xi32, #tpu.memory_space<vmem>> -> memref<64xi32, #tpu.memory_space<vmem>>
        %dma_wait3A_202 = arith.constant 0 : i32
        %dma_wait3A_203 = arith.constant 0 : i32
        %dma_wait3A_204 = tpu.memref_slice %arg2[%dma_wait3A_202, %dma_wait3A_203] : memref<100000x128xf32, #tpu.memory_space<hbm>> -> memref<100000x128xf32, #tpu.memory_space<hbm>>
        tpu.wait_indirect_dma semaphore(%arg17 : memref<!tpu.dma_semaphore, #tpu.memory_space<semaphore_mem>>) src(%dma_wait3A_204 : memref<100000x128xf32, #tpu.memory_space<hbm>>) dst(%dma_wait3A_199 : memref<64x128xf32, #tpu.memory_space<vmem>>)
        %dma_wait3A_205 = arith.constant 64 : i32
        %dma_wait3A_206 = arith.constant 0 : i32
        %dma_wait3A_207 = tpu.memref_slice %arg11[%dma_wait3A_205, %dma_wait3A_206] : memref<128x128xf32, #tpu.memory_space<vmem>> -> memref<64x128xf32, #tpu.memory_space<vmem>>
        %dma_wait3A_208 = arith.constant 0 : i32
        %dma_wait3A_209 = tpu.memref_slice %arg5[%dma_wait3A_208] : memref<6272xi32, #tpu.memory_space<vmem>> -> memref<64xi32, #tpu.memory_space<vmem>>
        %dma_wait3A_210 = arith.constant 0 : i32
        %dma_wait3A_211 = arith.constant 0 : i32
        %dma_wait3A_212 = tpu.memref_slice %arg2[%dma_wait3A_210, %dma_wait3A_211] : memref<100000x128xf32, #tpu.memory_space<hbm>> -> memref<100000x128xf32, #tpu.memory_space<hbm>>
        tpu.wait_indirect_dma semaphore(%arg23 : memref<!tpu.dma_semaphore, #tpu.memory_space<semaphore_mem>>) src(%dma_wait3A_212 : memref<100000x128xf32, #tpu.memory_space<hbm>>) dst(%dma_wait3A_207 : memref<64x128xf32, #tpu.memory_space<vmem>>)
        %add3A_213 = arith.addi %select_n3A_12, %add3A_180 : i32
        %eq3A_214 = arith.constant 1562 : i32
        %eq3A_215 = arith.cmpi eq, %add3A_213, %eq3A_214 : i32
        %convert_element_type3A_216 = arith.extui %eq3A_215 : i1 to i32
        %cond3A_217 = arith.constant 0 : i32
        %cond3A_218 = arith.cmpi ne, %convert_element_type3A_216, %cond3A_217 : i32
        scf.if %cond3A_218 {
          %mul3A_224 = arith.constant 128 : i32
          %mul3A_225 = arith.muli %add3A_213, %mul3A_224 : i32
          %dma_start3A = arith.constant 0 : i32
          %dma_start3A_226 = arith.constant 0 : i32
          %dma_start3A_227 = tpu.memref_slice %arg11[%dma_start3A, %dma_start3A_226] : memref<128x128xf32, #tpu.memory_space<vmem>> -> memref<64x128xf32, #tpu.memory_space<vmem>>
          %dma_start3A_228 = arith.constant 0 : i32
          %dma_start3A_229 = tpu.memref_slice %arg4[%mul3A_225, %dma_start3A_228] : memref<200000x128xf32, #tpu.memory_space<hbm>> -> memref<64x128xf32, #tpu.memory_space<hbm>>
          %dma_start3A_230 = arith.constant 0 : i32
          %dma_start3A_231 = tpu.memref_slice %arg4[%mul3A_225, %dma_start3A_230] : memref<200000x128xf32, #tpu.memory_space<hbm>> -> memref<64x128xf32, #tpu.memory_space<hbm>>
          %dma_start3A_232 = arith.constant 0 : i32
          %dma_start3A_233 = arith.constant 0 : i32
          %dma_start3A_234 = tpu.memref_slice %arg11[%dma_start3A_232, %dma_start3A_233] : memref<128x128xf32, #tpu.memory_space<vmem>> -> memref<64x128xf32, #tpu.memory_space<vmem>>
          tpu.enqueue_dma source(%dma_start3A_234 : memref<64x128xf32, #tpu.memory_space<vmem>>) target(%dma_start3A_231 : memref<64x128xf32, #tpu.memory_space<hbm>>) target_semaphore(%arg29 : memref<!tpu.dma_semaphore, #tpu.memory_space<semaphore_mem>>)
        } else {
        }
        %ne3A_219 = arith.constant 1562 : i32
        %ne3A_220 = arith.cmpi ne, %add3A_213, %ne3A_219 : i32
        %convert_element_type3A_221 = arith.extui %ne3A_220 : i1 to i32
        %cond3A_222 = arith.constant 0 : i32
        %cond3A_223 = arith.cmpi ne, %convert_element_type3A_221, %cond3A_222 : i32
        scf.if %cond3A_223 {
          %mul3A_224 = arith.constant 128 : i32
          %mul3A_225 = arith.muli %add3A_213, %mul3A_224 : i32
          %dma_start3A = arith.constant 0 : i32
          %dma_start3A_226 = tpu.memref_slice %arg4[%mul3A_225, %dma_start3A] : memref<200000x128xf32, #tpu.memory_space<hbm>> -> memref<128x128xf32, #tpu.memory_space<hbm>>
          %dma_start3A_227 = arith.constant 0 : i32
          %dma_start3A_228 = tpu.memref_slice %arg4[%mul3A_225, %dma_start3A_227] : memref<200000x128xf32, #tpu.memory_space<hbm>> -> memref<128x128xf32, #tpu.memory_space<hbm>>
          tpu.enqueue_dma source(%arg11 : memref<128x128xf32, #tpu.memory_space<vmem>>) target(%dma_start3A_228 : memref<128x128xf32, #tpu.memory_space<hbm>>) target_semaphore(%arg29 : memref<!tpu.dma_semaphore, #tpu.memory_space<semaphore_mem>>)
        } else {
        }
      } else {
      }
    }
    %while3A_94 = arith.constant 1 : i32
    scf.for %while3A_134 = %while3A_92 to %while3A_88 step %while3A_94  : i32 {
      %mul3A_135 = arith.muli %while3A_134, %while3A : i32
      %add3A_136 = arith.addi %while3A_85, %mul3A_135 : i32
      %mul3A_137 = arith.constant 6 : i32
      %mul3A_138 = arith.muli %add3A_136, %mul3A_137 : i32
      %add3A_139 = arith.constant 0 : i32
      %add3A_140 = arith.addi %mul3A_138, %add3A_139 : i32
      %lt3A_141 = arith.cmpi slt, %add3A_140, %select_n3A : i32
      %convert_element_type3A_142 = arith.extui %lt3A_141 : i1 to i32
      %cond3A_143 = arith.constant 0 : i32
      %cond3A_144 = arith.cmpi ne, %convert_element_type3A_142, %cond3A_143 : i32
      scf.if %cond3A_144 {
        %ge3A_185 = arith.constant 1 : i32
        %ge3A_186 = arith.cmpi sge, %add3A_140, %ge3A_185 : i32
        %convert_element_type3A_187 = arith.extui %ge3A_186 : i1 to i32
        %cond3A_188 = arith.constant 0 : i32
        %cond3A_189 = arith.cmpi ne, %convert_element_type3A_187, %cond3A_188 : i32
        scf.if %cond3A_189 {
          %dma_wait3A_224 = arith.constant 0 : i32
          %dma_wait3A_225 = arith.constant 0 : i32
          %dma_wait3A_226 = tpu.memref_slice %arg11[%dma_wait3A_224, %dma_wait3A_225] : memref<128x128xf32, #tpu.memory_space<vmem>> -> memref<128x128xf32, #tpu.memory_space<vmem>>
          %dma_wait3A_227 = arith.constant 0 : i32
          %dma_wait3A_228 = arith.constant 0 : i32
          %dma_wait3A_229 = tpu.memref_slice %arg4[%dma_wait3A_227, %dma_wait3A_228] : memref<200000x128xf32, #tpu.memory_space<hbm>> -> memref<128x128xf32, #tpu.memory_space<hbm>>
          %dma_wait3A_230 = arith.constant 0 : i32
          %dma_wait3A_231 = arith.constant 0 : i32
          %dma_wait3A_232 = tpu.memref_slice %arg4[%dma_wait3A_230, %dma_wait3A_231] : memref<200000x128xf32, #tpu.memory_space<hbm>> -> memref<128x128xf32, #tpu.memory_space<hbm>>
          %dma_wait3A_233 = arith.constant 0 : i32
          %dma_wait3A_234 = arith.constant 0 : i32
          %dma_wait3A_235 = tpu.memref_slice %arg11[%dma_wait3A_233, %dma_wait3A_234] : memref<128x128xf32, #tpu.memory_space<vmem>> -> memref<128x128xf32, #tpu.memory_space<vmem>>
          tpu.wait_dma2 semaphore(%arg29 : memref<!tpu.dma_semaphore, #tpu.memory_space<semaphore_mem>>) src(%dma_wait3A_235 : memref<128x128xf32, #tpu.memory_space<vmem>>) dst(%dma_wait3A_232 : memref<128x128xf32, #tpu.memory_space<hbm>>)
        } else {
        }
        %add3A_190 = arith.constant 6 : i32
        %add3A_191 = arith.addi %add3A_140, %add3A_190 : i32
        %sub3A_192 = arith.constant 1 : i32
        %sub3A_193 = arith.subi %add3A_191, %sub3A_192 : i32
        %lt3A_194 = arith.cmpi slt, %sub3A_193, %select_n3A : i32
        %convert_element_type3A_195 = arith.extui %lt3A_194 : i1 to i32
        %cond3A_196 = arith.constant 0 : i32
        %cond3A_197 = arith.cmpi ne, %convert_element_type3A_195, %cond3A_196 : i32
        scf.if %cond3A_197 {
          %add3A_224 = arith.constant 6 : i32
          %add3A_225 = arith.addi %add3A_140, %add3A_224 : i32
          %sub3A_226 = arith.constant 1 : i32
          %sub3A_227 = arith.subi %add3A_225, %sub3A_226 : i32
          %mul3A_228 = arith.constant 128 : i32
          %mul3A_229 = arith.muli %sub3A_227, %mul3A_228 : i32
          %dma_start3A = arith.constant 0 : i32
          %dma_start3A_230 = arith.constant 0 : i32
          %dma_start3A_231 = tpu.memref_slice %arg11[%dma_start3A, %dma_start3A_230] : memref<128x128xf32, #tpu.memory_space<vmem>> -> memref<64x128xf32, #tpu.memory_space<vmem>>
          %dma_start3A_232 = tpu.memref_slice %arg5[%mul3A_229] : memref<6272xi32, #tpu.memory_space<vmem>> -> memref<64xi32, #tpu.memory_space<vmem>>
          %dma_start3A_233 = arith.constant 0 : i32
          %dma_start3A_234 = arith.constant 0 : i32
          %dma_start3A_235 = tpu.memref_slice %arg2[%dma_start3A_233, %dma_start3A_234] : memref<100000x128xf32, #tpu.memory_space<hbm>> -> memref<100000x128xf32, #tpu.memory_space<hbm>>
          tpu.enqueue_indirect_dma source(%dma_start3A_235 : memref<100000x128xf32, #tpu.memory_space<hbm>>) target(%dma_start3A_231 : memref<64x128xf32, #tpu.memory_space<vmem>>) offsets(%dma_start3A_232 : memref<64xi32, #tpu.memory_space<vmem>>) semaphore(%arg17 : memref<!tpu.dma_semaphore, #tpu.memory_space<semaphore_mem>>)
          %mul3A_236 = arith.constant 128 : i32
          %mul3A_237 = arith.muli %sub3A_227, %mul3A_236 : i32
          %add3A_238 = arith.constant 64 : i32
          %add3A_239 = arith.addi %mul3A_237, %add3A_238 : i32
          %dma_start3A_240 = arith.constant 64 : i32
          %dma_start3A_241 = arith.constant 0 : i32
          %dma_start3A_242 = tpu.memref_slice %arg11[%dma_start3A_240, %dma_start3A_241] : memref<128x128xf32, #tpu.memory_space<vmem>> -> memref<64x128xf32, #tpu.memory_space<vmem>>
          %dma_start3A_243 = tpu.memref_slice %arg5[%add3A_239] : memref<6272xi32, #tpu.memory_space<vmem>> -> memref<64xi32, #tpu.memory_space<vmem>>
          %dma_start3A_244 = arith.constant 0 : i32
          %dma_start3A_245 = arith.constant 0 : i32
          %dma_start3A_246 = tpu.memref_slice %arg2[%dma_start3A_244, %dma_start3A_245] : memref<100000x128xf32, #tpu.memory_space<hbm>> -> memref<100000x128xf32, #tpu.memory_space<hbm>>
          tpu.enqueue_indirect_dma source(%dma_start3A_246 : memref<100000x128xf32, #tpu.memory_space<hbm>>) target(%dma_start3A_242 : memref<64x128xf32, #tpu.memory_space<vmem>>) offsets(%dma_start3A_243 : memref<64xi32, #tpu.memory_space<vmem>>) semaphore(%arg23 : memref<!tpu.dma_semaphore, #tpu.memory_space<semaphore_mem>>)
        } else {
        }
        %dma_wait3A = arith.constant 0 : i32
        %dma_wait3A_198 = arith.constant 0 : i32
        %dma_wait3A_199 = tpu.memref_slice %arg6[%dma_wait3A, %dma_wait3A_198] : memref<128x128xf32, #tpu.memory_space<vmem>> -> memref<64x128xf32, #tpu.memory_space<vmem>>
        %dma_wait3A_200 = arith.constant 0 : i32
        %dma_wait3A_201 = tpu.memref_slice %arg5[%dma_wait3A_200] : memref<6272xi32, #tpu.memory_space<vmem>> -> memref<64xi32, #tpu.memory_space<vmem>>
        %dma_wait3A_202 = arith.constant 0 : i32
        %dma_wait3A_203 = arith.constant 0 : i32
        %dma_wait3A_204 = tpu.memref_slice %arg2[%dma_wait3A_202, %dma_wait3A_203] : memref<100000x128xf32, #tpu.memory_space<hbm>> -> memref<100000x128xf32, #tpu.memory_space<hbm>>
        tpu.wait_indirect_dma semaphore(%arg12 : memref<!tpu.dma_semaphore, #tpu.memory_space<semaphore_mem>>) src(%dma_wait3A_204 : memref<100000x128xf32, #tpu.memory_space<hbm>>) dst(%dma_wait3A_199 : memref<64x128xf32, #tpu.memory_space<vmem>>)
        %dma_wait3A_205 = arith.constant 64 : i32
        %dma_wait3A_206 = arith.constant 0 : i32
        %dma_wait3A_207 = tpu.memref_slice %arg6[%dma_wait3A_205, %dma_wait3A_206] : memref<128x128xf32, #tpu.memory_space<vmem>> -> memref<64x128xf32, #tpu.memory_space<vmem>>
        %dma_wait3A_208 = arith.constant 0 : i32
        %dma_wait3A_209 = tpu.memref_slice %arg5[%dma_wait3A_208] : memref<6272xi32, #tpu.memory_space<vmem>> -> memref<64xi32, #tpu.memory_space<vmem>>
        %dma_wait3A_210 = arith.constant 0 : i32
        %dma_wait3A_211 = arith.constant 0 : i32
        %dma_wait3A_212 = tpu.memref_slice %arg2[%dma_wait3A_210, %dma_wait3A_211] : memref<100000x128xf32, #tpu.memory_space<hbm>> -> memref<100000x128xf32, #tpu.memory_space<hbm>>
        tpu.wait_indirect_dma semaphore(%arg18 : memref<!tpu.dma_semaphore, #tpu.memory_space<semaphore_mem>>) src(%dma_wait3A_212 : memref<100000x128xf32, #tpu.memory_space<hbm>>) dst(%dma_wait3A_207 : memref<64x128xf32, #tpu.memory_space<vmem>>)
        %add3A_213 = arith.addi %select_n3A_12, %add3A_140 : i32
        %eq3A_214 = arith.constant 1562 : i32
        %eq3A_215 = arith.cmpi eq, %add3A_213, %eq3A_214 : i32
        %convert_element_type3A_216 = arith.extui %eq3A_215 : i1 to i32
        %cond3A_217 = arith.constant 0 : i32
        %cond3A_218 = arith.cmpi ne, %convert_element_type3A_216, %cond3A_217 : i32
        scf.if %cond3A_218 {
          %mul3A_224 = arith.constant 128 : i32
          %mul3A_225 = arith.muli %add3A_213, %mul3A_224 : i32
          %dma_start3A = arith.constant 0 : i32
          %dma_start3A_226 = arith.constant 0 : i32
          %dma_start3A_227 = tpu.memref_slice %arg6[%dma_start3A, %dma_start3A_226] : memref<128x128xf32, #tpu.memory_space<vmem>> -> memref<64x128xf32, #tpu.memory_space<vmem>>
          %dma_start3A_228 = arith.constant 0 : i32
          %dma_start3A_229 = tpu.memref_slice %arg4[%mul3A_225, %dma_start3A_228] : memref<200000x128xf32, #tpu.memory_space<hbm>> -> memref<64x128xf32, #tpu.memory_space<hbm>>
          %dma_start3A_230 = arith.constant 0 : i32
          %dma_start3A_231 = tpu.memref_slice %arg4[%mul3A_225, %dma_start3A_230] : memref<200000x128xf32, #tpu.memory_space<hbm>> -> memref<64x128xf32, #tpu.memory_space<hbm>>
          %dma_start3A_232 = arith.constant 0 : i32
          %dma_start3A_233 = arith.constant 0 : i32
          %dma_start3A_234 = tpu.memref_slice %arg6[%dma_start3A_232, %dma_start3A_233] : memref<128x128xf32, #tpu.memory_space<vmem>> -> memref<64x128xf32, #tpu.memory_space<vmem>>
          tpu.enqueue_dma source(%dma_start3A_234 : memref<64x128xf32, #tpu.memory_space<vmem>>) target(%dma_start3A_231 : memref<64x128xf32, #tpu.memory_space<hbm>>) target_semaphore(%arg24 : memref<!tpu.dma_semaphore, #tpu.memory_space<semaphore_mem>>)
        } else {
        }
        %ne3A_219 = arith.constant 1562 : i32
        %ne3A_220 = arith.cmpi ne, %add3A_213, %ne3A_219 : i32
        %convert_element_type3A_221 = arith.extui %ne3A_220 : i1 to i32
        %cond3A_222 = arith.constant 0 : i32
        %cond3A_223 = arith.cmpi ne, %convert_element_type3A_221, %cond3A_222 : i32
        scf.if %cond3A_223 {
          %mul3A_224 = arith.constant 128 : i32
          %mul3A_225 = arith.muli %add3A_213, %mul3A_224 : i32
          %dma_start3A = arith.constant 0 : i32
          %dma_start3A_226 = tpu.memref_slice %arg4[%mul3A_225, %dma_start3A] : memref<200000x128xf32, #tpu.memory_space<hbm>> -> memref<128x128xf32, #tpu.memory_space<hbm>>
          %dma_start3A_227 = arith.constant 0 : i32
          %dma_start3A_228 = tpu.memref_slice %arg4[%mul3A_225, %dma_start3A_227] : memref<200000x128xf32, #tpu.memory_space<hbm>> -> memref<128x128xf32, #tpu.memory_space<hbm>>
          tpu.enqueue_dma source(%arg6 : memref<128x128xf32, #tpu.memory_space<vmem>>) target(%dma_start3A_228 : memref<128x128xf32, #tpu.memory_space<hbm>>) target_semaphore(%arg24 : memref<!tpu.dma_semaphore, #tpu.memory_space<semaphore_mem>>)
        } else {
        }
      } else {
      }
      %mul3A_145 = arith.constant 6 : i32
      %mul3A_146 = arith.muli %add3A_136, %mul3A_145 : i32
      %add3A_147 = arith.constant 1 : i32
      %add3A_148 = arith.addi %mul3A_146, %add3A_147 : i32
      %lt3A_149 = arith.cmpi slt, %add3A_148, %select_n3A : i32
      %convert_element_type3A_150 = arith.extui %lt3A_149 : i1 to i32
      %cond3A_151 = arith.constant 0 : i32
      %cond3A_152 = arith.cmpi ne, %convert_element_type3A_150, %cond3A_151 : i32
      scf.if %cond3A_152 {
        %ge3A_185 = arith.constant 1 : i32
        %ge3A_186 = arith.cmpi sge, %add3A_148, %ge3A_185 : i32
        %convert_element_type3A_187 = arith.extui %ge3A_186 : i1 to i32
        %cond3A_188 = arith.constant 0 : i32
        %cond3A_189 = arith.cmpi ne, %convert_element_type3A_187, %cond3A_188 : i32
        scf.if %cond3A_189 {
          %dma_wait3A_224 = arith.constant 0 : i32
          %dma_wait3A_225 = arith.constant 0 : i32
          %dma_wait3A_226 = tpu.memref_slice %arg6[%dma_wait3A_224, %dma_wait3A_225] : memref<128x128xf32, #tpu.memory_space<vmem>> -> memref<128x128xf32, #tpu.memory_space<vmem>>
          %dma_wait3A_227 = arith.constant 0 : i32
          %dma_wait3A_228 = arith.constant 0 : i32
          %dma_wait3A_229 = tpu.memref_slice %arg4[%dma_wait3A_227, %dma_wait3A_228] : memref<200000x128xf32, #tpu.memory_space<hbm>> -> memref<128x128xf32, #tpu.memory_space<hbm>>
          %dma_wait3A_230 = arith.constant 0 : i32
          %dma_wait3A_231 = arith.constant 0 : i32
          %dma_wait3A_232 = tpu.memref_slice %arg4[%dma_wait3A_230, %dma_wait3A_231] : memref<200000x128xf32, #tpu.memory_space<hbm>> -> memref<128x128xf32, #tpu.memory_space<hbm>>
          %dma_wait3A_233 = arith.constant 0 : i32
          %dma_wait3A_234 = arith.constant 0 : i32
          %dma_wait3A_235 = tpu.memref_slice %arg6[%dma_wait3A_233, %dma_wait3A_234] : memref<128x128xf32, #tpu.memory_space<vmem>> -> memref<128x128xf32, #tpu.memory_space<vmem>>
          tpu.wait_dma2 semaphore(%arg24 : memref<!tpu.dma_semaphore, #tpu.memory_space<semaphore_mem>>) src(%dma_wait3A_235 : memref<128x128xf32, #tpu.memory_space<vmem>>) dst(%dma_wait3A_232 : memref<128x128xf32, #tpu.memory_space<hbm>>)
        } else {
        }
        %add3A_190 = arith.constant 6 : i32
        %add3A_191 = arith.addi %add3A_148, %add3A_190 : i32
        %sub3A_192 = arith.constant 1 : i32
        %sub3A_193 = arith.subi %add3A_191, %sub3A_192 : i32
        %lt3A_194 = arith.cmpi slt, %sub3A_193, %select_n3A : i32
        %convert_element_type3A_195 = arith.extui %lt3A_194 : i1 to i32
        %cond3A_196 = arith.constant 0 : i32
        %cond3A_197 = arith.cmpi ne, %convert_element_type3A_195, %cond3A_196 : i32
        scf.if %cond3A_197 {
          %add3A_224 = arith.constant 6 : i32
          %add3A_225 = arith.addi %add3A_148, %add3A_224 : i32
          %sub3A_226 = arith.constant 1 : i32
          %sub3A_227 = arith.subi %add3A_225, %sub3A_226 : i32
          %mul3A_228 = arith.constant 128 : i32
          %mul3A_229 = arith.muli %sub3A_227, %mul3A_228 : i32
          %dma_start3A = arith.constant 0 : i32
          %dma_start3A_230 = arith.constant 0 : i32
          %dma_start3A_231 = tpu.memref_slice %arg6[%dma_start3A, %dma_start3A_230] : memref<128x128xf32, #tpu.memory_space<vmem>> -> memref<64x128xf32, #tpu.memory_space<vmem>>
          %dma_start3A_232 = tpu.memref_slice %arg5[%mul3A_229] : memref<6272xi32, #tpu.memory_space<vmem>> -> memref<64xi32, #tpu.memory_space<vmem>>
          %dma_start3A_233 = arith.constant 0 : i32
          %dma_start3A_234 = arith.constant 0 : i32
          %dma_start3A_235 = tpu.memref_slice %arg2[%dma_start3A_233, %dma_start3A_234] : memref<100000x128xf32, #tpu.memory_space<hbm>> -> memref<100000x128xf32, #tpu.memory_space<hbm>>
          tpu.enqueue_indirect_dma source(%dma_start3A_235 : memref<100000x128xf32, #tpu.memory_space<hbm>>) target(%dma_start3A_231 : memref<64x128xf32, #tpu.memory_space<vmem>>) offsets(%dma_start3A_232 : memref<64xi32, #tpu.memory_space<vmem>>) semaphore(%arg12 : memref<!tpu.dma_semaphore, #tpu.memory_space<semaphore_mem>>)
          %mul3A_236 = arith.constant 128 : i32
          %mul3A_237 = arith.muli %sub3A_227, %mul3A_236 : i32
          %add3A_238 = arith.constant 64 : i32
          %add3A_239 = arith.addi %mul3A_237, %add3A_238 : i32
          %dma_start3A_240 = arith.constant 64 : i32
          %dma_start3A_241 = arith.constant 0 : i32
          %dma_start3A_242 = tpu.memref_slice %arg6[%dma_start3A_240, %dma_start3A_241] : memref<128x128xf32, #tpu.memory_space<vmem>> -> memref<64x128xf32, #tpu.memory_space<vmem>>
          %dma_start3A_243 = tpu.memref_slice %arg5[%add3A_239] : memref<6272xi32, #tpu.memory_space<vmem>> -> memref<64xi32, #tpu.memory_space<vmem>>
          %dma_start3A_244 = arith.constant 0 : i32
          %dma_start3A_245 = arith.constant 0 : i32
          %dma_start3A_246 = tpu.memref_slice %arg2[%dma_start3A_244, %dma_start3A_245] : memref<100000x128xf32, #tpu.memory_space<hbm>> -> memref<100000x128xf32, #tpu.memory_space<hbm>>
          tpu.enqueue_indirect_dma source(%dma_start3A_246 : memref<100000x128xf32, #tpu.memory_space<hbm>>) target(%dma_start3A_242 : memref<64x128xf32, #tpu.memory_space<vmem>>) offsets(%dma_start3A_243 : memref<64xi32, #tpu.memory_space<vmem>>) semaphore(%arg18 : memref<!tpu.dma_semaphore, #tpu.memory_space<semaphore_mem>>)
        } else {
        }
        %dma_wait3A = arith.constant 0 : i32
        %dma_wait3A_198 = arith.constant 0 : i32
        %dma_wait3A_199 = tpu.memref_slice %arg7[%dma_wait3A, %dma_wait3A_198] : memref<128x128xf32, #tpu.memory_space<vmem>> -> memref<64x128xf32, #tpu.memory_space<vmem>>
        %dma_wait3A_200 = arith.constant 0 : i32
        %dma_wait3A_201 = tpu.memref_slice %arg5[%dma_wait3A_200] : memref<6272xi32, #tpu.memory_space<vmem>> -> memref<64xi32, #tpu.memory_space<vmem>>
        %dma_wait3A_202 = arith.constant 0 : i32
        %dma_wait3A_203 = arith.constant 0 : i32
        %dma_wait3A_204 = tpu.memref_slice %arg2[%dma_wait3A_202, %dma_wait3A_203] : memref<100000x128xf32, #tpu.memory_space<hbm>> -> memref<100000x128xf32, #tpu.memory_space<hbm>>
        tpu.wait_indirect_dma semaphore(%arg13 : memref<!tpu.dma_semaphore, #tpu.memory_space<semaphore_mem>>) src(%dma_wait3A_204 : memref<100000x128xf32, #tpu.memory_space<hbm>>) dst(%dma_wait3A_199 : memref<64x128xf32, #tpu.memory_space<vmem>>)
        %dma_wait3A_205 = arith.constant 64 : i32
        %dma_wait3A_206 = arith.constant 0 : i32
        %dma_wait3A_207 = tpu.memref_slice %arg7[%dma_wait3A_205, %dma_wait3A_206] : memref<128x128xf32, #tpu.memory_space<vmem>> -> memref<64x128xf32, #tpu.memory_space<vmem>>
        %dma_wait3A_208 = arith.constant 0 : i32
        %dma_wait3A_209 = tpu.memref_slice %arg5[%dma_wait3A_208] : memref<6272xi32, #tpu.memory_space<vmem>> -> memref<64xi32, #tpu.memory_space<vmem>>
        %dma_wait3A_210 = arith.constant 0 : i32
        %dma_wait3A_211 = arith.constant 0 : i32
        %dma_wait3A_212 = tpu.memref_slice %arg2[%dma_wait3A_210, %dma_wait3A_211] : memref<100000x128xf32, #tpu.memory_space<hbm>> -> memref<100000x128xf32, #tpu.memory_space<hbm>>
        tpu.wait_indirect_dma semaphore(%arg19 : memref<!tpu.dma_semaphore, #tpu.memory_space<semaphore_mem>>) src(%dma_wait3A_212 : memref<100000x128xf32, #tpu.memory_space<hbm>>) dst(%dma_wait3A_207 : memref<64x128xf32, #tpu.memory_space<vmem>>)
        %add3A_213 = arith.addi %select_n3A_12, %add3A_148 : i32
        %eq3A_214 = arith.constant 1562 : i32
        %eq3A_215 = arith.cmpi eq, %add3A_213, %eq3A_214 : i32
        %convert_element_type3A_216 = arith.extui %eq3A_215 : i1 to i32
        %cond3A_217 = arith.constant 0 : i32
        %cond3A_218 = arith.cmpi ne, %convert_element_type3A_216, %cond3A_217 : i32
        scf.if %cond3A_218 {
          %mul3A_224 = arith.constant 128 : i32
          %mul3A_225 = arith.muli %add3A_213, %mul3A_224 : i32
          %dma_start3A = arith.constant 0 : i32
          %dma_start3A_226 = arith.constant 0 : i32
          %dma_start3A_227 = tpu.memref_slice %arg7[%dma_start3A, %dma_start3A_226] : memref<128x128xf32, #tpu.memory_space<vmem>> -> memref<64x128xf32, #tpu.memory_space<vmem>>
          %dma_start3A_228 = arith.constant 0 : i32
          %dma_start3A_229 = tpu.memref_slice %arg4[%mul3A_225, %dma_start3A_228] : memref<200000x128xf32, #tpu.memory_space<hbm>> -> memref<64x128xf32, #tpu.memory_space<hbm>>
          %dma_start3A_230 = arith.constant 0 : i32
          %dma_start3A_231 = tpu.memref_slice %arg4[%mul3A_225, %dma_start3A_230] : memref<200000x128xf32, #tpu.memory_space<hbm>> -> memref<64x128xf32, #tpu.memory_space<hbm>>
          %dma_start3A_232 = arith.constant 0 : i32
          %dma_start3A_233 = arith.constant 0 : i32
          %dma_start3A_234 = tpu.memref_slice %arg7[%dma_start3A_232, %dma_start3A_233] : memref<128x128xf32, #tpu.memory_space<vmem>> -> memref<64x128xf32, #tpu.memory_space<vmem>>
          tpu.enqueue_dma source(%dma_start3A_234 : memref<64x128xf32, #tpu.memory_space<vmem>>) target(%dma_start3A_231 : memref<64x128xf32, #tpu.memory_space<hbm>>) target_semaphore(%arg25 : memref<!tpu.dma_semaphore, #tpu.memory_space<semaphore_mem>>)
        } else {
        }
        %ne3A_219 = arith.constant 1562 : i32
        %ne3A_220 = arith.cmpi ne, %add3A_213, %ne3A_219 : i32
        %convert_element_type3A_221 = arith.extui %ne3A_220 : i1 to i32
        %cond3A_222 = arith.constant 0 : i32
        %cond3A_223 = arith.cmpi ne, %convert_element_type3A_221, %cond3A_222 : i32
        scf.if %cond3A_223 {
          %mul3A_224 = arith.constant 128 : i32
          %mul3A_225 = arith.muli %add3A_213, %mul3A_224 : i32
          %dma_start3A = arith.constant 0 : i32
          %dma_start3A_226 = tpu.memref_slice %arg4[%mul3A_225, %dma_start3A] : memref<200000x128xf32, #tpu.memory_space<hbm>> -> memref<128x128xf32, #tpu.memory_space<hbm>>
          %dma_start3A_227 = arith.constant 0 : i32
          %dma_start3A_228 = tpu.memref_slice %arg4[%mul3A_225, %dma_start3A_227] : memref<200000x128xf32, #tpu.memory_space<hbm>> -> memref<128x128xf32, #tpu.memory_space<hbm>>
          tpu.enqueue_dma source(%arg7 : memref<128x128xf32, #tpu.memory_space<vmem>>) target(%dma_start3A_228 : memref<128x128xf32, #tpu.memory_space<hbm>>) target_semaphore(%arg25 : memref<!tpu.dma_semaphore, #tpu.memory_space<semaphore_mem>>)
        } else {
        }
      } else {
      }
      %mul3A_153 = arith.constant 6 : i32
      %mul3A_154 = arith.muli %add3A_136, %mul3A_153 : i32
      %add3A_155 = arith.constant 2 : i32
      %add3A_156 = arith.addi %mul3A_154, %add3A_155 : i32
      %lt3A_157 = arith.cmpi slt, %add3A_156, %select_n3A : i32
      %convert_element_type3A_158 = arith.extui %lt3A_157 : i1 to i32
      %cond3A_159 = arith.constant 0 : i32
      %cond3A_160 = arith.cmpi ne, %convert_element_type3A_158, %cond3A_159 : i32
      scf.if %cond3A_160 {
        %ge3A_185 = arith.constant 1 : i32
        %ge3A_186 = arith.cmpi sge, %add3A_156, %ge3A_185 : i32
        %convert_element_type3A_187 = arith.extui %ge3A_186 : i1 to i32
        %cond3A_188 = arith.constant 0 : i32
        %cond3A_189 = arith.cmpi ne, %convert_element_type3A_187, %cond3A_188 : i32
        scf.if %cond3A_189 {
          %dma_wait3A_224 = arith.constant 0 : i32
          %dma_wait3A_225 = arith.constant 0 : i32
          %dma_wait3A_226 = tpu.memref_slice %arg7[%dma_wait3A_224, %dma_wait3A_225] : memref<128x128xf32, #tpu.memory_space<vmem>> -> memref<128x128xf32, #tpu.memory_space<vmem>>
          %dma_wait3A_227 = arith.constant 0 : i32
          %dma_wait3A_228 = arith.constant 0 : i32
          %dma_wait3A_229 = tpu.memref_slice %arg4[%dma_wait3A_227, %dma_wait3A_228] : memref<200000x128xf32, #tpu.memory_space<hbm>> -> memref<128x128xf32, #tpu.memory_space<hbm>>
          %dma_wait3A_230 = arith.constant 0 : i32
          %dma_wait3A_231 = arith.constant 0 : i32
          %dma_wait3A_232 = tpu.memref_slice %arg4[%dma_wait3A_230, %dma_wait3A_231] : memref<200000x128xf32, #tpu.memory_space<hbm>> -> memref<128x128xf32, #tpu.memory_space<hbm>>
          %dma_wait3A_233 = arith.constant 0 : i32
          %dma_wait3A_234 = arith.constant 0 : i32
          %dma_wait3A_235 = tpu.memref_slice %arg7[%dma_wait3A_233, %dma_wait3A_234] : memref<128x128xf32, #tpu.memory_space<vmem>> -> memref<128x128xf32, #tpu.memory_space<vmem>>
          tpu.wait_dma2 semaphore(%arg25 : memref<!tpu.dma_semaphore, #tpu.memory_space<semaphore_mem>>) src(%dma_wait3A_235 : memref<128x128xf32, #tpu.memory_space<vmem>>) dst(%dma_wait3A_232 : memref<128x128xf32, #tpu.memory_space<hbm>>)
        } else {
        }
        %add3A_190 = arith.constant 6 : i32
        %add3A_191 = arith.addi %add3A_156, %add3A_190 : i32
        %sub3A_192 = arith.constant 1 : i32
        %sub3A_193 = arith.subi %add3A_191, %sub3A_192 : i32
        %lt3A_194 = arith.cmpi slt, %sub3A_193, %select_n3A : i32
        %convert_element_type3A_195 = arith.extui %lt3A_194 : i1 to i32
        %cond3A_196 = arith.constant 0 : i32
        %cond3A_197 = arith.cmpi ne, %convert_element_type3A_195, %cond3A_196 : i32
        scf.if %cond3A_197 {
          %add3A_224 = arith.constant 6 : i32
          %add3A_225 = arith.addi %add3A_156, %add3A_224 : i32
          %sub3A_226 = arith.constant 1 : i32
          %sub3A_227 = arith.subi %add3A_225, %sub3A_226 : i32
          %mul3A_228 = arith.constant 128 : i32
          %mul3A_229 = arith.muli %sub3A_227, %mul3A_228 : i32
          %dma_start3A = arith.constant 0 : i32
          %dma_start3A_230 = arith.constant 0 : i32
          %dma_start3A_231 = tpu.memref_slice %arg7[%dma_start3A, %dma_start3A_230] : memref<128x128xf32, #tpu.memory_space<vmem>> -> memref<64x128xf32, #tpu.memory_space<vmem>>
          %dma_start3A_232 = tpu.memref_slice %arg5[%mul3A_229] : memref<6272xi32, #tpu.memory_space<vmem>> -> memref<64xi32, #tpu.memory_space<vmem>>
          %dma_start3A_233 = arith.constant 0 : i32
          %dma_start3A_234 = arith.constant 0 : i32
          %dma_start3A_235 = tpu.memref_slice %arg2[%dma_start3A_233, %dma_start3A_234] : memref<100000x128xf32, #tpu.memory_space<hbm>> -> memref<100000x128xf32, #tpu.memory_space<hbm>>
          tpu.enqueue_indirect_dma source(%dma_start3A_235 : memref<100000x128xf32, #tpu.memory_space<hbm>>) target(%dma_start3A_231 : memref<64x128xf32, #tpu.memory_space<vmem>>) offsets(%dma_start3A_232 : memref<64xi32, #tpu.memory_space<vmem>>) semaphore(%arg13 : memref<!tpu.dma_semaphore, #tpu.memory_space<semaphore_mem>>)
          %mul3A_236 = arith.constant 128 : i32
          %mul3A_237 = arith.muli %sub3A_227, %mul3A_236 : i32
          %add3A_238 = arith.constant 64 : i32
          %add3A_239 = arith.addi %mul3A_237, %add3A_238 : i32
          %dma_start3A_240 = arith.constant 64 : i32
          %dma_start3A_241 = arith.constant 0 : i32
          %dma_start3A_242 = tpu.memref_slice %arg7[%dma_start3A_240, %dma_start3A_241] : memref<128x128xf32, #tpu.memory_space<vmem>> -> memref<64x128xf32, #tpu.memory_space<vmem>>
          %dma_start3A_243 = tpu.memref_slice %arg5[%add3A_239] : memref<6272xi32, #tpu.memory_space<vmem>> -> memref<64xi32, #tpu.memory_space<vmem>>
          %dma_start3A_244 = arith.constant 0 : i32
          %dma_start3A_245 = arith.constant 0 : i32
          %dma_start3A_246 = tpu.memref_slice %arg2[%dma_start3A_244, %dma_start3A_245] : memref<100000x128xf32, #tpu.memory_space<hbm>> -> memref<100000x128xf32, #tpu.memory_space<hbm>>
          tpu.enqueue_indirect_dma source(%dma_start3A_246 : memref<100000x128xf32, #tpu.memory_space<hbm>>) target(%dma_start3A_242 : memref<64x128xf32, #tpu.memory_space<vmem>>) offsets(%dma_start3A_243 : memref<64xi32, #tpu.memory_space<vmem>>) semaphore(%arg19 : memref<!tpu.dma_semaphore, #tpu.memory_space<semaphore_mem>>)
        } else {
        }
        %dma_wait3A = arith.constant 0 : i32
        %dma_wait3A_198 = arith.constant 0 : i32
        %dma_wait3A_199 = tpu.memref_slice %arg8[%dma_wait3A, %dma_wait3A_198] : memref<128x128xf32, #tpu.memory_space<vmem>> -> memref<64x128xf32, #tpu.memory_space<vmem>>
        %dma_wait3A_200 = arith.constant 0 : i32
        %dma_wait3A_201 = tpu.memref_slice %arg5[%dma_wait3A_200] : memref<6272xi32, #tpu.memory_space<vmem>> -> memref<64xi32, #tpu.memory_space<vmem>>
        %dma_wait3A_202 = arith.constant 0 : i32
        %dma_wait3A_203 = arith.constant 0 : i32
        %dma_wait3A_204 = tpu.memref_slice %arg2[%dma_wait3A_202, %dma_wait3A_203] : memref<100000x128xf32, #tpu.memory_space<hbm>> -> memref<100000x128xf32, #tpu.memory_space<hbm>>
        tpu.wait_indirect_dma semaphore(%arg14 : memref<!tpu.dma_semaphore, #tpu.memory_space<semaphore_mem>>) src(%dma_wait3A_204 : memref<100000x128xf32, #tpu.memory_space<hbm>>) dst(%dma_wait3A_199 : memref<64x128xf32, #tpu.memory_space<vmem>>)
        %dma_wait3A_205 = arith.constant 64 : i32
        %dma_wait3A_206 = arith.constant 0 : i32
        %dma_wait3A_207 = tpu.memref_slice %arg8[%dma_wait3A_205, %dma_wait3A_206] : memref<128x128xf32, #tpu.memory_space<vmem>> -> memref<64x128xf32, #tpu.memory_space<vmem>>
        %dma_wait3A_208 = arith.constant 0 : i32
        %dma_wait3A_209 = tpu.memref_slice %arg5[%dma_wait3A_208] : memref<6272xi32, #tpu.memory_space<vmem>> -> memref<64xi32, #tpu.memory_space<vmem>>
        %dma_wait3A_210 = arith.constant 0 : i32
        %dma_wait3A_211 = arith.constant 0 : i32
        %dma_wait3A_212 = tpu.memref_slice %arg2[%dma_wait3A_210, %dma_wait3A_211] : memref<100000x128xf32, #tpu.memory_space<hbm>> -> memref<100000x128xf32, #tpu.memory_space<hbm>>
        tpu.wait_indirect_dma semaphore(%arg20 : memref<!tpu.dma_semaphore, #tpu.memory_space<semaphore_mem>>) src(%dma_wait3A_212 : memref<100000x128xf32, #tpu.memory_space<hbm>>) dst(%dma_wait3A_207 : memref<64x128xf32, #tpu.memory_space<vmem>>)
        %add3A_213 = arith.addi %select_n3A_12, %add3A_156 : i32
        %eq3A_214 = arith.constant 1562 : i32
        %eq3A_215 = arith.cmpi eq, %add3A_213, %eq3A_214 : i32
        %convert_element_type3A_216 = arith.extui %eq3A_215 : i1 to i32
        %cond3A_217 = arith.constant 0 : i32
        %cond3A_218 = arith.cmpi ne, %convert_element_type3A_216, %cond3A_217 : i32
        scf.if %cond3A_218 {
          %mul3A_224 = arith.constant 128 : i32
          %mul3A_225 = arith.muli %add3A_213, %mul3A_224 : i32
          %dma_start3A = arith.constant 0 : i32
          %dma_start3A_226 = arith.constant 0 : i32
          %dma_start3A_227 = tpu.memref_slice %arg8[%dma_start3A, %dma_start3A_226] : memref<128x128xf32, #tpu.memory_space<vmem>> -> memref<64x128xf32, #tpu.memory_space<vmem>>
          %dma_start3A_228 = arith.constant 0 : i32
          %dma_start3A_229 = tpu.memref_slice %arg4[%mul3A_225, %dma_start3A_228] : memref<200000x128xf32, #tpu.memory_space<hbm>> -> memref<64x128xf32, #tpu.memory_space<hbm>>
          %dma_start3A_230 = arith.constant 0 : i32
          %dma_start3A_231 = tpu.memref_slice %arg4[%mul3A_225, %dma_start3A_230] : memref<200000x128xf32, #tpu.memory_space<hbm>> -> memref<64x128xf32, #tpu.memory_space<hbm>>
          %dma_start3A_232 = arith.constant 0 : i32
          %dma_start3A_233 = arith.constant 0 : i32
          %dma_start3A_234 = tpu.memref_slice %arg8[%dma_start3A_232, %dma_start3A_233] : memref<128x128xf32, #tpu.memory_space<vmem>> -> memref<64x128xf32, #tpu.memory_space<vmem>>
          tpu.enqueue_dma source(%dma_start3A_234 : memref<64x128xf32, #tpu.memory_space<vmem>>) target(%dma_start3A_231 : memref<64x128xf32, #tpu.memory_space<hbm>>) target_semaphore(%arg26 : memref<!tpu.dma_semaphore, #tpu.memory_space<semaphore_mem>>)
        } else {
        }
        %ne3A_219 = arith.constant 1562 : i32
        %ne3A_220 = arith.cmpi ne, %add3A_213, %ne3A_219 : i32
        %convert_element_type3A_221 = arith.extui %ne3A_220 : i1 to i32
        %cond3A_222 = arith.constant 0 : i32
        %cond3A_223 = arith.cmpi ne, %convert_element_type3A_221, %cond3A_222 : i32
        scf.if %cond3A_223 {
          %mul3A_224 = arith.constant 128 : i32
          %mul3A_225 = arith.muli %add3A_213, %mul3A_224 : i32
          %dma_start3A = arith.constant 0 : i32
          %dma_start3A_226 = tpu.memref_slice %arg4[%mul3A_225, %dma_start3A] : memref<200000x128xf32, #tpu.memory_space<hbm>> -> memref<128x128xf32, #tpu.memory_space<hbm>>
          %dma_start3A_227 = arith.constant 0 : i32
          %dma_start3A_228 = tpu.memref_slice %arg4[%mul3A_225, %dma_start3A_227] : memref<200000x128xf32, #tpu.memory_space<hbm>> -> memref<128x128xf32, #tpu.memory_space<hbm>>
          tpu.enqueue_dma source(%arg8 : memref<128x128xf32, #tpu.memory_space<vmem>>) target(%dma_start3A_228 : memref<128x128xf32, #tpu.memory_space<hbm>>) target_semaphore(%arg26 : memref<!tpu.dma_semaphore, #tpu.memory_space<semaphore_mem>>)
        } else {
        }
      } else {
      }
      %mul3A_161 = arith.constant 6 : i32
      %mul3A_162 = arith.muli %add3A_136, %mul3A_161 : i32
      %add3A_163 = arith.constant 3 : i32
      %add3A_164 = arith.addi %mul3A_162, %add3A_163 : i32
      %lt3A_165 = arith.cmpi slt, %add3A_164, %select_n3A : i32
      %convert_element_type3A_166 = arith.extui %lt3A_165 : i1 to i32
      %cond3A_167 = arith.constant 0 : i32
      %cond3A_168 = arith.cmpi ne, %convert_element_type3A_166, %cond3A_167 : i32
      scf.if %cond3A_168 {
        %ge3A_185 = arith.constant 1 : i32
        %ge3A_186 = arith.cmpi sge, %add3A_164, %ge3A_185 : i32
        %convert_element_type3A_187 = arith.extui %ge3A_186 : i1 to i32
        %cond3A_188 = arith.constant 0 : i32
        %cond3A_189 = arith.cmpi ne, %convert_element_type3A_187, %cond3A_188 : i32
        scf.if %cond3A_189 {
          %dma_wait3A_224 = arith.constant 0 : i32
          %dma_wait3A_225 = arith.constant 0 : i32
          %dma_wait3A_226 = tpu.memref_slice %arg8[%dma_wait3A_224, %dma_wait3A_225] : memref<128x128xf32, #tpu.memory_space<vmem>> -> memref<128x128xf32, #tpu.memory_space<vmem>>
          %dma_wait3A_227 = arith.constant 0 : i32
          %dma_wait3A_228 = arith.constant 0 : i32
          %dma_wait3A_229 = tpu.memref_slice %arg4[%dma_wait3A_227, %dma_wait3A_228] : memref<200000x128xf32, #tpu.memory_space<hbm>> -> memref<128x128xf32, #tpu.memory_space<hbm>>
          %dma_wait3A_230 = arith.constant 0 : i32
          %dma_wait3A_231 = arith.constant 0 : i32
          %dma_wait3A_232 = tpu.memref_slice %arg4[%dma_wait3A_230, %dma_wait3A_231] : memref<200000x128xf32, #tpu.memory_space<hbm>> -> memref<128x128xf32, #tpu.memory_space<hbm>>
          %dma_wait3A_233 = arith.constant 0 : i32
          %dma_wait3A_234 = arith.constant 0 : i32
          %dma_wait3A_235 = tpu.memref_slice %arg8[%dma_wait3A_233, %dma_wait3A_234] : memref<128x128xf32, #tpu.memory_space<vmem>> -> memref<128x128xf32, #tpu.memory_space<vmem>>
          tpu.wait_dma2 semaphore(%arg26 : memref<!tpu.dma_semaphore, #tpu.memory_space<semaphore_mem>>) src(%dma_wait3A_235 : memref<128x128xf32, #tpu.memory_space<vmem>>) dst(%dma_wait3A_232 : memref<128x128xf32, #tpu.memory_space<hbm>>)
        } else {
        }
        %add3A_190 = arith.constant 6 : i32
        %add3A_191 = arith.addi %add3A_164, %add3A_190 : i32
        %sub3A_192 = arith.constant 1 : i32
        %sub3A_193 = arith.subi %add3A_191, %sub3A_192 : i32
        %lt3A_194 = arith.cmpi slt, %sub3A_193, %select_n3A : i32
        %convert_element_type3A_195 = arith.extui %lt3A_194 : i1 to i32
        %cond3A_196 = arith.constant 0 : i32
        %cond3A_197 = arith.cmpi ne, %convert_element_type3A_195, %cond3A_196 : i32
        scf.if %cond3A_197 {
          %add3A_224 = arith.constant 6 : i32
          %add3A_225 = arith.addi %add3A_164, %add3A_224 : i32
          %sub3A_226 = arith.constant 1 : i32
          %sub3A_227 = arith.subi %add3A_225, %sub3A_226 : i32
          %mul3A_228 = arith.constant 128 : i32
          %mul3A_229 = arith.muli %sub3A_227, %mul3A_228 : i32
          %dma_start3A = arith.constant 0 : i32
          %dma_start3A_230 = arith.constant 0 : i32
          %dma_start3A_231 = tpu.memref_slice %arg8[%dma_start3A, %dma_start3A_230] : memref<128x128xf32, #tpu.memory_space<vmem>> -> memref<64x128xf32, #tpu.memory_space<vmem>>
          %dma_start3A_232 = tpu.memref_slice %arg5[%mul3A_229] : memref<6272xi32, #tpu.memory_space<vmem>> -> memref<64xi32, #tpu.memory_space<vmem>>
          %dma_start3A_233 = arith.constant 0 : i32
          %dma_start3A_234 = arith.constant 0 : i32
          %dma_start3A_235 = tpu.memref_slice %arg2[%dma_start3A_233, %dma_start3A_234] : memref<100000x128xf32, #tpu.memory_space<hbm>> -> memref<100000x128xf32, #tpu.memory_space<hbm>>
          tpu.enqueue_indirect_dma source(%dma_start3A_235 : memref<100000x128xf32, #tpu.memory_space<hbm>>) target(%dma_start3A_231 : memref<64x128xf32, #tpu.memory_space<vmem>>) offsets(%dma_start3A_232 : memref<64xi32, #tpu.memory_space<vmem>>) semaphore(%arg14 : memref<!tpu.dma_semaphore, #tpu.memory_space<semaphore_mem>>)
          %mul3A_236 = arith.constant 128 : i32
          %mul3A_237 = arith.muli %sub3A_227, %mul3A_236 : i32
          %add3A_238 = arith.constant 64 : i32
          %add3A_239 = arith.addi %mul3A_237, %add3A_238 : i32
          %dma_start3A_240 = arith.constant 64 : i32
          %dma_start3A_241 = arith.constant 0 : i32
          %dma_start3A_242 = tpu.memref_slice %arg8[%dma_start3A_240, %dma_start3A_241] : memref<128x128xf32, #tpu.memory_space<vmem>> -> memref<64x128xf32, #tpu.memory_space<vmem>>
          %dma_start3A_243 = tpu.memref_slice %arg5[%add3A_239] : memref<6272xi32, #tpu.memory_space<vmem>> -> memref<64xi32, #tpu.memory_space<vmem>>
          %dma_start3A_244 = arith.constant 0 : i32
          %dma_start3A_245 = arith.constant 0 : i32
          %dma_start3A_246 = tpu.memref_slice %arg2[%dma_start3A_244, %dma_start3A_245] : memref<100000x128xf32, #tpu.memory_space<hbm>> -> memref<100000x128xf32, #tpu.memory_space<hbm>>
          tpu.enqueue_indirect_dma source(%dma_start3A_246 : memref<100000x128xf32, #tpu.memory_space<hbm>>) target(%dma_start3A_242 : memref<64x128xf32, #tpu.memory_space<vmem>>) offsets(%dma_start3A_243 : memref<64xi32, #tpu.memory_space<vmem>>) semaphore(%arg20 : memref<!tpu.dma_semaphore, #tpu.memory_space<semaphore_mem>>)
        } else {
        }
        %dma_wait3A = arith.constant 0 : i32
        %dma_wait3A_198 = arith.constant 0 : i32
        %dma_wait3A_199 = tpu.memref_slice %arg9[%dma_wait3A, %dma_wait3A_198] : memref<128x128xf32, #tpu.memory_space<vmem>> -> memref<64x128xf32, #tpu.memory_space<vmem>>
        %dma_wait3A_200 = arith.constant 0 : i32
        %dma_wait3A_201 = tpu.memref_slice %arg5[%dma_wait3A_200] : memref<6272xi32, #tpu.memory_space<vmem>> -> memref<64xi32, #tpu.memory_space<vmem>>
        %dma_wait3A_202 = arith.constant 0 : i32
        %dma_wait3A_203 = arith.constant 0 : i32
        %dma_wait3A_204 = tpu.memref_slice %arg2[%dma_wait3A_202, %dma_wait3A_203] : memref<100000x128xf32, #tpu.memory_space<hbm>> -> memref<100000x128xf32, #tpu.memory_space<hbm>>
        tpu.wait_indirect_dma semaphore(%arg15 : memref<!tpu.dma_semaphore, #tpu.memory_space<semaphore_mem>>) src(%dma_wait3A_204 : memref<100000x128xf32, #tpu.memory_space<hbm>>) dst(%dma_wait3A_199 : memref<64x128xf32, #tpu.memory_space<vmem>>)
        %dma_wait3A_205 = arith.constant 64 : i32
        %dma_wait3A_206 = arith.constant 0 : i32
        %dma_wait3A_207 = tpu.memref_slice %arg9[%dma_wait3A_205, %dma_wait3A_206] : memref<128x128xf32, #tpu.memory_space<vmem>> -> memref<64x128xf32, #tpu.memory_space<vmem>>
        %dma_wait3A_208 = arith.constant 0 : i32
        %dma_wait3A_209 = tpu.memref_slice %arg5[%dma_wait3A_208] : memref<6272xi32, #tpu.memory_space<vmem>> -> memref<64xi32, #tpu.memory_space<vmem>>
        %dma_wait3A_210 = arith.constant 0 : i32
        %dma_wait3A_211 = arith.constant 0 : i32
        %dma_wait3A_212 = tpu.memref_slice %arg2[%dma_wait3A_210, %dma_wait3A_211] : memref<100000x128xf32, #tpu.memory_space<hbm>> -> memref<100000x128xf32, #tpu.memory_space<hbm>>
        tpu.wait_indirect_dma semaphore(%arg21 : memref<!tpu.dma_semaphore, #tpu.memory_space<semaphore_mem>>) src(%dma_wait3A_212 : memref<100000x128xf32, #tpu.memory_space<hbm>>) dst(%dma_wait3A_207 : memref<64x128xf32, #tpu.memory_space<vmem>>)
        %add3A_213 = arith.addi %select_n3A_12, %add3A_164 : i32
        %eq3A_214 = arith.constant 1562 : i32
        %eq3A_215 = arith.cmpi eq, %add3A_213, %eq3A_214 : i32
        %convert_element_type3A_216 = arith.extui %eq3A_215 : i1 to i32
        %cond3A_217 = arith.constant 0 : i32
        %cond3A_218 = arith.cmpi ne, %convert_element_type3A_216, %cond3A_217 : i32
        scf.if %cond3A_218 {
          %mul3A_224 = arith.constant 128 : i32
          %mul3A_225 = arith.muli %add3A_213, %mul3A_224 : i32
          %dma_start3A = arith.constant 0 : i32
          %dma_start3A_226 = arith.constant 0 : i32
          %dma_start3A_227 = tpu.memref_slice %arg9[%dma_start3A, %dma_start3A_226] : memref<128x128xf32, #tpu.memory_space<vmem>> -> memref<64x128xf32, #tpu.memory_space<vmem>>
          %dma_start3A_228 = arith.constant 0 : i32
          %dma_start3A_229 = tpu.memref_slice %arg4[%mul3A_225, %dma_start3A_228] : memref<200000x128xf32, #tpu.memory_space<hbm>> -> memref<64x128xf32, #tpu.memory_space<hbm>>
          %dma_start3A_230 = arith.constant 0 : i32
          %dma_start3A_231 = tpu.memref_slice %arg4[%mul3A_225, %dma_start3A_230] : memref<200000x128xf32, #tpu.memory_space<hbm>> -> memref<64x128xf32, #tpu.memory_space<hbm>>
          %dma_start3A_232 = arith.constant 0 : i32
          %dma_start3A_233 = arith.constant 0 : i32
          %dma_start3A_234 = tpu.memref_slice %arg9[%dma_start3A_232, %dma_start3A_233] : memref<128x128xf32, #tpu.memory_space<vmem>> -> memref<64x128xf32, #tpu.memory_space<vmem>>
          tpu.enqueue_dma source(%dma_start3A_234 : memref<64x128xf32, #tpu.memory_space<vmem>>) target(%dma_start3A_231 : memref<64x128xf32, #tpu.memory_space<hbm>>) target_semaphore(%arg27 : memref<!tpu.dma_semaphore, #tpu.memory_space<semaphore_mem>>)
        } else {
        }
        %ne3A_219 = arith.constant 1562 : i32
        %ne3A_220 = arith.cmpi ne, %add3A_213, %ne3A_219 : i32
        %convert_element_type3A_221 = arith.extui %ne3A_220 : i1 to i32
        %cond3A_222 = arith.constant 0 : i32
        %cond3A_223 = arith.cmpi ne, %convert_element_type3A_221, %cond3A_222 : i32
        scf.if %cond3A_223 {
          %mul3A_224 = arith.constant 128 : i32
          %mul3A_225 = arith.muli %add3A_213, %mul3A_224 : i32
          %dma_start3A = arith.constant 0 : i32
          %dma_start3A_226 = tpu.memref_slice %arg4[%mul3A_225, %dma_start3A] : memref<200000x128xf32, #tpu.memory_space<hbm>> -> memref<128x128xf32, #tpu.memory_space<hbm>>
          %dma_start3A_227 = arith.constant 0 : i32
          %dma_start3A_228 = tpu.memref_slice %arg4[%mul3A_225, %dma_start3A_227] : memref<200000x128xf32, #tpu.memory_space<hbm>> -> memref<128x128xf32, #tpu.memory_space<hbm>>
          tpu.enqueue_dma source(%arg9 : memref<128x128xf32, #tpu.memory_space<vmem>>) target(%dma_start3A_228 : memref<128x128xf32, #tpu.memory_space<hbm>>) target_semaphore(%arg27 : memref<!tpu.dma_semaphore, #tpu.memory_space<semaphore_mem>>)
        } else {
        }
      } else {
      }
      %mul3A_169 = arith.constant 6 : i32
      %mul3A_170 = arith.muli %add3A_136, %mul3A_169 : i32
      %add3A_171 = arith.constant 4 : i32
      %add3A_172 = arith.addi %mul3A_170, %add3A_171 : i32
      %lt3A_173 = arith.cmpi slt, %add3A_172, %select_n3A : i32
      %convert_element_type3A_174 = arith.extui %lt3A_173 : i1 to i32
      %cond3A_175 = arith.constant 0 : i32
      %cond3A_176 = arith.cmpi ne, %convert_element_type3A_174, %cond3A_175 : i32
      scf.if %cond3A_176 {
        %ge3A_185 = arith.constant 1 : i32
        %ge3A_186 = arith.cmpi sge, %add3A_172, %ge3A_185 : i32
        %convert_element_type3A_187 = arith.extui %ge3A_186 : i1 to i32
        %cond3A_188 = arith.constant 0 : i32
        %cond3A_189 = arith.cmpi ne, %convert_element_type3A_187, %cond3A_188 : i32
        scf.if %cond3A_189 {
          %dma_wait3A_224 = arith.constant 0 : i32
          %dma_wait3A_225 = arith.constant 0 : i32
          %dma_wait3A_226 = tpu.memref_slice %arg9[%dma_wait3A_224, %dma_wait3A_225] : memref<128x128xf32, #tpu.memory_space<vmem>> -> memref<128x128xf32, #tpu.memory_space<vmem>>
          %dma_wait3A_227 = arith.constant 0 : i32
          %dma_wait3A_228 = arith.constant 0 : i32
          %dma_wait3A_229 = tpu.memref_slice %arg4[%dma_wait3A_227, %dma_wait3A_228] : memref<200000x128xf32, #tpu.memory_space<hbm>> -> memref<128x128xf32, #tpu.memory_space<hbm>>
          %dma_wait3A_230 = arith.constant 0 : i32
          %dma_wait3A_231 = arith.constant 0 : i32
          %dma_wait3A_232 = tpu.memref_slice %arg4[%dma_wait3A_230, %dma_wait3A_231] : memref<200000x128xf32, #tpu.memory_space<hbm>> -> memref<128x128xf32, #tpu.memory_space<hbm>>
          %dma_wait3A_233 = arith.constant 0 : i32
          %dma_wait3A_234 = arith.constant 0 : i32
          %dma_wait3A_235 = tpu.memref_slice %arg9[%dma_wait3A_233, %dma_wait3A_234] : memref<128x128xf32, #tpu.memory_space<vmem>> -> memref<128x128xf32, #tpu.memory_space<vmem>>
          tpu.wait_dma2 semaphore(%arg27 : memref<!tpu.dma_semaphore, #tpu.memory_space<semaphore_mem>>) src(%dma_wait3A_235 : memref<128x128xf32, #tpu.memory_space<vmem>>) dst(%dma_wait3A_232 : memref<128x128xf32, #tpu.memory_space<hbm>>)
        } else {
        }
        %add3A_190 = arith.constant 6 : i32
        %add3A_191 = arith.addi %add3A_172, %add3A_190 : i32
        %sub3A_192 = arith.constant 1 : i32
        %sub3A_193 = arith.subi %add3A_191, %sub3A_192 : i32
        %lt3A_194 = arith.cmpi slt, %sub3A_193, %select_n3A : i32
        %convert_element_type3A_195 = arith.extui %lt3A_194 : i1 to i32
        %cond3A_196 = arith.constant 0 : i32
        %cond3A_197 = arith.cmpi ne, %convert_element_type3A_195, %cond3A_196 : i32
        scf.if %cond3A_197 {
          %add3A_224 = arith.constant 6 : i32
          %add3A_225 = arith.addi %add3A_172, %add3A_224 : i32
          %sub3A_226 = arith.constant 1 : i32
          %sub3A_227 = arith.subi %add3A_225, %sub3A_226 : i32
          %mul3A_228 = arith.constant 128 : i32
          %mul3A_229 = arith.muli %sub3A_227, %mul3A_228 : i32
          %dma_start3A = arith.constant 0 : i32
          %dma_start3A_230 = arith.constant 0 : i32
          %dma_start3A_231 = tpu.memref_slice %arg9[%dma_start3A, %dma_start3A_230] : memref<128x128xf32, #tpu.memory_space<vmem>> -> memref<64x128xf32, #tpu.memory_space<vmem>>
          %dma_start3A_232 = tpu.memref_slice %arg5[%mul3A_229] : memref<6272xi32, #tpu.memory_space<vmem>> -> memref<64xi32, #tpu.memory_space<vmem>>
          %dma_start3A_233 = arith.constant 0 : i32
          %dma_start3A_234 = arith.constant 0 : i32
          %dma_start3A_235 = tpu.memref_slice %arg2[%dma_start3A_233, %dma_start3A_234] : memref<100000x128xf32, #tpu.memory_space<hbm>> -> memref<100000x128xf32, #tpu.memory_space<hbm>>
          tpu.enqueue_indirect_dma source(%dma_start3A_235 : memref<100000x128xf32, #tpu.memory_space<hbm>>) target(%dma_start3A_231 : memref<64x128xf32, #tpu.memory_space<vmem>>) offsets(%dma_start3A_232 : memref<64xi32, #tpu.memory_space<vmem>>) semaphore(%arg15 : memref<!tpu.dma_semaphore, #tpu.memory_space<semaphore_mem>>)
          %mul3A_236 = arith.constant 128 : i32
          %mul3A_237 = arith.muli %sub3A_227, %mul3A_236 : i32
          %add3A_238 = arith.constant 64 : i32
          %add3A_239 = arith.addi %mul3A_237, %add3A_238 : i32
          %dma_start3A_240 = arith.constant 64 : i32
          %dma_start3A_241 = arith.constant 0 : i32
          %dma_start3A_242 = tpu.memref_slice %arg9[%dma_start3A_240, %dma_start3A_241] : memref<128x128xf32, #tpu.memory_space<vmem>> -> memref<64x128xf32, #tpu.memory_space<vmem>>
          %dma_start3A_243 = tpu.memref_slice %arg5[%add3A_239] : memref<6272xi32, #tpu.memory_space<vmem>> -> memref<64xi32, #tpu.memory_space<vmem>>
          %dma_start3A_244 = arith.constant 0 : i32
          %dma_start3A_245 = arith.constant 0 : i32
          %dma_start3A_246 = tpu.memref_slice %arg2[%dma_start3A_244, %dma_start3A_245] : memref<100000x128xf32, #tpu.memory_space<hbm>> -> memref<100000x128xf32, #tpu.memory_space<hbm>>
          tpu.enqueue_indirect_dma source(%dma_start3A_246 : memref<100000x128xf32, #tpu.memory_space<hbm>>) target(%dma_start3A_242 : memref<64x128xf32, #tpu.memory_space<vmem>>) offsets(%dma_start3A_243 : memref<64xi32, #tpu.memory_space<vmem>>) semaphore(%arg21 : memref<!tpu.dma_semaphore, #tpu.memory_space<semaphore_mem>>)
        } else {
        }
        %dma_wait3A = arith.constant 0 : i32
        %dma_wait3A_198 = arith.constant 0 : i32
        %dma_wait3A_199 = tpu.memref_slice %arg10[%dma_wait3A, %dma_wait3A_198] : memref<128x128xf32, #tpu.memory_space<vmem>> -> memref<64x128xf32, #tpu.memory_space<vmem>>
        %dma_wait3A_200 = arith.constant 0 : i32
        %dma_wait3A_201 = tpu.memref_slice %arg5[%dma_wait3A_200] : memref<6272xi32, #tpu.memory_space<vmem>> -> memref<64xi32, #tpu.memory_space<vmem>>
        %dma_wait3A_202 = arith.constant 0 : i32
        %dma_wait3A_203 = arith.constant 0 : i32
        %dma_wait3A_204 = tpu.memref_slice %arg2[%dma_wait3A_202, %dma_wait3A_203] : memref<100000x128xf32, #tpu.memory_space<hbm>> -> memref<100000x128xf32, #tpu.memory_space<hbm>>
        tpu.wait_indirect_dma semaphore(%arg16 : memref<!tpu.dma_semaphore, #tpu.memory_space<semaphore_mem>>) src(%dma_wait3A_204 : memref<100000x128xf32, #tpu.memory_space<hbm>>) dst(%dma_wait3A_199 : memref<64x128xf32, #tpu.memory_space<vmem>>)
        %dma_wait3A_205 = arith.constant 64 : i32
        %dma_wait3A_206 = arith.constant 0 : i32
        %dma_wait3A_207 = tpu.memref_slice %arg10[%dma_wait3A_205, %dma_wait3A_206] : memref<128x128xf32, #tpu.memory_space<vmem>> -> memref<64x128xf32, #tpu.memory_space<vmem>>
        %dma_wait3A_208 = arith.constant 0 : i32
        %dma_wait3A_209 = tpu.memref_slice %arg5[%dma_wait3A_208] : memref<6272xi32, #tpu.memory_space<vmem>> -> memref<64xi32, #tpu.memory_space<vmem>>
        %dma_wait3A_210 = arith.constant 0 : i32
        %dma_wait3A_211 = arith.constant 0 : i32
        %dma_wait3A_212 = tpu.memref_slice %arg2[%dma_wait3A_210, %dma_wait3A_211] : memref<100000x128xf32, #tpu.memory_space<hbm>> -> memref<100000x128xf32, #tpu.memory_space<hbm>>
        tpu.wait_indirect_dma semaphore(%arg22 : memref<!tpu.dma_semaphore, #tpu.memory_space<semaphore_mem>>) src(%dma_wait3A_212 : memref<100000x128xf32, #tpu.memory_space<hbm>>) dst(%dma_wait3A_207 : memref<64x128xf32, #tpu.memory_space<vmem>>)
        %add3A_213 = arith.addi %select_n3A_12, %add3A_172 : i32
        %eq3A_214 = arith.constant 1562 : i32
        %eq3A_215 = arith.cmpi eq, %add3A_213, %eq3A_214 : i32
        %convert_element_type3A_216 = arith.extui %eq3A_215 : i1 to i32
        %cond3A_217 = arith.constant 0 : i32
        %cond3A_218 = arith.cmpi ne, %convert_element_type3A_216, %cond3A_217 : i32
        scf.if %cond3A_218 {
          %mul3A_224 = arith.constant 128 : i32
          %mul3A_225 = arith.muli %add3A_213, %mul3A_224 : i32
          %dma_start3A = arith.constant 0 : i32
          %dma_start3A_226 = arith.constant 0 : i32
          %dma_start3A_227 = tpu.memref_slice %arg10[%dma_start3A, %dma_start3A_226] : memref<128x128xf32, #tpu.memory_space<vmem>> -> memref<64x128xf32, #tpu.memory_space<vmem>>
          %dma_start3A_228 = arith.constant 0 : i32
          %dma_start3A_229 = tpu.memref_slice %arg4[%mul3A_225, %dma_start3A_228] : memref<200000x128xf32, #tpu.memory_space<hbm>> -> memref<64x128xf32, #tpu.memory_space<hbm>>
          %dma_start3A_230 = arith.constant 0 : i32
          %dma_start3A_231 = tpu.memref_slice %arg4[%mul3A_225, %dma_start3A_230] : memref<200000x128xf32, #tpu.memory_space<hbm>> -> memref<64x128xf32, #tpu.memory_space<hbm>>
          %dma_start3A_232 = arith.constant 0 : i32
          %dma_start3A_233 = arith.constant 0 : i32
          %dma_start3A_234 = tpu.memref_slice %arg10[%dma_start3A_232, %dma_start3A_233] : memref<128x128xf32, #tpu.memory_space<vmem>> -> memref<64x128xf32, #tpu.memory_space<vmem>>
          tpu.enqueue_dma source(%dma_start3A_234 : memref<64x128xf32, #tpu.memory_space<vmem>>) target(%dma_start3A_231 : memref<64x128xf32, #tpu.memory_space<hbm>>) target_semaphore(%arg28 : memref<!tpu.dma_semaphore, #tpu.memory_space<semaphore_mem>>)
        } else {
        }
        %ne3A_219 = arith.constant 1562 : i32
        %ne3A_220 = arith.cmpi ne, %add3A_213, %ne3A_219 : i32
        %convert_element_type3A_221 = arith.extui %ne3A_220 : i1 to i32
        %cond3A_222 = arith.constant 0 : i32
        %cond3A_223 = arith.cmpi ne, %convert_element_type3A_221, %cond3A_222 : i32
        scf.if %cond3A_223 {
          %mul3A_224 = arith.constant 128 : i32
          %mul3A_225 = arith.muli %add3A_213, %mul3A_224 : i32
          %dma_start3A = arith.constant 0 : i32
          %dma_start3A_226 = tpu.memref_slice %arg4[%mul3A_225, %dma_start3A] : memref<200000x128xf32, #tpu.memory_space<hbm>> -> memref<128x128xf32, #tpu.memory_space<hbm>>
          %dma_start3A_227 = arith.constant 0 : i32
          %dma_start3A_228 = tpu.memref_slice %arg4[%mul3A_225, %dma_start3A_227] : memref<200000x128xf32, #tpu.memory_space<hbm>> -> memref<128x128xf32, #tpu.memory_space<hbm>>
          tpu.enqueue_dma source(%arg10 : memref<128x128xf32, #tpu.memory_space<vmem>>) target(%dma_start3A_228 : memref<128x128xf32, #tpu.memory_space<hbm>>) target_semaphore(%arg28 : memref<!tpu.dma_semaphore, #tpu.memory_space<semaphore_mem>>)
        } else {
        }
      } else {
      }
      %mul3A_177 = arith.constant 6 : i32
      %mul3A_178 = arith.muli %add3A_136, %mul3A_177 : i32
      %add3A_179 = arith.constant 5 : i32
      %add3A_180 = arith.addi %mul3A_178, %add3A_179 : i32
      %lt3A_181 = arith.cmpi slt, %add3A_180, %select_n3A : i32
      %convert_element_type3A_182 = arith.extui %lt3A_181 : i1 to i32
      %cond3A_183 = arith.constant 0 : i32
      %cond3A_184 = arith.cmpi ne, %convert_element_type3A_182, %cond3A_183 : i32
      scf.if %cond3A_184 {
        %ge3A_185 = arith.constant 1 : i32
        %ge3A_186 = arith.cmpi sge, %add3A_180, %ge3A_185 : i32
        %convert_element_type3A_187 = arith.extui %ge3A_186 : i1 to i32
        %cond3A_188 = arith.constant 0 : i32
        %cond3A_189 = arith.cmpi ne, %convert_element_type3A_187, %cond3A_188 : i32
        scf.if %cond3A_189 {
          %dma_wait3A_224 = arith.constant 0 : i32
          %dma_wait3A_225 = arith.constant 0 : i32
          %dma_wait3A_226 = tpu.memref_slice %arg10[%dma_wait3A_224, %dma_wait3A_225] : memref<128x128xf32, #tpu.memory_space<vmem>> -> memref<128x128xf32, #tpu.memory_space<vmem>>
          %dma_wait3A_227 = arith.constant 0 : i32
          %dma_wait3A_228 = arith.constant 0 : i32
          %dma_wait3A_229 = tpu.memref_slice %arg4[%dma_wait3A_227, %dma_wait3A_228] : memref<200000x128xf32, #tpu.memory_space<hbm>> -> memref<128x128xf32, #tpu.memory_space<hbm>>
          %dma_wait3A_230 = arith.constant 0 : i32
          %dma_wait3A_231 = arith.constant 0 : i32
          %dma_wait3A_232 = tpu.memref_slice %arg4[%dma_wait3A_230, %dma_wait3A_231] : memref<200000x128xf32, #tpu.memory_space<hbm>> -> memref<128x128xf32, #tpu.memory_space<hbm>>
          %dma_wait3A_233 = arith.constant 0 : i32
          %dma_wait3A_234 = arith.constant 0 : i32
          %dma_wait3A_235 = tpu.memref_slice %arg10[%dma_wait3A_233, %dma_wait3A_234] : memref<128x128xf32, #tpu.memory_space<vmem>> -> memref<128x128xf32, #tpu.memory_space<vmem>>
          tpu.wait_dma2 semaphore(%arg28 : memref<!tpu.dma_semaphore, #tpu.memory_space<semaphore_mem>>) src(%dma_wait3A_235 : memref<128x128xf32, #tpu.memory_space<vmem>>) dst(%dma_wait3A_232 : memref<128x128xf32, #tpu.memory_space<hbm>>)
        } else {
        }
        %add3A_190 = arith.constant 6 : i32
        %add3A_191 = arith.addi %add3A_180, %add3A_190 : i32
        %sub3A_192 = arith.constant 1 : i32
        %sub3A_193 = arith.subi %add3A_191, %sub3A_192 : i32
        %lt3A_194 = arith.cmpi slt, %sub3A_193, %select_n3A : i32
        %convert_element_type3A_195 = arith.extui %lt3A_194 : i1 to i32
        %cond3A_196 = arith.constant 0 : i32
        %cond3A_197 = arith.cmpi ne, %convert_element_type3A_195, %cond3A_196 : i32
        scf.if %cond3A_197 {
          %add3A_224 = arith.constant 6 : i32
          %add3A_225 = arith.addi %add3A_180, %add3A_224 : i32
          %sub3A_226 = arith.constant 1 : i32
          %sub3A_227 = arith.subi %add3A_225, %sub3A_226 : i32
          %mul3A_228 = arith.constant 128 : i32
          %mul3A_229 = arith.muli %sub3A_227, %mul3A_228 : i32
          %dma_start3A = arith.constant 0 : i32
          %dma_start3A_230 = arith.constant 0 : i32
          %dma_start3A_231 = tpu.memref_slice %arg10[%dma_start3A, %dma_start3A_230] : memref<128x128xf32, #tpu.memory_space<vmem>> -> memref<64x128xf32, #tpu.memory_space<vmem>>
          %dma_start3A_232 = tpu.memref_slice %arg5[%mul3A_229] : memref<6272xi32, #tpu.memory_space<vmem>> -> memref<64xi32, #tpu.memory_space<vmem>>
          %dma_start3A_233 = arith.constant 0 : i32
          %dma_start3A_234 = arith.constant 0 : i32
          %dma_start3A_235 = tpu.memref_slice %arg2[%dma_start3A_233, %dma_start3A_234] : memref<100000x128xf32, #tpu.memory_space<hbm>> -> memref<100000x128xf32, #tpu.memory_space<hbm>>
          tpu.enqueue_indirect_dma source(%dma_start3A_235 : memref<100000x128xf32, #tpu.memory_space<hbm>>) target(%dma_start3A_231 : memref<64x128xf32, #tpu.memory_space<vmem>>) offsets(%dma_start3A_232 : memref<64xi32, #tpu.memory_space<vmem>>) semaphore(%arg16 : memref<!tpu.dma_semaphore, #tpu.memory_space<semaphore_mem>>)
          %mul3A_236 = arith.constant 128 : i32
          %mul3A_237 = arith.muli %sub3A_227, %mul3A_236 : i32
          %add3A_238 = arith.constant 64 : i32
          %add3A_239 = arith.addi %mul3A_237, %add3A_238 : i32
          %dma_start3A_240 = arith.constant 64 : i32
          %dma_start3A_241 = arith.constant 0 : i32
          %dma_start3A_242 = tpu.memref_slice %arg10[%dma_start3A_240, %dma_start3A_241] : memref<128x128xf32, #tpu.memory_space<vmem>> -> memref<64x128xf32, #tpu.memory_space<vmem>>
          %dma_start3A_243 = tpu.memref_slice %arg5[%add3A_239] : memref<6272xi32, #tpu.memory_space<vmem>> -> memref<64xi32, #tpu.memory_space<vmem>>
          %dma_start3A_244 = arith.constant 0 : i32
          %dma_start3A_245 = arith.constant 0 : i32
          %dma_start3A_246 = tpu.memref_slice %arg2[%dma_start3A_244, %dma_start3A_245] : memref<100000x128xf32, #tpu.memory_space<hbm>> -> memref<100000x128xf32, #tpu.memory_space<hbm>>
          tpu.enqueue_indirect_dma source(%dma_start3A_246 : memref<100000x128xf32, #tpu.memory_space<hbm>>) target(%dma_start3A_242 : memref<64x128xf32, #tpu.memory_space<vmem>>) offsets(%dma_start3A_243 : memref<64xi32, #tpu.memory_space<vmem>>) semaphore(%arg22 : memref<!tpu.dma_semaphore, #tpu.memory_space<semaphore_mem>>)
        } else {
        }
        %dma_wait3A = arith.constant 0 : i32
        %dma_wait3A_198 = arith.constant 0 : i32
        %dma_wait3A_199 = tpu.memref_slice %arg11[%dma_wait3A, %dma_wait3A_198] : memref<128x128xf32, #tpu.memory_space<vmem>> -> memref<64x128xf32, #tpu.memory_space<vmem>>
        %dma_wait3A_200 = arith.constant 0 : i32
        %dma_wait3A_201 = tpu.memref_slice %arg5[%dma_wait3A_200] : memref<6272xi32, #tpu.memory_space<vmem>> -> memref<64xi32, #tpu.memory_space<vmem>>
        %dma_wait3A_202 = arith.constant 0 : i32
        %dma_wait3A_203 = arith.constant 0 : i32
        %dma_wait3A_204 = tpu.memref_slice %arg2[%dma_wait3A_202, %dma_wait3A_203] : memref<100000x128xf32, #tpu.memory_space<hbm>> -> memref<100000x128xf32, #tpu.memory_space<hbm>>
        tpu.wait_indirect_dma semaphore(%arg17 : memref<!tpu.dma_semaphore, #tpu.memory_space<semaphore_mem>>) src(%dma_wait3A_204 : memref<100000x128xf32, #tpu.memory_space<hbm>>) dst(%dma_wait3A_199 : memref<64x128xf32, #tpu.memory_space<vmem>>)
        %dma_wait3A_205 = arith.constant 64 : i32
        %dma_wait3A_206 = arith.constant 0 : i32
        %dma_wait3A_207 = tpu.memref_slice %arg11[%dma_wait3A_205, %dma_wait3A_206] : memref<128x128xf32, #tpu.memory_space<vmem>> -> memref<64x128xf32, #tpu.memory_space<vmem>>
        %dma_wait3A_208 = arith.constant 0 : i32
        %dma_wait3A_209 = tpu.memref_slice %arg5[%dma_wait3A_208] : memref<6272xi32, #tpu.memory_space<vmem>> -> memref<64xi32, #tpu.memory_space<vmem>>
        %dma_wait3A_210 = arith.constant 0 : i32
        %dma_wait3A_211 = arith.constant 0 : i32
        %dma_wait3A_212 = tpu.memref_slice %arg2[%dma_wait3A_210, %dma_wait3A_211] : memref<100000x128xf32, #tpu.memory_space<hbm>> -> memref<100000x128xf32, #tpu.memory_space<hbm>>
        tpu.wait_indirect_dma semaphore(%arg23 : memref<!tpu.dma_semaphore, #tpu.memory_space<semaphore_mem>>) src(%dma_wait3A_212 : memref<100000x128xf32, #tpu.memory_space<hbm>>) dst(%dma_wait3A_207 : memref<64x128xf32, #tpu.memory_space<vmem>>)
        %add3A_213 = arith.addi %select_n3A_12, %add3A_180 : i32
        %eq3A_214 = arith.constant 1562 : i32
        %eq3A_215 = arith.cmpi eq, %add3A_213, %eq3A_214 : i32
        %convert_element_type3A_216 = arith.extui %eq3A_215 : i1 to i32
        %cond3A_217 = arith.constant 0 : i32
        %cond3A_218 = arith.cmpi ne, %convert_element_type3A_216, %cond3A_217 : i32
        scf.if %cond3A_218 {
          %mul3A_224 = arith.constant 128 : i32
          %mul3A_225 = arith.muli %add3A_213, %mul3A_224 : i32
          %dma_start3A = arith.constant 0 : i32
          %dma_start3A_226 = arith.constant 0 : i32
          %dma_start3A_227 = tpu.memref_slice %arg11[%dma_start3A, %dma_start3A_226] : memref<128x128xf32, #tpu.memory_space<vmem>> -> memref<64x128xf32, #tpu.memory_space<vmem>>
          %dma_start3A_228 = arith.constant 0 : i32
          %dma_start3A_229 = tpu.memref_slice %arg4[%mul3A_225, %dma_start3A_228] : memref<200000x128xf32, #tpu.memory_space<hbm>> -> memref<64x128xf32, #tpu.memory_space<hbm>>
          %dma_start3A_230 = arith.constant 0 : i32
          %dma_start3A_231 = tpu.memref_slice %arg4[%mul3A_225, %dma_start3A_230] : memref<200000x128xf32, #tpu.memory_space<hbm>> -> memref<64x128xf32, #tpu.memory_space<hbm>>
          %dma_start3A_232 = arith.constant 0 : i32
          %dma_start3A_233 = arith.constant 0 : i32
          %dma_start3A_234 = tpu.memref_slice %arg11[%dma_start3A_232, %dma_start3A_233] : memref<128x128xf32, #tpu.memory_space<vmem>> -> memref<64x128xf32, #tpu.memory_space<vmem>>
          tpu.enqueue_dma source(%dma_start3A_234 : memref<64x128xf32, #tpu.memory_space<vmem>>) target(%dma_start3A_231 : memref<64x128xf32, #tpu.memory_space<hbm>>) target_semaphore(%arg29 : memref<!tpu.dma_semaphore, #tpu.memory_space<semaphore_mem>>)
        } else {
        }
        %ne3A_219 = arith.constant 1562 : i32
        %ne3A_220 = arith.cmpi ne, %add3A_213, %ne3A_219 : i32
        %convert_element_type3A_221 = arith.extui %ne3A_220 : i1 to i32
        %cond3A_222 = arith.constant 0 : i32
        %cond3A_223 = arith.cmpi ne, %convert_element_type3A_221, %cond3A_222 : i32
        scf.if %cond3A_223 {
          %mul3A_224 = arith.constant 128 : i32
          %mul3A_225 = arith.muli %add3A_213, %mul3A_224 : i32
          %dma_start3A = arith.constant 0 : i32
          %dma_start3A_226 = tpu.memref_slice %arg4[%mul3A_225, %dma_start3A] : memref<200000x128xf32, #tpu.memory_space<hbm>> -> memref<128x128xf32, #tpu.memory_space<hbm>>
          %dma_start3A_227 = arith.constant 0 : i32
          %dma_start3A_228 = tpu.memref_slice %arg4[%mul3A_225, %dma_start3A_227] : memref<200000x128xf32, #tpu.memory_space<hbm>> -> memref<128x128xf32, #tpu.memory_space<hbm>>
          tpu.enqueue_dma source(%arg11 : memref<128x128xf32, #tpu.memory_space<vmem>>) target(%dma_start3A_228 : memref<128x128xf32, #tpu.memory_space<hbm>>) target_semaphore(%arg29 : memref<!tpu.dma_semaphore, #tpu.memory_space<semaphore_mem>>)
        } else {
        }
      } else {
      }
    }
    %sub3A_95 = arith.constant 1 : i32
    %sub3A_96 = arith.subi %select_n3A, %sub3A_95 : i32
    %rem3A_97 = arith.constant 6 : i32
    %rem3A_98 = arith.remsi %sub3A_96, %rem3A_97 : i32
    %add3A_99 = arith.addi %select_n3A_12, %select_n3A : i32
    %sub3A_100 = arith.constant 1 : i32
    %sub3A_101 = arith.subi %add3A_99, %sub3A_100 : i32
    %eq3A_102 = arith.constant 1562 : i32
    %eq3A_103 = arith.cmpi eq, %sub3A_101, %eq3A_102 : i32
    %eq3A_104 = arith.constant 0 : i32
    %eq3A_105 = arith.cmpi eq, %rem3A_98, %eq3A_104 : i32
    %convert_element_type3A_106 = arith.extui %eq3A_105 : i1 to i32
    %cond3A_107 = arith.constant 0 : i32
    %cond3A_108 = arith.cmpi ne, %convert_element_type3A_106, %cond3A_107 : i32
    scf.if %cond3A_108 {
      %convert_element_type3A_134 = arith.extui %eq3A_103 : i1 to i32
      %cond3A_135 = arith.constant 0 : i32
      %cond3A_136 = arith.cmpi ne, %convert_element_type3A_134, %cond3A_135 : i32
      scf.if %cond3A_136 {
        %dma_wait3A = arith.constant 0 : i32
        %dma_wait3A_141 = arith.constant 0 : i32
        %dma_wait3A_142 = tpu.memref_slice %arg6[%dma_wait3A, %dma_wait3A_141] : memref<128x128xf32, #tpu.memory_space<vmem>> -> memref<64x128xf32, #tpu.memory_space<vmem>>
        %dma_wait3A_143 = arith.constant 0 : i32
        %dma_wait3A_144 = arith.constant 0 : i32
        %dma_wait3A_145 = tpu.memref_slice %arg4[%dma_wait3A_143, %dma_wait3A_144] : memref<200000x128xf32, #tpu.memory_space<hbm>> -> memref<64x128xf32, #tpu.memory_space<hbm>>
        %dma_wait3A_146 = arith.constant 0 : i32
        %dma_wait3A_147 = arith.constant 0 : i32
        %dma_wait3A_148 = tpu.memref_slice %arg4[%dma_wait3A_146, %dma_wait3A_147] : memref<200000x128xf32, #tpu.memory_space<hbm>> -> memref<64x128xf32, #tpu.memory_space<hbm>>
        %dma_wait3A_149 = arith.constant 0 : i32
        %dma_wait3A_150 = arith.constant 0 : i32
        %dma_wait3A_151 = tpu.memref_slice %arg6[%dma_wait3A_149, %dma_wait3A_150] : memref<128x128xf32, #tpu.memory_space<vmem>> -> memref<64x128xf32, #tpu.memory_space<vmem>>
        tpu.wait_dma2 semaphore(%arg24 : memref<!tpu.dma_semaphore, #tpu.memory_space<semaphore_mem>>) src(%dma_wait3A_151 : memref<64x128xf32, #tpu.memory_space<vmem>>) dst(%dma_wait3A_148 : memref<64x128xf32, #tpu.memory_space<hbm>>)
      } else {
      }
      %not3A = arith.constant true
      %not3A_137 = arith.xori %eq3A_103, %not3A : i1
      %convert_element_type3A_138 = arith.extui %not3A_137 : i1 to i32
      %cond3A_139 = arith.constant 0 : i32
      %cond3A_140 = arith.cmpi ne, %convert_element_type3A_138, %cond3A_139 : i32
      scf.if %cond3A_140 {
        %dma_wait3A = arith.constant 0 : i32
        %dma_wait3A_141 = arith.constant 0 : i32
        %dma_wait3A_142 = tpu.memref_slice %arg6[%dma_wait3A, %dma_wait3A_141] : memref<128x128xf32, #tpu.memory_space<vmem>> -> memref<128x128xf32, #tpu.memory_space<vmem>>
        %dma_wait3A_143 = arith.constant 0 : i32
        %dma_wait3A_144 = arith.constant 0 : i32
        %dma_wait3A_145 = tpu.memref_slice %arg4[%dma_wait3A_143, %dma_wait3A_144] : memref<200000x128xf32, #tpu.memory_space<hbm>> -> memref<128x128xf32, #tpu.memory_space<hbm>>
        %dma_wait3A_146 = arith.constant 0 : i32
        %dma_wait3A_147 = arith.constant 0 : i32
        %dma_wait3A_148 = tpu.memref_slice %arg4[%dma_wait3A_146, %dma_wait3A_147] : memref<200000x128xf32, #tpu.memory_space<hbm>> -> memref<128x128xf32, #tpu.memory_space<hbm>>
        %dma_wait3A_149 = arith.constant 0 : i32
        %dma_wait3A_150 = arith.constant 0 : i32
        %dma_wait3A_151 = tpu.memref_slice %arg6[%dma_wait3A_149, %dma_wait3A_150] : memref<128x128xf32, #tpu.memory_space<vmem>> -> memref<128x128xf32, #tpu.memory_space<vmem>>
        tpu.wait_dma2 semaphore(%arg24 : memref<!tpu.dma_semaphore, #tpu.memory_space<semaphore_mem>>) src(%dma_wait3A_151 : memref<128x128xf32, #tpu.memory_space<vmem>>) dst(%dma_wait3A_148 : memref<128x128xf32, #tpu.memory_space<hbm>>)
      } else {
      }
    } else {
    }
    %eq3A_109 = arith.constant 1 : i32
    %eq3A_110 = arith.cmpi eq, %rem3A_98, %eq3A_109 : i32
    %convert_element_type3A_111 = arith.extui %eq3A_110 : i1 to i32
    %cond3A_112 = arith.constant 0 : i32
    %cond3A_113 = arith.cmpi ne, %convert_element_type3A_111, %cond3A_112 : i32
    scf.if %cond3A_113 {
      %convert_element_type3A_134 = arith.extui %eq3A_103 : i1 to i32
      %cond3A_135 = arith.constant 0 : i32
      %cond3A_136 = arith.cmpi ne, %convert_element_type3A_134, %cond3A_135 : i32
      scf.if %cond3A_136 {
        %dma_wait3A = arith.constant 0 : i32
        %dma_wait3A_141 = arith.constant 0 : i32
        %dma_wait3A_142 = tpu.memref_slice %arg7[%dma_wait3A, %dma_wait3A_141] : memref<128x128xf32, #tpu.memory_space<vmem>> -> memref<64x128xf32, #tpu.memory_space<vmem>>
        %dma_wait3A_143 = arith.constant 0 : i32
        %dma_wait3A_144 = arith.constant 0 : i32
        %dma_wait3A_145 = tpu.memref_slice %arg4[%dma_wait3A_143, %dma_wait3A_144] : memref<200000x128xf32, #tpu.memory_space<hbm>> -> memref<64x128xf32, #tpu.memory_space<hbm>>
        %dma_wait3A_146 = arith.constant 0 : i32
        %dma_wait3A_147 = arith.constant 0 : i32
        %dma_wait3A_148 = tpu.memref_slice %arg4[%dma_wait3A_146, %dma_wait3A_147] : memref<200000x128xf32, #tpu.memory_space<hbm>> -> memref<64x128xf32, #tpu.memory_space<hbm>>
        %dma_wait3A_149 = arith.constant 0 : i32
        %dma_wait3A_150 = arith.constant 0 : i32
        %dma_wait3A_151 = tpu.memref_slice %arg7[%dma_wait3A_149, %dma_wait3A_150] : memref<128x128xf32, #tpu.memory_space<vmem>> -> memref<64x128xf32, #tpu.memory_space<vmem>>
        tpu.wait_dma2 semaphore(%arg25 : memref<!tpu.dma_semaphore, #tpu.memory_space<semaphore_mem>>) src(%dma_wait3A_151 : memref<64x128xf32, #tpu.memory_space<vmem>>) dst(%dma_wait3A_148 : memref<64x128xf32, #tpu.memory_space<hbm>>)
      } else {
      }
      %not3A = arith.constant true
      %not3A_137 = arith.xori %eq3A_103, %not3A : i1
      %convert_element_type3A_138 = arith.extui %not3A_137 : i1 to i32
      %cond3A_139 = arith.constant 0 : i32
      %cond3A_140 = arith.cmpi ne, %convert_element_type3A_138, %cond3A_139 : i32
      scf.if %cond3A_140 {
        %dma_wait3A = arith.constant 0 : i32
        %dma_wait3A_141 = arith.constant 0 : i32
        %dma_wait3A_142 = tpu.memref_slice %arg7[%dma_wait3A, %dma_wait3A_141] : memref<128x128xf32, #tpu.memory_space<vmem>> -> memref<128x128xf32, #tpu.memory_space<vmem>>
        %dma_wait3A_143 = arith.constant 0 : i32
        %dma_wait3A_144 = arith.constant 0 : i32
        %dma_wait3A_145 = tpu.memref_slice %arg4[%dma_wait3A_143, %dma_wait3A_144] : memref<200000x128xf32, #tpu.memory_space<hbm>> -> memref<128x128xf32, #tpu.memory_space<hbm>>
        %dma_wait3A_146 = arith.constant 0 : i32
        %dma_wait3A_147 = arith.constant 0 : i32
        %dma_wait3A_148 = tpu.memref_slice %arg4[%dma_wait3A_146, %dma_wait3A_147] : memref<200000x128xf32, #tpu.memory_space<hbm>> -> memref<128x128xf32, #tpu.memory_space<hbm>>
        %dma_wait3A_149 = arith.constant 0 : i32
        %dma_wait3A_150 = arith.constant 0 : i32
        %dma_wait3A_151 = tpu.memref_slice %arg7[%dma_wait3A_149, %dma_wait3A_150] : memref<128x128xf32, #tpu.memory_space<vmem>> -> memref<128x128xf32, #tpu.memory_space<vmem>>
        tpu.wait_dma2 semaphore(%arg25 : memref<!tpu.dma_semaphore, #tpu.memory_space<semaphore_mem>>) src(%dma_wait3A_151 : memref<128x128xf32, #tpu.memory_space<vmem>>) dst(%dma_wait3A_148 : memref<128x128xf32, #tpu.memory_space<hbm>>)
      } else {
      }
    } else {
    }
    %eq3A_114 = arith.constant 2 : i32
    %eq3A_115 = arith.cmpi eq, %rem3A_98, %eq3A_114 : i32
    %convert_element_type3A_116 = arith.extui %eq3A_115 : i1 to i32
    %cond3A_117 = arith.constant 0 : i32
    %cond3A_118 = arith.cmpi ne, %convert_element_type3A_116, %cond3A_117 : i32
    scf.if %cond3A_118 {
      %convert_element_type3A_134 = arith.extui %eq3A_103 : i1 to i32
      %cond3A_135 = arith.constant 0 : i32
      %cond3A_136 = arith.cmpi ne, %convert_element_type3A_134, %cond3A_135 : i32
      scf.if %cond3A_136 {
        %dma_wait3A = arith.constant 0 : i32
        %dma_wait3A_141 = arith.constant 0 : i32
        %dma_wait3A_142 = tpu.memref_slice %arg8[%dma_wait3A, %dma_wait3A_141] : memref<128x128xf32, #tpu.memory_space<vmem>> -> memref<64x128xf32, #tpu.memory_space<vmem>>
        %dma_wait3A_143 = arith.constant 0 : i32
        %dma_wait3A_144 = arith.constant 0 : i32
        %dma_wait3A_145 = tpu.memref_slice %arg4[%dma_wait3A_143, %dma_wait3A_144] : memref<200000x128xf32, #tpu.memory_space<hbm>> -> memref<64x128xf32, #tpu.memory_space<hbm>>
        %dma_wait3A_146 = arith.constant 0 : i32
        %dma_wait3A_147 = arith.constant 0 : i32
        %dma_wait3A_148 = tpu.memref_slice %arg4[%dma_wait3A_146, %dma_wait3A_147] : memref<200000x128xf32, #tpu.memory_space<hbm>> -> memref<64x128xf32, #tpu.memory_space<hbm>>
        %dma_wait3A_149 = arith.constant 0 : i32
        %dma_wait3A_150 = arith.constant 0 : i32
        %dma_wait3A_151 = tpu.memref_slice %arg8[%dma_wait3A_149, %dma_wait3A_150] : memref<128x128xf32, #tpu.memory_space<vmem>> -> memref<64x128xf32, #tpu.memory_space<vmem>>
        tpu.wait_dma2 semaphore(%arg26 : memref<!tpu.dma_semaphore, #tpu.memory_space<semaphore_mem>>) src(%dma_wait3A_151 : memref<64x128xf32, #tpu.memory_space<vmem>>) dst(%dma_wait3A_148 : memref<64x128xf32, #tpu.memory_space<hbm>>)
      } else {
      }
      %not3A = arith.constant true
      %not3A_137 = arith.xori %eq3A_103, %not3A : i1
      %convert_element_type3A_138 = arith.extui %not3A_137 : i1 to i32
      %cond3A_139 = arith.constant 0 : i32
      %cond3A_140 = arith.cmpi ne, %convert_element_type3A_138, %cond3A_139 : i32
      scf.if %cond3A_140 {
        %dma_wait3A = arith.constant 0 : i32
        %dma_wait3A_141 = arith.constant 0 : i32
        %dma_wait3A_142 = tpu.memref_slice %arg8[%dma_wait3A, %dma_wait3A_141] : memref<128x128xf32, #tpu.memory_space<vmem>> -> memref<128x128xf32, #tpu.memory_space<vmem>>
        %dma_wait3A_143 = arith.constant 0 : i32
        %dma_wait3A_144 = arith.constant 0 : i32
        %dma_wait3A_145 = tpu.memref_slice %arg4[%dma_wait3A_143, %dma_wait3A_144] : memref<200000x128xf32, #tpu.memory_space<hbm>> -> memref<128x128xf32, #tpu.memory_space<hbm>>
        %dma_wait3A_146 = arith.constant 0 : i32
        %dma_wait3A_147 = arith.constant 0 : i32
        %dma_wait3A_148 = tpu.memref_slice %arg4[%dma_wait3A_146, %dma_wait3A_147] : memref<200000x128xf32, #tpu.memory_space<hbm>> -> memref<128x128xf32, #tpu.memory_space<hbm>>
        %dma_wait3A_149 = arith.constant 0 : i32
        %dma_wait3A_150 = arith.constant 0 : i32
        %dma_wait3A_151 = tpu.memref_slice %arg8[%dma_wait3A_149, %dma_wait3A_150] : memref<128x128xf32, #tpu.memory_space<vmem>> -> memref<128x128xf32, #tpu.memory_space<vmem>>
        tpu.wait_dma2 semaphore(%arg26 : memref<!tpu.dma_semaphore, #tpu.memory_space<semaphore_mem>>) src(%dma_wait3A_151 : memref<128x128xf32, #tpu.memory_space<vmem>>) dst(%dma_wait3A_148 : memref<128x128xf32, #tpu.memory_space<hbm>>)
      } else {
      }
    } else {
    }
    %eq3A_119 = arith.constant 3 : i32
    %eq3A_120 = arith.cmpi eq, %rem3A_98, %eq3A_119 : i32
    %convert_element_type3A_121 = arith.extui %eq3A_120 : i1 to i32
    %cond3A_122 = arith.constant 0 : i32
    %cond3A_123 = arith.cmpi ne, %convert_element_type3A_121, %cond3A_122 : i32
    scf.if %cond3A_123 {
      %convert_element_type3A_134 = arith.extui %eq3A_103 : i1 to i32
      %cond3A_135 = arith.constant 0 : i32
      %cond3A_136 = arith.cmpi ne, %convert_element_type3A_134, %cond3A_135 : i32
      scf.if %cond3A_136 {
        %dma_wait3A = arith.constant 0 : i32
        %dma_wait3A_141 = arith.constant 0 : i32
        %dma_wait3A_142 = tpu.memref_slice %arg9[%dma_wait3A, %dma_wait3A_141] : memref<128x128xf32, #tpu.memory_space<vmem>> -> memref<64x128xf32, #tpu.memory_space<vmem>>
        %dma_wait3A_143 = arith.constant 0 : i32
        %dma_wait3A_144 = arith.constant 0 : i32
        %dma_wait3A_145 = tpu.memref_slice %arg4[%dma_wait3A_143, %dma_wait3A_144] : memref<200000x128xf32, #tpu.memory_space<hbm>> -> memref<64x128xf32, #tpu.memory_space<hbm>>
        %dma_wait3A_146 = arith.constant 0 : i32
        %dma_wait3A_147 = arith.constant 0 : i32
        %dma_wait3A_148 = tpu.memref_slice %arg4[%dma_wait3A_146, %dma_wait3A_147] : memref<200000x128xf32, #tpu.memory_space<hbm>> -> memref<64x128xf32, #tpu.memory_space<hbm>>
        %dma_wait3A_149 = arith.constant 0 : i32
        %dma_wait3A_150 = arith.constant 0 : i32
        %dma_wait3A_151 = tpu.memref_slice %arg9[%dma_wait3A_149, %dma_wait3A_150] : memref<128x128xf32, #tpu.memory_space<vmem>> -> memref<64x128xf32, #tpu.memory_space<vmem>>
        tpu.wait_dma2 semaphore(%arg27 : memref<!tpu.dma_semaphore, #tpu.memory_space<semaphore_mem>>) src(%dma_wait3A_151 : memref<64x128xf32, #tpu.memory_space<vmem>>) dst(%dma_wait3A_148 : memref<64x128xf32, #tpu.memory_space<hbm>>)
      } else {
      }
      %not3A = arith.constant true
      %not3A_137 = arith.xori %eq3A_103, %not3A : i1
      %convert_element_type3A_138 = arith.extui %not3A_137 : i1 to i32
      %cond3A_139 = arith.constant 0 : i32
      %cond3A_140 = arith.cmpi ne, %convert_element_type3A_138, %cond3A_139 : i32
      scf.if %cond3A_140 {
        %dma_wait3A = arith.constant 0 : i32
        %dma_wait3A_141 = arith.constant 0 : i32
        %dma_wait3A_142 = tpu.memref_slice %arg9[%dma_wait3A, %dma_wait3A_141] : memref<128x128xf32, #tpu.memory_space<vmem>> -> memref<128x128xf32, #tpu.memory_space<vmem>>
        %dma_wait3A_143 = arith.constant 0 : i32
        %dma_wait3A_144 = arith.constant 0 : i32
        %dma_wait3A_145 = tpu.memref_slice %arg4[%dma_wait3A_143, %dma_wait3A_144] : memref<200000x128xf32, #tpu.memory_space<hbm>> -> memref<128x128xf32, #tpu.memory_space<hbm>>
        %dma_wait3A_146 = arith.constant 0 : i32
        %dma_wait3A_147 = arith.constant 0 : i32
        %dma_wait3A_148 = tpu.memref_slice %arg4[%dma_wait3A_146, %dma_wait3A_147] : memref<200000x128xf32, #tpu.memory_space<hbm>> -> memref<128x128xf32, #tpu.memory_space<hbm>>
        %dma_wait3A_149 = arith.constant 0 : i32
        %dma_wait3A_150 = arith.constant 0 : i32
        %dma_wait3A_151 = tpu.memref_slice %arg9[%dma_wait3A_149, %dma_wait3A_150] : memref<128x128xf32, #tpu.memory_space<vmem>> -> memref<128x128xf32, #tpu.memory_space<vmem>>
        tpu.wait_dma2 semaphore(%arg27 : memref<!tpu.dma_semaphore, #tpu.memory_space<semaphore_mem>>) src(%dma_wait3A_151 : memref<128x128xf32, #tpu.memory_space<vmem>>) dst(%dma_wait3A_148 : memref<128x128xf32, #tpu.memory_space<hbm>>)
      } else {
      }
    } else {
    }
    %eq3A_124 = arith.constant 4 : i32
    %eq3A_125 = arith.cmpi eq, %rem3A_98, %eq3A_124 : i32
    %convert_element_type3A_126 = arith.extui %eq3A_125 : i1 to i32
    %cond3A_127 = arith.constant 0 : i32
    %cond3A_128 = arith.cmpi ne, %convert_element_type3A_126, %cond3A_127 : i32
    scf.if %cond3A_128 {
      %convert_element_type3A_134 = arith.extui %eq3A_103 : i1 to i32
      %cond3A_135 = arith.constant 0 : i32
      %cond3A_136 = arith.cmpi ne, %convert_element_type3A_134, %cond3A_135 : i32
      scf.if %cond3A_136 {
        %dma_wait3A = arith.constant 0 : i32
        %dma_wait3A_141 = arith.constant 0 : i32
        %dma_wait3A_142 = tpu.memref_slice %arg10[%dma_wait3A, %dma_wait3A_141] : memref<128x128xf32, #tpu.memory_space<vmem>> -> memref<64x128xf32, #tpu.memory_space<vmem>>
        %dma_wait3A_143 = arith.constant 0 : i32
        %dma_wait3A_144 = arith.constant 0 : i32
        %dma_wait3A_145 = tpu.memref_slice %arg4[%dma_wait3A_143, %dma_wait3A_144] : memref<200000x128xf32, #tpu.memory_space<hbm>> -> memref<64x128xf32, #tpu.memory_space<hbm>>
        %dma_wait3A_146 = arith.constant 0 : i32
        %dma_wait3A_147 = arith.constant 0 : i32
        %dma_wait3A_148 = tpu.memref_slice %arg4[%dma_wait3A_146, %dma_wait3A_147] : memref<200000x128xf32, #tpu.memory_space<hbm>> -> memref<64x128xf32, #tpu.memory_space<hbm>>
        %dma_wait3A_149 = arith.constant 0 : i32
        %dma_wait3A_150 = arith.constant 0 : i32
        %dma_wait3A_151 = tpu.memref_slice %arg10[%dma_wait3A_149, %dma_wait3A_150] : memref<128x128xf32, #tpu.memory_space<vmem>> -> memref<64x128xf32, #tpu.memory_space<vmem>>
        tpu.wait_dma2 semaphore(%arg28 : memref<!tpu.dma_semaphore, #tpu.memory_space<semaphore_mem>>) src(%dma_wait3A_151 : memref<64x128xf32, #tpu.memory_space<vmem>>) dst(%dma_wait3A_148 : memref<64x128xf32, #tpu.memory_space<hbm>>)
      } else {
      }
      %not3A = arith.constant true
      %not3A_137 = arith.xori %eq3A_103, %not3A : i1
      %convert_element_type3A_138 = arith.extui %not3A_137 : i1 to i32
      %cond3A_139 = arith.constant 0 : i32
      %cond3A_140 = arith.cmpi ne, %convert_element_type3A_138, %cond3A_139 : i32
      scf.if %cond3A_140 {
        %dma_wait3A = arith.constant 0 : i32
        %dma_wait3A_141 = arith.constant 0 : i32
        %dma_wait3A_142 = tpu.memref_slice %arg10[%dma_wait3A, %dma_wait3A_141] : memref<128x128xf32, #tpu.memory_space<vmem>> -> memref<128x128xf32, #tpu.memory_space<vmem>>
        %dma_wait3A_143 = arith.constant 0 : i32
        %dma_wait3A_144 = arith.constant 0 : i32
        %dma_wait3A_145 = tpu.memref_slice %arg4[%dma_wait3A_143, %dma_wait3A_144] : memref<200000x128xf32, #tpu.memory_space<hbm>> -> memref<128x128xf32, #tpu.memory_space<hbm>>
        %dma_wait3A_146 = arith.constant 0 : i32
        %dma_wait3A_147 = arith.constant 0 : i32
        %dma_wait3A_148 = tpu.memref_slice %arg4[%dma_wait3A_146, %dma_wait3A_147] : memref<200000x128xf32, #tpu.memory_space<hbm>> -> memref<128x128xf32, #tpu.memory_space<hbm>>
        %dma_wait3A_149 = arith.constant 0 : i32
        %dma_wait3A_150 = arith.constant 0 : i32
        %dma_wait3A_151 = tpu.memref_slice %arg10[%dma_wait3A_149, %dma_wait3A_150] : memref<128x128xf32, #tpu.memory_space<vmem>> -> memref<128x128xf32, #tpu.memory_space<vmem>>
        tpu.wait_dma2 semaphore(%arg28 : memref<!tpu.dma_semaphore, #tpu.memory_space<semaphore_mem>>) src(%dma_wait3A_151 : memref<128x128xf32, #tpu.memory_space<vmem>>) dst(%dma_wait3A_148 : memref<128x128xf32, #tpu.memory_space<hbm>>)
      } else {
      }
    } else {
    }
    %eq3A_129 = arith.constant 5 : i32
    %eq3A_130 = arith.cmpi eq, %rem3A_98, %eq3A_129 : i32
    %convert_element_type3A_131 = arith.extui %eq3A_130 : i1 to i32
    %cond3A_132 = arith.constant 0 : i32
    %cond3A_133 = arith.cmpi ne, %convert_element_type3A_131, %cond3A_132 : i32
    scf.if %cond3A_133 {
      %convert_element_type3A_134 = arith.extui %eq3A_103 : i1 to i32
      %cond3A_135 = arith.constant 0 : i32
      %cond3A_136 = arith.cmpi ne, %convert_element_type3A_134, %cond3A_135 : i32
      scf.if %cond3A_136 {
        %dma_wait3A = arith.constant 0 : i32
        %dma_wait3A_141 = arith.constant 0 : i32
        %dma_wait3A_142 = tpu.memref_slice %arg11[%dma_wait3A, %dma_wait3A_141] : memref<128x128xf32, #tpu.memory_space<vmem>> -> memref<64x128xf32, #tpu.memory_space<vmem>>
        %dma_wait3A_143 = arith.constant 0 : i32
        %dma_wait3A_144 = arith.constant 0 : i32
        %dma_wait3A_145 = tpu.memref_slice %arg4[%dma_wait3A_143, %dma_wait3A_144] : memref<200000x128xf32, #tpu.memory_space<hbm>> -> memref<64x128xf32, #tpu.memory_space<hbm>>
        %dma_wait3A_146 = arith.constant 0 : i32
        %dma_wait3A_147 = arith.constant 0 : i32
        %dma_wait3A_148 = tpu.memref_slice %arg4[%dma_wait3A_146, %dma_wait3A_147] : memref<200000x128xf32, #tpu.memory_space<hbm>> -> memref<64x128xf32, #tpu.memory_space<hbm>>
        %dma_wait3A_149 = arith.constant 0 : i32
        %dma_wait3A_150 = arith.constant 0 : i32
        %dma_wait3A_151 = tpu.memref_slice %arg11[%dma_wait3A_149, %dma_wait3A_150] : memref<128x128xf32, #tpu.memory_space<vmem>> -> memref<64x128xf32, #tpu.memory_space<vmem>>
        tpu.wait_dma2 semaphore(%arg29 : memref<!tpu.dma_semaphore, #tpu.memory_space<semaphore_mem>>) src(%dma_wait3A_151 : memref<64x128xf32, #tpu.memory_space<vmem>>) dst(%dma_wait3A_148 : memref<64x128xf32, #tpu.memory_space<hbm>>)
      } else {
      }
      %not3A = arith.constant true
      %not3A_137 = arith.xori %eq3A_103, %not3A : i1
      %convert_element_type3A_138 = arith.extui %not3A_137 : i1 to i32
      %cond3A_139 = arith.constant 0 : i32
      %cond3A_140 = arith.cmpi ne, %convert_element_type3A_138, %cond3A_139 : i32
      scf.if %cond3A_140 {
        %dma_wait3A = arith.constant 0 : i32
        %dma_wait3A_141 = arith.constant 0 : i32
        %dma_wait3A_142 = tpu.memref_slice %arg11[%dma_wait3A, %dma_wait3A_141] : memref<128x128xf32, #tpu.memory_space<vmem>> -> memref<128x128xf32, #tpu.memory_space<vmem>>
        %dma_wait3A_143 = arith.constant 0 : i32
        %dma_wait3A_144 = arith.constant 0 : i32
        %dma_wait3A_145 = tpu.memref_slice %arg4[%dma_wait3A_143, %dma_wait3A_144] : memref<200000x128xf32, #tpu.memory_space<hbm>> -> memref<128x128xf32, #tpu.memory_space<hbm>>
        %dma_wait3A_146 = arith.constant 0 : i32
        %dma_wait3A_147 = arith.constant 0 : i32
        %dma_wait3A_148 = tpu.memref_slice %arg4[%dma_wait3A_146, %dma_wait3A_147] : memref<200000x128xf32, #tpu.memory_space<hbm>> -> memref<128x128xf32, #tpu.memory_space<hbm>>
        %dma_wait3A_149 = arith.constant 0 : i32
        %dma_wait3A_150 = arith.constant 0 : i32
        %dma_wait3A_151 = tpu.memref_slice %arg11[%dma_wait3A_149, %dma_wait3A_150] : memref<128x128xf32, #tpu.memory_space<vmem>> -> memref<128x128xf32, #tpu.memory_space<vmem>>
        tpu.wait_dma2 semaphore(%arg29 : memref<!tpu.dma_semaphore, #tpu.memory_space<semaphore_mem>>) src(%dma_wait3A_151 : memref<128x128xf32, #tpu.memory_space<vmem>>) dst(%dma_wait3A_148 : memref<128x128xf32, #tpu.memory_space<hbm>>)
      } else {
      }
    } else {
    }
    return
  }
}

</mosaic_0001>

<sc_bundles>
// kernel: _gather.3.cloned.1.call-start
scs
__scs_entry_jumppad:
0x0: {  	(pc) =	sbr.rel $0x88, $3  }
0x1: {  	(tag) =	ssettag $0x0;
	lr =	simm.s32 $0x1  }
0x2: {  	[smem:$0x3F9F] =	sst lr;
	_ =	strace $0xD0000000  }
0x3: {  	_ = 	snop  }
0x4: {  	_ = 	snop  }
0x5: {  	_ = 	snop  }
0x6: {  	_ = 	snop  }
0x7: {  	_ = 	snop  }
__scs_overlays_trampoline_lowered:
0x8: {  	[smem:$0x3FAE] =	sst s0  }
0x9: {  	[smem:$0x3FAF] =	sst s1  }
0xa: {  	[smem:$0x3FB0] =	sst s2  }
0xb: {  	[smem:$0x3FB1] =	sst s3  }
0xc: {  	[smem:$0x3FB2] =	sst s4  }
0xd: {  	[smem:$0x3FB3] =	sst s5  }
0xe: {  	[smem:$0x3FB4] =	sst s6  }
0xf: {  	[smem:$0x3FB5] =	sst s7  }
0x10: {  	[smem:$0x3FB6] =	sst s8  }
0x11: {  	[smem:$0x3FB7] =	sst s9;
	s0 =	simm.s32 @!p0 $0x0  }
0x12: {  	s1 =	sld [smem:$0x3F9D];
	s0 =	simm.s32 @p0 $0x1  }
0x13: {  	[smem:$0x3FB8] =	sst s0;
	s0 =	simm.s32 @!p1 $0x0  }
0x14: {  	s2 =	sld [smem:$0x3F9C];
	s0 =	simm.s32 @p1 $0x1  }
0x15: {  	[smem:$0x3FB9] =	sst s0;
	s0 =	simm.s32 @!p2 $0x0  }
0x16: {  	s3 =	sld [smem:$0x3FDB];
	s0 =	simm.s32 @p2 $0x1  }
0x17: {  	s4 =	simm.s32 $0x1BF5;
	[smem:$0x3FBB] =	sst s0  }
0x18: {  	s0 =	sld [smem:$0x3F9E];
	_ =	swait.ge [sflag:s4], $0x0  }
0x19: {  	s7 =	sld [smem:$0x3F9F]  }
0x1a: {  	s8 =	sadd.s32 $0xFFFFE003, lr  }
0x1b: {  	s9 =	sadd.s32 $0xFFFFFEF7, lr;
	s5 =	simm.s32 $0xFFFFFFFF;
	p2 =	slt.u32 s8, $0xFFFFF086  }
0x1c: {  	p1 =	slt.u32 s9, $0xF7A;
	s5 =	simm.s32 @!p2 $0x0  }
0x1d: {  	s5 =	simm.s32 @p1 $0x1;
	p0 =	seq.s32 s7, s2  }
0x1e: {  	s7 =	smul.u32 @!p0 $0xF7A, s2;
	p2 =	seq.s32 @!p0 s5, $0x0  }
0x1f: {  	s9 =	smul.u32 $0xF7A, s1;
	s8 =	simm.s32 @!p0 $0x1BF5;
	p2 =	por !p2, p0  }
0x20: {  	[sflag:s8] =	ssyncset.s32 @!p0 $0xFFFFF086;
	s6 =	sadd.s32 @!p0 s3, s7;
	s7 =	simm.s32 @!p0 $0x108  }
0x21: {  	s3 =	sadd.s32 s3, s9;
	s6 =	sadd.s32 @!p0 $0x88, s6;
	s7 =	simm.s32 @p2 $0x1082  }
0x22: {  	[simem:s7], [sflag:s8] =	dma.local @!p0 [hbm:s6], $0xF7A  }
0x23: {  	s9 =	sor.u32 $0xD0000000, s2;
	s6 =	simm.s32 $0x108;
	_ =	swait.ge @!p0 [sflag:s8], $0x0  }
0x24: {  	s3 =	sadd.s32 $0x88, s3;
	s6 =	simm.s32 @!p1 $0x1082;
	[sflag:s4] =	ssyncset.s32 $0xFFFFF086  }
0x25: {  	[simem:s6], [sflag:s4] =	dma.local [hbm:s3], $0xF7A  }
0x26: {  	[smem:$0x3F9F] =	sst s1;
	(tag) =	ssettag s2;
	_ =	strace s9  }
0x27: {  	s1 =	sld [smem:$0x3FAF]  }
0x28: {  	s2 =	sld [smem:$0x3FB0]  }
0x29: {  	s4 =	sld [smem:$0x3FB2]  }
0x2a: {  	p0 =	seq.s32 s5, $0x0;
	s5 =	sld [smem:$0x3FB3]  }
0x2b: {  	s6 =	sld [smem:$0x3FB4]  }
0x2c: {  	s7 =	sld [smem:$0x3FB5]  }
0x2d: {  	s3 =	simm.s32 $0x108;
	s8 =	sld [smem:$0x3FB6]  }
0x2e: {  	s3 =	simm.s32 @!p0 $0x1082;
	s9 =	sld [smem:$0x3FB7]  }
0x2f: {  	lr =	sadd.s32 s0, s3;
	s0 =	sld [smem:$0x3FAE]  }
0x30: {  	s3 =	sld [smem:$0x3FB1]  }
0x31: {  	[smem:$0x3FBA] =	sst s10  }
0x32: {  	s10 =	sld [smem:$0x3FB8];
	_ =	sdelay $0x3  }
0x33: {  	p0 =	seq.s32 s10, $0x1;
	s10 =	sld [smem:$0x3FBA];
	_ =	sdelay $0x3  }
0x34: {  	[smem:$0x3FBA] =	sst s10  }
0x35: {  	s10 =	sld [smem:$0x3FB9];
	_ =	sdelay $0x3  }
0x36: {  	p1 =	seq.s32 s10, $0x1;
	s10 =	sld [smem:$0x3FBA];
	_ =	sdelay $0x3  }
0x37: {  	[smem:$0x3FBA] =	sst s10  }
0x38: {  	s10 =	sld [smem:$0x3FBB]  }
0x39: {  	_ = 	snop;
	(pc) =	sbr.ind lr, $3  }
0x3a: {  	_ = 	snop  }
0x3b: {  	_ = 	snop  }
0x3c: {  	p2 =	seq.s32 s10, $0x1;
	s10 =	sld [smem:$0x3FBA]  }
0x3d: {  	_ =	shalt  }
0x3e: {  	_ =	shalt  }
0x3f: {  	_ =	shalt  }
0x40: {  	_ =	shalt  }
0x41: {  	_ =	shalt  }
0x42: {  	_ =	shalt  }
0x43: {  	_ =	shalt  }
0x44: {  	_ =	shalt  }
0x45: {  	_ =	shalt  }
0x46: {  	_ =	shalt  }
0x47: {  	_ =	shalt  }
0x48: {  	_ =	shalt  }
0x49: {  	_ =	shalt  }
0x4a: {  	_ =	shalt  }
0x4b: {  	_ =	shalt  }
0x4c: {  	_ =	shalt  }
0x4d: {  	_ =	shalt  }
0x4e: {  	_ =	shalt  }
0x4f: {  	_ =	shalt  }
0x50: {  	_ =	shalt  }
0x51: {  	_ =	shalt  }
0x52: {  	_ =	shalt  }
0x53: {  	_ =	shalt  }
0x54: {  	_ =	shalt  }
0x55: {  	_ =	shalt  }
0x56: {  	_ =	shalt  }
0x57: {  	_ =	shalt  }
0x58: {  	_ =	shalt  }
0x59: {  	_ =	shalt  }
0x5a: {  	_ =	shalt  }
0x5b: {  	_ =	shalt  }
0x5c: {  	_ =	shalt  }
0x5d: {  	_ =	shalt  }
0x5e: {  	_ =	shalt  }
0x5f: {  	_ =	shalt  }
0x60: {  	_ =	shalt  }
0x61: {  	_ =	shalt  }
0x62: {  	_ =	shalt  }
0x63: {  	_ =	shalt  }
0x64: {  	_ =	shalt  }
0x65: {  	_ =	shalt  }
0x66: {  	_ =	shalt  }
0x67: {  	_ =	shalt  }
0x68: {  	_ =	shalt  }
0x69: {  	_ =	shalt  }
0x6a: {  	_ =	shalt  }
0x6b: {  	_ =	shalt  }
0x6c: {  	_ =	shalt  }
0x6d: {  	_ =	shalt  }
0x6e: {  	_ =	shalt  }
0x6f: {  	_ =	shalt  }
0x70: {  	_ =	shalt  }
0x71: {  	_ =	shalt  }
0x72: {  	_ =	shalt  }
0x73: {  	_ =	shalt  }
0x74: {  	_ =	shalt  }
0x75: {  	_ =	shalt  }
0x76: {  	_ =	shalt  }
0x77: {  	_ =	shalt  }
0x78: {  	_ =	shalt  }
0x79: {  	_ =	shalt  }
0x7a: {  	_ =	shalt  }
0x7b: {  	_ =	shalt  }
0x7c: {  	_ =	shalt  }
0x7d: {  	_ =	shalt  }
0x7e: {  	_ =	shalt  }
0x7f: {  	_ =	shalt  }
0x80: {  	_ =	shalt  }
0x81: {  	_ =	shalt  }
0x82: {  	_ =	shalt  }
0x83: {  	_ =	shalt  }
0x84: {  	_ =	shalt  }
0x85: {  	_ =	shalt  }
0x86: {  	_ =	shalt  }
0x87: {  	_ =	shalt  }
.Lfunc_end0:
.L_simem_size_0:
called_computation_lowered:
.L_overlay_start_0:
0x88: {  	s2 =	sld [smem:$0x3FD9]  }
0x89: {  	s3 =	sld [smem:$0x3FFE];
	_ =	sdelay $0x1  }
0x8a: {  	s1 =	srdreg.scid  }
0x8b: {  	s0 =	sand.u32 $0x1, s1  }
0x8c: {  	s18 =	sshll.u32 s0, $0xA;
	s2 =	sadd.s32 s3, s2  }
0x8d: {  	s2 =	sadd.s32 s2, s18  }
0x8e: {  	[smem:$0x3FC6] =	sst s2  }
0x8f: {  	_ = 	snop  }
0x90: {  	s2 =	sld [smem:$0x3FC9]  }
0x91: {  	s19 =	sld [smem:$0x3FC8]  }
0x92: {  	s4 =	sld [smem:$0x3FD0];
	(tm) =	ssettm $0x1  }
0x93: {  	s5 =	sld [smem:$0x3FFB];
	_ =	sdelay $0x3  }
0x94: {  	_ =	strace s5  }
0x95: {  	s5 =	sld [smem:$0x3FFC];
	_ =	sdelay $0x3  }
0x96: {  	_ =	strace s5  }
0x97: {  	s5 =	sld [smem:$0x3FFD];
	_ =	sdelay $0x3  }
0x98: {  	_ =	strace s5  }
0x99: {  	_ =	strace $0x8FFFFFFF  }
0x9a: {  	s20 =	sld [smem:$0x3FDB];
	_ =	sdelay $0x1  }
0x9b: {  	s6 =	simm.s32 $_scs_section_size  }
0x9c: {  	s7 =	simm.s32 $_size__tile_overlayer_lowered;
	s8 =	simm.s32 $_tile_overlayer_lowered  }
0x9d: {  	s23 =	simm.s32 $0x1BFF;
	s22 =	sshll.u32 s8, $0x1;
	s5 =	sadd.s32 s6, s20  }
0x9e: {  	s9 =	simm.s32 $0x0;
	s21 =	sshll.u32 s7, $0x1;
	s7 =	sadd.s32 s22, s5  }
0x9f: {  	[timem:s9], [sflag:s23] =	dma.local [hbm:s7], s21  }
0xa0: {  	_ =	swait.ge [sflag:s23], s21  }
0xa1: {  	s6 =	ssub.s32 $0x0, s21;
	[sflag:s23] =	ssyncset.done $0x0  }
0xa2: {  	[sflag:s23] =	ssyncadd.s32 s6;
	_ =	sdelay $0x1  }
0xa3: {  	s24 =	simm.s32 $0x1B8B  }
0xa4: {  	_ =	swait.ge [sflag:s24], $0x1  }
0xa5: {  	[sflag:s24] =	ssyncset.done $0x0  }
0xa6: {  	s25 =	simm.s32 $0x1B8E;
	[sflag:s24] =	ssyncadd.s32 $0xFFFFFFFF  }
0xa7: {  	s26 =	simm.s32 $execute0_lowered;
	[smem:$0x3FD2] =	sst s25  }
0xa8: {  	s6 =	sshll.u32 s26, $0x1;
	_ =	strace $0x80000046;
	[dreg:$0x1] =	wrdreg $0xFFFFFFFF  }
0xa9: {  	s28 =	simm.s32 $_size_execute0_lowered;
	s5 =	sadd.s32 s5, s6;
	[dreg:$0x0] =	wrdreg $0x0  }
0xaa: {  	s6 =	sshll.u32 s28, $0x1;
	[dreg:$0x2] =	wrdreg s5  }
0xab: {  	[dreg:$0x3] =	wrdreg s6  }
0xac: {  	[dreg:$0x4] =	wrdreg $0xC0  }
0xad: {  	_ =	task [dreg:s9], $0x5FFFF  }
0xae: {  	[dreg:$0x1] =	wrdreg $0xFFFFFFFF  }
0xaf: {  	[dreg:$0x0] =	wrdreg $0x60  }
0xb0: {  	[dreg:$0x2] =	wrdreg s2  }
0xb1: {  	[dreg:$0x3] =	wrdreg s19  }
0xb2: {  	[dreg:$0x4] =	wrdreg s4  }
0xb3: {  	[dreg:$0x5] =	wrdreg $0x9  }
0xb4: {  	_ =	task.clear_ibuf [dreg:s9], $0x6FFFF;
	_ =	strace $0x90000046  }
0xb5: {  	s29 =	simm.s32 $0x9;
	_ =	strace $0x80000048  }
0xb6: {  	_ =	swait.ge [sflag:s29], $0x1  }
0xb7: {  	[sflag:s29] =	ssyncadd.s32 $0xFFFFFFFF  }
0xb8: {  	_ =	strace $0x90000048  }
0xb9: {  	_ =	sfence  }
0xba: {  	s30 =	sld [smem:$0x0];
	_ =	sdelay $0x2  }
0xbb: {  	s31 =	sshll.u32 s1, $0xD;
	s1 =	sshrl.u32 s1, $0x2  }
0xbc: {  	s3 =	sand.u32 $0x4000, s31;
	s1 =	sadd.s32 s1, s30  }
0xbd: {  	s0 =	sor.u32 s3, s0;
	s1 =	sshll.u32 s1, $0x11  }
0xbe: {  	s0 =	sor.u32 s1, s0  }
0xbf: {  	s0 =	sadd.s32 $0x8F2B, s0  }
0xc0: {  	[sflag:s0] =	ssyncadd.remote.s32 $0x1  }
0xc1: {  	_ =	sfence.sel $0xFFFF  }
0xc2: {  	[dreg:$0x0] =	wrdreg $0xFFFFFFFF;
	(pc) =	sbr.abs _section_cstart, $3  }
0xc3: {  	[dreg:$0x1] =	wrdreg $0xFFFFFFFF  }
0xc4: {  	_ =	task.clear_ibuf [dreg:s9], $0x2FFFF;
	_ =	strace $0x9FFFFFFF  }
0xc5: {  	(tm) =	ssettm $0x7FFFFFFF  }
tec
execute0_lowered:
.L_overlay_start_1:
0x0: {  	(tag) =	ssettag $0x1  }
0x1: {  	s1 =	rddreg [dreg:$0x0]  }
0x2: {  	s0 =	srdreg.scid;
	s2 =	rddreg [dreg:$0x1]  }
0x3: {  	s18 =	stileid.u32;
	s4 =	rddreg [dreg:$0x2]  }
0x4: {  	s0 =	sand.u32 $0x1, s0;
	s3 =	sshll.u32 s18, $0x1;
	s20 =	smul.u32 $0x60, s18  }
0x5: {  	s5 =	simm.s32 $0x0;
	s24 =	smul.u32 $0xC000, s18;
	s12 =	sor.u32 s0, s3  }
0x6: {  	[smem:$0x7FF] =	sst s5;
	s10 =	smul.u32 $0x30, s12  }
0x7: {  	s3 =	simm.s32 $0x31;
	s16 =	ssub.s32 $0x2, s0;
	s11 =	smul.u32 $0x31, s12  }
0x8: {  	p0 =	slt.u32 s12, $0x1B;
	s6 =	sshrl.u32 s16, $0x1;
	s13 =	smul.u32 $0x310, s12  }
0x9: {  	s3 =	simm.s32 @!p0 $0x30;
	s14 =	ssub.s32 s16, s6;
	s16 =	smul.u32 $0x30, s0  }
0xa: {  	_ =	strace $0x80000047;
	s6 =	sadd.s32 $0x5EB0, s2;
	s8 =	smul.u32 $0x2B, s3  }
0xb: {  	s7 =	sshll.u32 s10, $0x4;
	s11 =	sadd.s32 $0x31, s11;
	s10 =	sadd.s32 $0x4B, s10  }
0xc: {  	s7 =	sadd.s32 s2, s7;
	s10 =	smov.u32 @p0 s11;
	s9 =	sadd.s32 $0xFFFFFFD5, s8  }
0xd: {  	s21 =	sadd.s32 s16, s20;
	p0 =	sgt.u32 s12, $0x1A;
	s9 =	sshrl.u32 s9, $0x8  }
0xe: {  	s5 =	sadd.s32 $0x1B0, s7;
	s7 =	sadd.s32 $0x61A0, s2;
	s9 =	smul.u32 $0x6, s9  }
0xf: {  	s15 =	sadd.s32 $0xD7, s8;
	s8 =	sadd.s32 s2, s13;
	p2 =	seq.s32 @p0 s12, $0x1F  }
0x10: {  	s17 =	sshrl.u32 s15, $0x8;
	p1 =	por !p2, !p0;
	s19 =	sxor.u32 $0xFFFFFFFF, s9  }
0x11: {  	s2 =	smul.u32 $0xC00, s17;
	s17 =	smin.u32 s12, $0x1B;
	s13 =	sadd.s32 s3, s19  }
0x12: {  	s12 =	simm.s32 @!p0 $0x0;
	s15 =	sor.u32 s20, s17;
	s20 =	sand.u32 $0xFF, s13  }
0x13: {  	p2 =	por p2, !p0;
	s12 =	simm.s32 @p0 $0x1;
	p0 =	seq.s32 s20, $0x0  }
0x14: {  	s25 =	smul.u32 $0x6000, s0;
	s11 =	smax.u32 s14, $0x1;
	p4 =	sne.s32 @p0 s10, $0x61B  }
0x15: {  	s22 =	sadd.s32 s17, s21;
	s26 =	sshll.u32 s17, $0x9;
	p5 =	por !p4, !p0  }
0x16: {  	s9 =	sadd.s32 $0x30D000, s4;
	[smem:$0x7F4] =	sst s12;
	s12 =	simm.s32 @!p5 $0x0  }
0x17: {  	p6 =	seq.s32 @!p0 s20, $0x1;
	p4 =	por p4, !p0;
	s12 =	simm.s32 @p5 $0x1  }
0x18: {  	p3 =	por !p6, p0;
	[smem:$0x7F5] =	sst s12;
	s12 =	simm.s32 @!p4 $0x0  }
0x19: {  	[dreg:$0x5] =	wrdreg s2;
	s12 =	simm.s32 @p4 $0x1;
	p4 =	sne.s32 @!p3 s10, $0x61B  }
0x1a: {  	[smem:$0x7F6] =	sst s12;
	p5 =	por @!p0 !p4, !p6;
	s12 =	simm.s32 @!p6 $0x0  }
0x1b: {  	s23 =	sadd.s32 s16, s15;
	s12 =	simm.s32 @p6 $0x1;
	p5 =	por p5, p0  }
0x1c: {  	s2 =	sshll.u32 s22, $0xB;
	[smem:$0x7F7] =	sst s12;
	s12 =	simm.s32 @!p5 $0x0  }
0x1d: {  	s28 =	sor.u32 s24, s26;
	s26 =	simm.s32 $0x0;
	s12 =	simm.s32 @p5 $0x1  }
0x1e: {  	p4 =	por @!p0 p4, !p6;
	[smem:$0x7F8] =	sst s12;
	s12 =	simm.s32 @!p0 $0x0  }
0x1f: {  	p6 =	por p6, p0;
	s12 =	simm.s32 @p0 $0x1;
	p0 =	por p4, p0  }
0x20: {  	s14 =	sshll.u32 s23, $0x9;
	[smem:$0x7F9] =	sst s12;
	s12 =	simm.s32 @!p0 $0x0  }
0x21: {  	s4 =	sadd.s32 s2, s4;
	s12 =	simm.s32 @p0 $0x1;
	p0 =	sne.s32 @!p6 s10, $0x61B  }
0x22: {  	s19 =	simm.s32 $0x40;
	[smem:$0x7FA] =	sst s12;
	s12 =	simm.s32 @!p0 $0x0  }
0x23: {  	s14 =	sadd.s32 $0xFFF3CC00, s14;
	s12 =	simm.s32 @p0 $0x1;
	p0 =	sgt.s32 s20, $0x2  }
.Ltmp0:
0x24: {  	[smem:$0x7FB] =	sst s12;
	s12 =	simm.s32 @!p0 $0x0;
	(pc) =	sbr.rel .LBB2_1-.Ltmp0, $4  }
0x25: {  	s0 =	sadd.s32 $0x800, s4;
	s2 =	sadd.s32 $0x2800, s4;
	s12 =	simm.s32 @p0 $0x1  }
0x26: {  	s31 =	sadd.s32 $0x2000, s4;
	[smem:$0x7FC] =	sst s12;
	s12 =	simm.s32 @!p2 $0x0  }
0x27: {  	s30 =	sadd.s32 $0x1800, s4;
	[dreg:$0x4] =	wrdreg s14;
	s12 =	simm.s32 @p2 $0x1  }
0x28: {  	s29 =	sadd.s32 $0x1000, s4;
	s14 =	sadd.s32 s25, s28;
	[smem:$0x7FD] =	sst s12  }
.LBB2_5:
0x29: {  	p6 =	seq.s32 s20, $0x3  }
0x2a: {  	p5 =	sne.s32 @p6 s10, $0x61B  }
0x2b: {  	p3 =	por !p5, !p6  }
0x2c: {  	s12 =	simm.s32 @!p3 $0x10  }
0x2d: {  	p4 =	seq.s32 @!p6 s20, $0x4;
	_ =	swait.ge @!p3 [sflag:s12], $0x4000  }
0x2e: {  	p5 =	por p5, !p6;
	p0 =	por !p4, p6;
	[sflag:s12] =	ssyncset.done @!p3 $0x0  }
0x2f: {  	p0 =	sne.s32 @!p0 s10, $0x61B;
	[sflag:s12] =	ssyncadd.s32 @!p3 $0xFFFFC000;
	s12 =	simm.s32 @!p5 $0x10  }
0x30: {  	p3 =	por @!p6 !p0, !p4;
	_ =	swait.ge @!p5 [sflag:s12], $0x2000  }
0x31: {  	p3 =	por p3, p6;
	[sflag:s12] =	ssyncset.done @!p5 $0x0  }
0x32: {  	[sflag:s12] =	ssyncadd.s32 @!p5 $0xFFFFE000;
	s12 =	simm.s32 @!p3 $0x11  }
0x33: {  	p0 =	por @!p6 p0, !p4;
	_ =	swait.ge @!p3 [sflag:s12], $0x4000  }
0x34: {  	p0 =	por p0, p6;
	p5 =	por p4, p6;
	[sflag:s12] =	ssyncset.done @!p3 $0x0  }
0x35: {  	[sflag:s12] =	ssyncadd.s32 @!p3 $0xFFFFC000;
	s12 =	simm.s32 @!p0 $0x11;
	p3 =	sne.s32 @!p5 s10, $0x61B  }
0x36: {  	_ =	swait.ge @!p0 [sflag:s12], $0x2000;
	p5 =	por @!p6 !p3, p4  }
0x37: {  	[sflag:s12] =	ssyncset.done @!p0 $0x0;
	p5 =	por p5, p6  }
0x38: {  	[sflag:s12] =	ssyncadd.s32 @!p0 $0xFFFFE000;
	s12 =	simm.s32 @!p5 $0x12  }
0x39: {  	p0 =	por @!p6 p3, p4;
	_ =	swait.ge @!p5 [sflag:s12], $0x4000  }
0x3a: {  	p0 =	por p0, p6;
	[sflag:s12] =	ssyncset.done @!p5 $0x0  }
0x3b: {  	s13 =	sld [smem:$0x7FD];
	[sflag:s12] =	ssyncadd.s32 @!p5 $0xFFFFC000;
	s12 =	simm.s32 @!p0 $0x12  }
0x3c: {  	_ =	swait.ge @!p0 [sflag:s12], $0x2000  }
0x3d: {  	[sflag:s12] =	ssyncset.done @!p0 $0x0  }
0x3e: {  	p2 =	seq.s32 s13, $0x1;
	[sflag:s12] =	ssyncadd.s32 @!p0 $0xFFFFE000  }
.LBB2_6:
0x3f: {  	s26 =	sadd.s32 $0x1, s26  }
0x40: {  	p0 =	sne.s32 s26, s11  }
.Ltmp1:
0x41: {  	_ = 	snop;
	(pc) =	sbr.rel @!p0 .LBB2_7-.Ltmp1, $1  }
0x42: {  	_ =	sdelay $0x3  }
.LBB2_1:
0x43: {  	s12 =	simm.s32 @!p1 $0x0;
	s13 =	simm.s32 @!p1 $0x13  }
0x44: {  	[tilespmem:s12], [sflag:$0x13] =	stream.linear.gather @!p1 [hbm4b:s6+s12], $0x1780, $0x38;
	[tilespmem:$0x19880] =	vst v63  }
0x45: {  	_ =	swait.ge @!p1 [sflag:s13], $0x1780  }
0x46: {  	[sflag:s13] =	ssyncset.done @!p1 $0x0  }
0x47: {  	s15 =	simm.s32 @!p1 $0x1780;
	[sflag:s13] =	ssyncadd.s32 @!p1 $0xFFFFE880  }
0x48: {  	[tilespmem:s15], [sflag:$0x13] =	stream.linear.gather @!p1 [hbm4b:s7+s12], $0x40, $0x38;
	[tilespmem:$0x19880] =	vst v63  }
0x49: {  	_ =	swait.ge @!p1 [sflag:s13], $0x40  }
0x4a: {  	[sflag:s13] =	ssyncset.done @!p1 $0x0  }
0x4b: {  	v0 =	vimm.s32 @!p1 $0x0;
	[sflag:s13] =	ssyncadd.s32 @!p1 $0xFFFFFFC0  }
0x4c: {  	[tilespmem:$0x17C0] =	vst @!p1 v0  }
0x4d: {  	[tilespmem:$0x17D0] =	vst @!p1 v0  }
0x4e: {  	[tilespmem:$0x17E0] =	vst @!p1 v0  }
0x4f: {  	s12 =	simm.s32 @!p2 $0x0;
	[tilespmem:$0x17F0] =	vst @!p1 v0  }
0x50: {  	[tilespmem:s12], [sflag:$0x13] =	stream.linear.gather @!p2 [hbm4b:s5+s12], $0x1800, $0x38;
	[tilespmem:$0x19880] =	vst v63  }
0x51: {  	s12 =	simm.s32 @!p2 $0x13  }
0x52: {  	_ =	swait.ge @!p2 [sflag:s12], $0x1800  }
0x53: {  	s13 =	sld [smem:$0x7F4];
	_ =	sdelay $0x2  }
0x54: {  	[sflag:s12] =	ssyncset.done @!p2 $0x0;
	p0 =	seq.s32 s13, $0x1  }
0x55: {  	[sflag:s12] =	ssyncadd.s32 @!p2 $0xFFFFE800;
	s12 =	simm.s32 @!p0 $0x0  }
0x56: {  	[tilespmem:s12], [sflag:$0x13] =	stream.linear.gather @!p0 [hbm4b:s8+s12], $0x1880, $0x38;
	[tilespmem:$0x19880] =	vst v63  }
0x57: {  	s12 =	simm.s32 @!p0 $0x13  }
0x58: {  	_ =	swait.ge @!p0 [sflag:s12], $0x1880  }
0x59: {  	[sflag:s12] =	ssyncset.done @!p0 $0x0  }
0x5a: {  	s16 =	simm.s32 $0x1880;
	s15 =	simm.s32 $0x0;
	[sflag:s12] =	ssyncadd.s32 @!p0 $0xFFFFE780  }
0x5b: {  	[tilespmem:s16], [sflag:$0x1] =	stream.indirect.gather [hbm4b:s1+s19], $0x80, s15, s19, $0xb8;
	[tilespmem:$0x19880] =	vst v63  }
0x5c: {  	s17 =	simm.s32 $0x3880  }
0x5d: {  	[tilespmem:s17], [sflag:$0x7] =	stream.indirect.gather [hbm4b:s1+s19], $0x80, s19, s19, $0xb8;
	[tilespmem:$0x19880] =	vst v63  }
0x5e: {  	s18 =	simm.s32 $0x80;
	s21 =	simm.s32 $0x5880;
	s22 =	simm.s32 $0xC0  }
0x5f: {  	[tilespmem:s21], [sflag:$0x2] =	stream.indirect.gather [hbm4b:s1+s19], $0x80, s18, s19, $0xb8;
	[tilespmem:$0x19880] =	vst v63  }
0x60: {  	s23 =	simm.s32 $0x7880;
	s24 =	simm.s32 $0x100;
	s25 =	simm.s32 $0x9880  }
0x61: {  	[tilespmem:s23], [sflag:$0x8] =	stream.indirect.gather [hbm4b:s1+s19], $0x80, s22, s19, $0xb8;
	[tilespmem:$0x19880] =	vst v63  }
0x62: {  	s28 =	simm.s32 $0xA;
	s13 =	simm.s32 $0x140;
	s12 =	smov.u32 s4  }
0x63: {  	[tilespmem:s25], [sflag:$0x3] =	stream.indirect.gather [hbm4b:s1+s19], $0x80, s24, s19, $0xb8;
	[tilespmem:$0x19880] =	vst v63  }
0x64: {  	s15 =	simm.s32 $0xB880;
	s16 =	simm.s32 $0x180;
	s17 =	simm.s32 $0xD880  }
0x65: {  	[tilespmem:s15], [sflag:$0x9] =	stream.indirect.gather [hbm4b:s1+s19], $0x80, s13, s19, $0xb8;
	[tilespmem:$0x19880] =	vst v63  }
0x66: {  	s18 =	simm.s32 $0x1C0;
	s21 =	simm.s32 $0xF880;
	s22 =	simm.s32 $0x200  }
0x67: {  	[tilespmem:s17], [sflag:$0x4] =	stream.indirect.gather [hbm4b:s1+s19], $0x80, s16, s19, $0xb8;
	[tilespmem:$0x19880] =	vst v63  }
0x68: {  	s23 =	simm.s32 $0x11880;
	s24 =	simm.s32 $0x240;
	s25 =	simm.s32 $0x13880  }
0x69: {  	[tilespmem:s21], [sflag:$0xA] =	stream.indirect.gather [hbm4b:s1+s19], $0x80, s18, s19, $0xb8;
	[tilespmem:$0x19880] =	vst v63  }
0x6a: {  	s15 =	smov.u32 s2;
	s13 =	smov.u32 s0;
	s17 =	smov.u32 s30  }
0x6b: {  	[tilespmem:s23], [sflag:$0x5] =	stream.indirect.gather [hbm4b:s1+s19], $0x80, s22, s19, $0xb8;
	[tilespmem:$0x19880] =	vst v63  }
0x6c: {  	s16 =	smov.u32 s31;
	s18 =	smov.u32 s29;
	s21 =	simm.s32 $0x0  }
0x6d: {  	[tilespmem:s25], [sflag:$0xB] =	stream.indirect.gather [hbm4b:s1+s19], $0x80, s24, s19, $0xb8;
	[tilespmem:$0x19880] =	vst v63  }
.LBB2_2:
0x6e: {  	s22 =	sadd.s32 $0xFFFFFFF6, s28  }
0x6f: {  	p6 =	sge.u32 s22, s3  }
0x70: {  	p4 =	seq.s32 @!p6 s21, $0x0  }
0x71: {  	p4 =	por p4, p6  }
0x72: {  	s23 =	sadd.s32 @!p6 $0xFFFFFFFB, s28;
	s22 =	simm.s32 @!p4 $0x12  }
0x73: {  	p5 =	sge.u32 @!p6 s23, s3;
	_ =	swait.ge @!p4 [sflag:s22], $0x4000  }
0x74: {  	p5 =	por p5, p6;
	[sflag:s22] =	ssyncset.done @!p4 $0x0  }
0x75: {  	[sflag:s22] =	ssyncadd.s32 @!p4 $0xFFFFC000;
	s22 =	sshra.s32 @!p5 s21, $0x2  }
0x76: {  	s24 =	simm.s32 @!p5 $0x40;
	s25 =	simm.s32 @!p5 $0x15880;
	s23 =	sadd.s32 @!p5 $0x280, s22  }
0x77: {  	[tilespmem:s25], [sflag:$0x6] =	stream.indirect.gather @!p5 [hbm4b:s1+s24], $0x80, s23, s24, $0xb8;
	[tilespmem:$0x19880] =	vst v63  }
0x78: {  	s22 =	sadd.s32 @!p5 $0x2C0, s22;
	s23 =	simm.s32 @!p5 $0x17880  }
0x79: {  	[tilespmem:s23], [sflag:$0xC] =	stream.indirect.gather @!p5 [hbm4b:s1+s24], $0x80, s22, s24, $0xb8;
	[tilespmem:$0x19880] =	vst v63  }
0x7a: {  	s22 =	simm.s32 @!p6 $0x1  }
0x7b: {  	_ =	swait.ge @!p6 [sflag:s22], $0x2000  }
0x7c: {  	[sflag:s22] =	ssyncset.done @!p6 $0x0  }
0x7d: {  	[sflag:s22] =	ssyncadd.s32 @!p6 $0xFFFFE000;
	s22 =	simm.s32 @!p6 $0x7  }
0x7e: {  	_ =	swait.ge @!p6 [sflag:s22], $0x2000  }
0x7f: {  	s23 =	rddreg [dreg:$0x4]  }
0x80: {  	s23 =	sadd.s32 @!p6 s21, s23  }
0x81: {  	[sflag:s22] =	ssyncset.done @!p6 $0x0;
	p4 =	sne.s32 @!p6 s23, $0x0  }
0x82: {  	[sflag:s22] =	ssyncadd.s32 @!p6 $0xFFFFE000;
	p5 =	por !p4, p6  }
0x83: {  	p4 =	por p4, p6;
	s22 =	simm.s32 @!p5 $0x0;
	s23 =	simm.s32 @!p5 $0x1880  }
0x84: {  	[hbm4b:s12+s22] =	stream.linear.scatter @!p5 [tilespmem:s23], [sflag:$0xD], $0x4000, $0x38;
	[tilespmem:$0x19880] =	vst v63  }
0x85: {  	s22 =	simm.s32 @!p4 $0x0;
	s23 =	simm.s32 @!p4 $0x1880  }
0x86: {  	[hbm4b:s9+s22] =	stream.linear.scatter @!p4 [tilespmem:s23], [sflag:$0xD], $0x2000, $0x38;
	[tilespmem:$0x19880] =	vst v63  }
0x87: {  	s23 =	sadd.s32 $0xFFFFFFF7, s28  }
0x88: {  	p6 =	sge.u32 s23, s3  }
0x89: {  	s22 =	simm.s32 @!p6 $0xD;
	s23 =	sadd.s32 @!p6 $0xFFFFFFFC, s28  }
0x8a: {  	_ =	swait.ge @!p6 [sflag:s22], $0x4000;
	p4 =	sge.u32 @!p6 s23, s3  }
0x8b: {  	[sflag:s22] =	ssyncset.done @!p6 $0x0;
	p4 =	por p4, p6  }
0x8c: {  	[sflag:s22] =	ssyncadd.s32 @!p6 $0xFFFFC000;
	s22 =	sshra.s32 @!p4 s21, $0x2  }
0x8d: {  	s24 =	simm.s32 @!p4 $0x40;
	s25 =	simm.s32 @!p4 $0x1880;
	s23 =	sadd.s32 @!p4 $0x300, s22  }
0x8e: {  	[tilespmem:s25], [sflag:$0x1] =	stream.indirect.gather @!p4 [hbm4b:s1+s24], $0x80, s23, s24, $0xb8;
	[tilespmem:$0x19880] =	vst v63  }
0x8f: {  	s22 =	sadd.s32 @!p4 $0x340, s22;
	s23 =	simm.s32 @!p4 $0x3880  }
0x90: {  	[tilespmem:s23], [sflag:$0x7] =	stream.indirect.gather @!p4 [hbm4b:s1+s24], $0x80, s22, s24, $0xb8;
	[tilespmem:$0x19880] =	vst v63  }
0x91: {  	s22 =	simm.s32 @!p6 $0x2  }
0x92: {  	_ =	swait.ge @!p6 [sflag:s22], $0x2000  }
0x93: {  	[sflag:s22] =	ssyncset.done @!p6 $0x0  }
0x94: {  	s23 =	sadd.s32 @!p6 s21, s14;
	[sflag:s22] =	ssyncadd.s32 @!p6 $0xFFFFE000;
	s22 =	simm.s32 @!p6 $0x8  }
0x95: {  	s24 =	sadd.s32 $0xFFFFFFF8, s28;
	p4 =	sne.s32 @!p6 s23, $0xC3200;
	_ =	swait.ge @!p6 [sflag:s22], $0x2000  }
0x96: {  	p5 =	por !p4, p6;
	p4 =	por p4, p6;
	[sflag:s22] =	ssyncset.done @!p6 $0x0  }
0x97: {  	s23 =	simm.s32 @!p5 $0x5880;
	[sflag:s22] =	ssyncadd.s32 @!p6 $0xFFFFE000;
	s22 =	simm.s32 @!p5 $0x0  }
0x98: {  	[hbm4b:s13+s22] =	stream.linear.scatter @!p5 [tilespmem:s23], [sflag:$0xE], $0x4000, $0x38;
	[tilespmem:$0x19880] =	vst v63  }
0x99: {  	p6 =	sge.u32 s24, s3;
	s22 =	simm.s32 @!p4 $0x0;
	s23 =	simm.s32 @!p4 $0x5880  }
0x9a: {  	[hbm4b:s9+s22] =	stream.linear.scatter @!p4 [tilespmem:s23], [sflag:$0xE], $0x2000, $0x38;
	[tilespmem:$0x19880] =	vst v63  }
0x9b: {  	s22 =	simm.s32 @!p6 $0xE;
	s23 =	sadd.s32 @!p6 $0xFFFFFFFD, s28  }
0x9c: {  	_ =	swait.ge @!p6 [sflag:s22], $0x4000;
	p4 =	sge.u32 @!p6 s23, s3  }
0x9d: {  	[sflag:s22] =	ssyncset.done @!p6 $0x0;
	p4 =	por p4, p6  }
0x9e: {  	[sflag:s22] =	ssyncadd.s32 @!p6 $0xFFFFC000;
	s22 =	sshra.s32 @!p4 s21, $0x2  }
0x9f: {  	s24 =	simm.s32 @!p4 $0x40;
	s25 =	simm.s32 @!p4 $0x5880;
	s23 =	sadd.s32 @!p4 $0x380, s22  }
0xa0: {  	[tilespmem:s25], [sflag:$0x2] =	stream.indirect.gather @!p4 [hbm4b:s1+s24], $0x80, s23, s24, $0xb8;
	[tilespmem:$0x19880] =	vst v63  }
0xa1: {  	s22 =	sadd.s32 @!p4 $0x3C0, s22;
	s23 =	simm.s32 @!p4 $0x7880  }
0xa2: {  	[tilespmem:s23], [sflag:$0x8] =	stream.indirect.gather @!p4 [hbm4b:s1+s24], $0x80, s22, s24, $0xb8;
	[tilespmem:$0x19880] =	vst v63  }
0xa3: {  	s22 =	simm.s32 @!p6 $0x3  }
0xa4: {  	_ =	swait.ge @!p6 [sflag:s22], $0x2000  }
0xa5: {  	[sflag:s22] =	ssyncset.done @!p6 $0x0  }
0xa6: {  	s23 =	sadd.s32 @!p6 s21, s14;
	[sflag:s22] =	ssyncadd.s32 @!p6 $0xFFFFE000;
	s22 =	simm.s32 @!p6 $0x9  }
0xa7: {  	s25 =	sadd.s32 $0xFFFFFFF9, s28;
	p4 =	sne.s32 @!p6 s23, $0xC3000;
	_ =	swait.ge @!p6 [sflag:s22], $0x2000  }
0xa8: {  	p5 =	por !p4, p6;
	p4 =	por p4, p6;
	[sflag:s22] =	ssyncset.done @!p6 $0x0  }
0xa9: {  	s23 =	simm.s32 @!p5 $0x9880;
	[sflag:s22] =	ssyncadd.s32 @!p6 $0xFFFFE000;
	s22 =	simm.s32 @!p5 $0x0  }
0xaa: {  	[hbm4b:s18+s22] =	stream.linear.scatter @!p5 [tilespmem:s23], [sflag:$0xF], $0x4000, $0x38;
	[tilespmem:$0x19880] =	vst v63  }
0xab: {  	p6 =	sge.u32 s25, s3;
	s22 =	simm.s32 @!p4 $0x0;
	s23 =	simm.s32 @!p4 $0x9880  }
0xac: {  	[hbm4b:s9+s22] =	stream.linear.scatter @!p4 [tilespmem:s23], [sflag:$0xF], $0x2000, $0x38;
	[tilespmem:$0x19880] =	vst v63  }
0xad: {  	s22 =	simm.s32 @!p6 $0xF;
	s23 =	sadd.s32 @!p6 $0xFFFFFFFE, s28  }
0xae: {  	_ =	swait.ge @!p6 [sflag:s22], $0x4000;
	p4 =	sge.u32 @!p6 s23, s3  }
0xaf: {  	[sflag:s22] =	ssyncset.done @!p6 $0x0;
	p4 =	por p4, p6  }
0xb0: {  	[sflag:s22] =	ssyncadd.s32 @!p6 $0xFFFFC000;
	s22 =	sshra.s32 @!p4 s21, $0x2  }
0xb1: {  	s24 =	simm.s32 @!p4 $0x40;
	s25 =	simm.s32 @!p4 $0x9880;
	s23 =	sadd.s32 @!p4 $0x400, s22  }
0xb2: {  	[tilespmem:s25], [sflag:$0x3] =	stream.indirect.gather @!p4 [hbm4b:s1+s24], $0x80, s23, s24, $0xb8;
	[tilespmem:$0x19880] =	vst v63  }
0xb3: {  	s22 =	sadd.s32 @!p4 $0x440, s22;
	s23 =	simm.s32 @!p4 $0xB880  }
0xb4: {  	[tilespmem:s23], [sflag:$0x9] =	stream.indirect.gather @!p4 [hbm4b:s1+s24], $0x80, s22, s24, $0xb8;
	[tilespmem:$0x19880] =	vst v63  }
0xb5: {  	s22 =	simm.s32 @!p6 $0x4  }
0xb6: {  	_ =	swait.ge @!p6 [sflag:s22], $0x2000  }
0xb7: {  	[sflag:s22] =	ssyncset.done @!p6 $0x0  }
0xb8: {  	s23 =	sadd.s32 @!p6 s21, s14;
	[sflag:s22] =	ssyncadd.s32 @!p6 $0xFFFFE000;
	s22 =	simm.s32 @!p6 $0xA  }
0xb9: {  	p4 =	sne.s32 @!p6 s23, $0xC2E00;
	_ =	swait.ge @!p6 [sflag:s22], $0x2000  }
0xba: {  	p5 =	por !p4, p6;
	p4 =	por p4, p6;
	[sflag:s22] =	ssyncset.done @!p6 $0x0  }
0xbb: {  	s23 =	simm.s32 @!p5 $0xD880;
	[sflag:s22] =	ssyncadd.s32 @!p6 $0xFFFFE000;
	s22 =	simm.s32 @!p5 $0x0  }
0xbc: {  	[hbm4b:s17+s22] =	stream.linear.scatter @!p5 [tilespmem:s23], [sflag:$0x10], $0x4000, $0x38;
	[tilespmem:$0x19880] =	vst v63  }
0xbd: {  	s22 =	simm.s32 @!p4 $0x0;
	s23 =	simm.s32 @!p4 $0xD880  }
0xbe: {  	[hbm4b:s9+s22] =	stream.linear.scatter @!p4 [tilespmem:s23], [sflag:$0x10], $0x2000, $0x38;
	[tilespmem:$0x19880] =	vst v63  }
0xbf: {  	s23 =	sadd.s32 $0xFFFFFFFA, s28  }
0xc0: {  	p6 =	sge.u32 s23, s3  }
0xc1: {  	s22 =	simm.s32 @!p6 $0x10;
	s23 =	sadd.s32 @!p6 $0xFFFFFFFF, s28  }
0xc2: {  	_ =	swait.ge @!p6 [sflag:s22], $0x4000;
	p4 =	sge.u32 @!p6 s23, s3  }
0xc3: {  	[sflag:s22] =	ssyncset.done @!p6 $0x0;
	p4 =	por p4, p6  }
0xc4: {  	[sflag:s22] =	ssyncadd.s32 @!p6 $0xFFFFC000;
	s22 =	sshra.s32 @!p4 s21, $0x2  }
0xc5: {  	s24 =	simm.s32 @!p4 $0x40;
	s25 =	simm.s32 @!p4 $0xD880;
	s23 =	sadd.s32 @!p4 $0x480, s22  }
0xc6: {  	[tilespmem:s25], [sflag:$0x4] =	stream.indirect.gather @!p4 [hbm4b:s1+s24], $0x80, s23, s24, $0xb8;
	[tilespmem:$0x19880] =	vst v63  }
0xc7: {  	s22 =	sadd.s32 @!p4 $0x4C0, s22;
	s23 =	simm.s32 @!p4 $0xF880  }
0xc8: {  	[tilespmem:s23], [sflag:$0xA] =	stream.indirect.gather @!p4 [hbm4b:s1+s24], $0x80, s22, s24, $0xb8;
	[tilespmem:$0x19880] =	vst v63  }
0xc9: {  	s22 =	simm.s32 @!p6 $0x5  }
0xca: {  	_ =	swait.ge @!p6 [sflag:s22], $0x2000  }
0xcb: {  	[sflag:s22] =	ssyncset.done @!p6 $0x0  }
0xcc: {  	s23 =	sadd.s32 @!p6 s21, s14;
	[sflag:s22] =	ssyncadd.s32 @!p6 $0xFFFFE000;
	s22 =	simm.s32 @!p6 $0xB  }
0xcd: {  	s24 =	sadd.s32 $0xFFFFFFFB, s28;
	p4 =	sne.s32 @!p6 s23, $0xC2C00;
	_ =	swait.ge @!p6 [sflag:s22], $0x2000  }
0xce: {  	p5 =	por !p4, p6;
	p4 =	por p4, p6;
	[sflag:s22] =	ssyncset.done @!p6 $0x0  }
0xcf: {  	s23 =	simm.s32 @!p5 $0x11880;
	[sflag:s22] =	ssyncadd.s32 @!p6 $0xFFFFE000;
	s22 =	simm.s32 @!p5 $0x0  }
0xd0: {  	[hbm4b:s16+s22] =	stream.linear.scatter @!p5 [tilespmem:s23], [sflag:$0x11], $0x4000, $0x38;
	[tilespmem:$0x19880] =	vst v63  }
0xd1: {  	p6 =	sge.u32 s24, s3;
	s22 =	simm.s32 @!p4 $0x0;
	s23 =	simm.s32 @!p4 $0x11880  }
0xd2: {  	[hbm4b:s9+s22] =	stream.linear.scatter @!p4 [tilespmem:s23], [sflag:$0x11], $0x2000, $0x38;
	[tilespmem:$0x19880] =	vst v63  }
0xd3: {  	s22 =	simm.s32 @!p6 $0x11  }
0xd4: {  	p4 =	sge.u32 @!p6 s28, s3;
	_ =	swait.ge @!p6 [sflag:s22], $0x4000  }
0xd5: {  	p4 =	por p4, p6;
	[sflag:s22] =	ssyncset.done @!p6 $0x0  }
0xd6: {  	[sflag:s22] =	ssyncadd.s32 @!p6 $0xFFFFC000;
	s22 =	sshra.s32 @!p4 s21, $0x2  }
0xd7: {  	s24 =	simm.s32 @!p4 $0x40;
	s25 =	simm.s32 @!p4 $0x11880;
	s23 =	sadd.s32 @!p4 $0x500, s22  }
0xd8: {  	[tilespmem:s25], [sflag:$0x5] =	stream.indirect.gather @!p4 [hbm4b:s1+s24], $0x80, s23, s24, $0xb8;
	[tilespmem:$0x19880] =	vst v63  }
0xd9: {  	s22 =	sadd.s32 @!p4 $0x540, s22;
	s23 =	simm.s32 @!p4 $0x13880  }
0xda: {  	[tilespmem:s23], [sflag:$0xB] =	stream.indirect.gather @!p4 [hbm4b:s1+s24], $0x80, s22, s24, $0xb8;
	[tilespmem:$0x19880] =	vst v63  }
0xdb: {  	s22 =	simm.s32 @!p6 $0x6  }
0xdc: {  	_ =	swait.ge @!p6 [sflag:s22], $0x2000  }
0xdd: {  	[sflag:s22] =	ssyncset.done @!p6 $0x0  }
0xde: {  	s23 =	sadd.s32 @!p6 s21, s14;
	[sflag:s22] =	ssyncadd.s32 @!p6 $0xFFFFE000;
	s22 =	simm.s32 @!p6 $0xC  }
0xdf: {  	s21 =	sadd.s32 $0xC00, s21;
	p4 =	sne.s32 @!p6 s23, $0xC2A00;
	_ =	swait.ge @!p6 [sflag:s22], $0x2000  }
0xe0: {  	p5 =	por !p4, p6;
	p4 =	por p4, p6;
	[sflag:s22] =	ssyncset.done @!p6 $0x0  }
0xe1: {  	s23 =	simm.s32 @!p5 $0x15880;
	[sflag:s22] =	ssyncadd.s32 @!p6 $0xFFFFE000;
	s22 =	simm.s32 @!p5 $0x0  }
0xe2: {  	[hbm4b:s15+s22] =	stream.linear.scatter @!p5 [tilespmem:s23], [sflag:$0x12], $0x4000, $0x38;
	[tilespmem:$0x19880] =	vst v63  }
0xe3: {  	s25 =	rddreg [dreg:$0x5];
	s22 =	simm.s32 @!p4 $0x0;
	s23 =	simm.s32 @!p4 $0x15880  }
0xe4: {  	[hbm4b:s9+s22] =	stream.linear.scatter @!p4 [tilespmem:s23], [sflag:$0x12], $0x2000, $0x38;
	[tilespmem:$0x19880] =	vst v63  }
0xe5: {  	p4 =	sne.s32 s25, s21  }
.Ltmp2:
0xe6: {  	_ = 	snop;
	(pc) =	sbr.rel @p4 .LBB2_2-.Ltmp2, $4  }
0xe7: {  	_ = 	snop  }
0xe8: {  	s12 =	sadd.s32 $0x3000, s12  }
0xe9: {  	s13 =	sadd.s32 $0x3000, s13;
	s18 =	sadd.s32 $0x3000, s18;
	s17 =	sadd.s32 $0x3000, s17  }
0xea: {  	s16 =	sadd.s32 $0x3000, s16;
	s28 =	sadd.s32 $0x6, s28;
	s15 =	sadd.s32 $0x3000, s15  }
0xeb: {  	s12 =	sld [smem:$0x7FC];
	_ =	sdelay $0x2  }
0xec: {  	p0 =	seq.s32 s12, $0x1  }
.Ltmp3:
0xed: {  	_ = 	snop;
	(pc) =	sbr.rel @p0 .LBB2_5-.Ltmp3, $1  }
0xee: {  	_ =	sdelay $0x3  }
0xef: {  	s12 =	sld [smem:$0x7F5];
	_ =	sdelay $0x2  }
0xf0: {  	p0 =	seq.s32 s12, $0x1  }
0xf1: {  	s12 =	simm.s32 @!p0 $0xD  }
0xf2: {  	_ =	swait.ge @!p0 [sflag:s12], $0x4000  }
0xf3: {  	s22 =	sld [smem:$0x7F6];
	_ =	sdelay $0x1  }
0xf4: {  	[sflag:s12] =	ssyncset.done @!p0 $0x0  }
0xf5: {  	[sflag:s12] =	ssyncadd.s32 @!p0 $0xFFFFC000;
	p0 =	seq.s32 s22, $0x1  }
0xf6: {  	s12 =	simm.s32 @!p0 $0xD  }
0xf7: {  	_ =	swait.ge @!p0 [sflag:s12], $0x2000  }
0xf8: {  	s23 =	sld [smem:$0x7F8];
	_ =	sdelay $0x1  }
0xf9: {  	[sflag:s12] =	ssyncset.done @!p0 $0x0  }
0xfa: {  	[sflag:s12] =	ssyncadd.s32 @!p0 $0xFFFFE000;
	p0 =	seq.s32 s23, $0x1  }
0xfb: {  	s12 =	simm.s32 @!p0 $0xE  }
0xfc: {  	_ =	swait.ge @!p0 [sflag:s12], $0x4000  }
0xfd: {  	s24 =	sld [smem:$0x7FA];
	_ =	sdelay $0x2  }
0xfe: {  	[sflag:s12] =	ssyncset.done @!p0 $0x0;
	p6 =	seq.s32 s24, $0x1  }
0xff: {  	[sflag:s12] =	ssyncadd.s32 @!p0 $0xFFFFC000;
	s12 =	simm.s32 @!p6 $0xE  }
0x100: {  	_ =	swait.ge @!p6 [sflag:s12], $0x2000  }
0x101: {  	s13 =	sld [smem:$0x7F9]  }
0x102: {  	s25 =	sld [smem:$0x7F7]  }
0x103: {  	s28 =	sld [smem:$0x7FB];
	_ =	sdelay $0x2  }
0x104: {  	p0 =	seq.s32 s13, $0x1;
	p5 =	seq.s32 s25, $0x1;
	p3 =	seq.s32 s28, $0x1  }
0x105: {  	p4 =	por @!p0 !p3, p5  }
0x106: {  	[sflag:s12] =	ssyncset.done @!p6 $0x0;
	p4 =	por p4, p0  }
0x107: {  	[sflag:s12] =	ssyncadd.s32 @!p6 $0xFFFFE000;
	s12 =	simm.s32 @!p4 $0xF  }
0x108: {  	p5 =	por @!p0 p3, p5;
	_ =	swait.ge @!p4 [sflag:s12], $0x4000  }
.Ltmp4:
0x109: {  	p5 =	por p5, p0;
	[sflag:s12] =	ssyncset.done @!p4 $0x0;
	(pc) =	sbr.rel .LBB2_6-.Ltmp4, $4  }
0x10a: {  	[sflag:s12] =	ssyncadd.s32 @!p4 $0xFFFFC000;
	s12 =	simm.s32 @!p5 $0xF  }
0x10b: {  	_ =	swait.ge @!p5 [sflag:s12], $0x2000  }
0x10c: {  	[sflag:s12] =	ssyncset.done @!p5 $0x0  }
0x10d: {  	[sflag:s12] =	ssyncadd.s32 @!p5 $0xFFFFE000  }
.LBB2_7:
0x10e: {  	_ =	sfence.sel $0x180000  }
0x10f: {  	[bflag:$0x0] =	sbarrier.arrive $0xFFFF  }
0x110: {  	_ =	strace $0x90000047  }
0x111: {  	s0 =	stileid.u32;
	[bflag:$0x2] =	sbarrier.arrive $0xFFFF  }
0x112: {  	p0 =	sne.s32 s0, $0x0;
	s0 =	rddreg [dreg:$0x3]  }
0x113: {  	s0 =	sadd.s32 @!p0 $0x100000, s0  }
0x114: {  	[sflag:s0] =	ssyncadd.tile.s32 @!p0 $0x1;
	_ =	shalt  }
.Lfunc_end2:
_tile_overlayer_lowered:
.L_overlay_start_2:
0x115: {  	(tag) =	ssettag $0x2  }
0x116: {  	s0 =	rddreg [dreg:$0x0];
	s2 =	stileid.u32  }
0x117: {  	s1 =	rddreg [dreg:$0x1];
	p0 =	sne.s32 s2, $0x0  }
0x118: {  	s3 =	rddreg [dreg:$0x2];
	[bflag:$0x3] =	sbarrier.arrive $0xFFFF;
	s2 =	simm.s32 @!p0 $0x1C13  }
0x119: {  	[timem:s3], [sflag:s2] =	dma.local @!p0 [hbm:s0], s1  }
0x11a: {  	s0 =	simm.s32 @!p0 $0x13  }
0x11b: {  	_ =	swait.ge @!p0 [sflag:s0], s1  }
0x11c: {  	s1 =	ssub.s32 @!p0 $0x0, s1;
	[sflag:s0] =	ssyncset.done @!p0 $0x0  }
0x11d: {  	[sflag:s0] =	ssyncadd.s32 @!p0 s1  }
0x11e: {  	[bflag:$0x3] =	sbarrier.arrive $0xFFFF  }
0x11f: {  	_ =	shalt  }

</sc_bundles>
